<compile_context>
chip_gen: v7x
topology: tpu7x:2x2x1
jax: 0.10.2.dev20260603
libtpu: 0.0.44.dev20260713+nightly
codegen_flags: <defaults>
</compile_context>

<pallas_src>
import functools
import math

import jax
import jax.numpy as jnp
from jax import lax
from jax.experimental import pallas as pl
from jax.experimental.pallas import tpu as pltpu
from jax.experimental.pallas import tpu_sc as plsc

D_MODEL = 128
SBLK = 128
LANES = 16


@functools.cache
def _make_gather(nrows: int, ncols: int, vocab: int, d: int,
                 nc: int, ns: int):
    n_total = nrows * ncols
    nw = nc * ns
    xrows_per_w = nrows // nw
    r_per_w = n_total // nw
    n_sg = r_per_w // SBLK
    mesh = plsc.VectorSubcoreMesh(core_axis_name="c", subcore_axis_name="s")

    NBUF = 7
    LOOKAHEAD = 5
    padded = ((n_sg + NBUF - 1) // NBUF) * NBUF

    @functools.partial(
        pl.kernel,
        out_type=jax.ShapeDtypeStruct((n_total, d), jnp.float32),
        mesh=mesh,
        scratch_types=[
            pltpu.VMEM((xrows_per_w, ncols), jnp.int32),
            pltpu.VMEM((r_per_w,), jnp.int32),
            pltpu.VMEM((NBUF, SBLK, d), jnp.float32),
            [pltpu.SemaphoreType.DMA] * NBUF,
            [pltpu.SemaphoreType.DMA] * NBUF,
        ],
    )
    def gather_kernel(idx_hbm, lut_hbm, out_hbm, idx2d_v, idx_v, rows_v,
                      gsem, wsem):
        cid = lax.axis_index("c")
        sid = lax.axis_index("s")
        wid = sid * nc + cid
        r_base = wid * r_per_w

        pltpu.sync_copy(idx_hbm.at[pl.ds(wid * xrows_per_w, xrows_per_w)],
                        idx2d_v)

        chunk_starts = list(range(0, ncols - LANES, LANES)) + [ncols - LANES]

        @pl.loop(0, xrows_per_w)
        def _flatten(r):
            base = r * ncols
            for c in chunk_starts:
                idx_v[pl.ds(base + c, LANES)] = idx2d_v[r, pl.ds(c, LANES)]

        scale = jnp.float32(math.sqrt(d))
        vecs_per_row = d // LANES

        def fire_gather(sg, slot):
            pltpu.async_copy(
                lut_hbm.at[idx_v.at[pl.ds(sg * SBLK, SBLK)]],
                rows_v.at[slot], gsem[slot])

        def out_copy(sg, slot, sem):
            return pltpu.make_async_copy(
                rows_v.at[slot],
                out_hbm.at[pl.ds(r_base + sg * SBLK, SBLK)], sem)

        for sg in range(LOOKAHEAD):
            fire_gather(sg, sg % NBUF)

        @pl.loop(0, padded, step=NBUF)
        def _ring(j0):
            for b in range(NBUF):
                sg = j0 + b

                @pl.when(sg < n_sg)
                def _process():
                    pltpu.make_async_copy(
                        lut_hbm.at[idx_v.at[pl.ds(sg * SBLK, SBLK)]],
                        rows_v.at[b], gsem[b]).wait()

                    nslot = (b + LOOKAHEAD) % NBUF
                    sgn = sg + LOOKAHEAD
                    sgo = sg - (NBUF - LOOKAHEAD)

                    @pl.when(jnp.logical_and(sgo >= 0, sgn < n_sg))
                    def _drain_old_write():
                        out_copy(sgo, nslot, wsem[nslot]).wait()

                    @pl.when(sgn < n_sg)
                    def _refill():
                        fire_gather(sgn, nslot)

                    @pl.loop(0, SBLK)
                    def _row(r):
                        for k in range(vecs_per_row):
                            sl = pl.ds(k * LANES, LANES)
                            rows_v[b, r, sl] = rows_v[b, r, sl] * scale

                    out_copy(sg, b, wsem[b]).start()

        for k in range(NBUF):
            sg = n_sg - NBUF + k
            out_copy(sg, sg % NBUF, wsem[sg % NBUF]).wait()

    return gather_kernel


def kernel(x, lut):
    vocab, d = lut.shape
    nrows, ncols = x.shape
    info = plsc.get_sparse_core_info()
    nc, ns = info.num_cores, info.num_subcores
    nw = nc * ns
    assert nrows % nw == 0 and (nrows // nw * ncols) % SBLK == 0
    assert ncols >= LANES
    out = _make_gather(nrows, ncols, vocab, d, nc, ns)(
        x.astype(jnp.int32), lut)
    return out.reshape(x.shape + (d,))

# --- scband reference (transcript-rebuilt; emitter-appended) ---
"""Pipeline reference for scband-embeddings-2680059592946 (READ-ONLY COPY).

The authoritative reference and input builder live on the scoring server;
editing this copy changes nothing except your own understanding.
"""

import jax, jax.numpy as jnp
import numpy as np
import math

D_MODEL = 128
VOCAB = 100000

def setup_inputs(seed: int = 0) -> dict:
    key = jax.random.key(seed)
    k1, k2 = jax.random.split(key)
    x = jax.random.randint(k1, (1024, 200), 0, VOCAB, dtype=jnp.int64 if jax.config.read('jax_enable_x64') else jnp.int32)
    lut = jax.random.normal(k2, (VOCAB, D_MODEL), dtype=jnp.float32)
    return {"x": x, "lut": lut}

def reference(x, lut):
    embedds = jnp.take(lut, x, axis=0)
    return embedds * math.sqrt(D_MODEL)

if __name__ == "__main__":
    import jax
    _d = setup_inputs()
    print(jax.jit(kernel)(*tuple(_d.values())))

</pallas_src>

<mosaic_0001>
#map = affine_map<(d0, d1) -> (0, 0)>
module attributes {stable_mosaic.version = 14 : i64} {
  func.func @gather_kernel(%arg0: i32, %arg1: i32, %arg2: memref<1024x200xi32, #tpu.memory_space<hbm>>, %arg3: memref<100000x128xf32, #tpu.memory_space<hbm>>, %arg4: memref<204800x128xf32, #tpu.memory_space<hbm>>, %arg5: memref<32x200xi32, #tpu.memory_space<vmem>>, %arg6: memref<6400xi32, #tpu.memory_space<vmem>>, %arg7: memref<7x128x128xf32, #tpu.memory_space<vmem>>, %arg8: memref<!tpu.dma_semaphore, #tpu.memory_space<semaphore_mem>>, %arg9: memref<!tpu.dma_semaphore, #tpu.memory_space<semaphore_mem>>, %arg10: memref<!tpu.dma_semaphore, #tpu.memory_space<semaphore_mem>>, %arg11: memref<!tpu.dma_semaphore, #tpu.memory_space<semaphore_mem>>, %arg12: memref<!tpu.dma_semaphore, #tpu.memory_space<semaphore_mem>>, %arg13: memref<!tpu.dma_semaphore, #tpu.memory_space<semaphore_mem>>, %arg14: memref<!tpu.dma_semaphore, #tpu.memory_space<semaphore_mem>>, %arg15: memref<!tpu.dma_semaphore, #tpu.memory_space<semaphore_mem>>, %arg16: memref<!tpu.dma_semaphore, #tpu.memory_space<semaphore_mem>>, %arg17: memref<!tpu.dma_semaphore, #tpu.memory_space<semaphore_mem>>, %arg18: memref<!tpu.dma_semaphore, #tpu.memory_space<semaphore_mem>>, %arg19: memref<!tpu.dma_semaphore, #tpu.memory_space<semaphore_mem>>, %arg20: memref<!tpu.dma_semaphore, #tpu.memory_space<semaphore_mem>>, %arg21: memref<!tpu.dma_semaphore, #tpu.memory_space<semaphore_mem>>) attributes {dimension_semantics = [#tpu.dimension_semantics<core_parallel>, #tpu.dimension_semantics<subcore_parallel>], iteration_bounds = array<i64: 2, 16>, scalar_prefetch = 0 : i64, scratch_operands = 17 : i64, tpu.core_type = #tpu.core_type<sc_vector_subcore>, window_params = [{transform_indices = #map}, {transform_indices = #map}, {transform_indices = #map}]} {
    %mul3A = arith.constant 2 : i32
    %mul3A_0 = arith.muli %arg1, %mul3A : i32
    %add3A = arith.addi %mul3A_0, %arg0 : i32
    %mul3A_1 = arith.constant 6400 : i32
    %mul3A_2 = arith.muli %add3A, %mul3A_1 : i32
    %mul3A_3 = arith.constant 32 : i32
    %mul3A_4 = arith.muli %add3A, %mul3A_3 : i32
    "tpu.region"() ({
      %run_scoped3A = tpu.sem_alloc : memref<!tpu.dma_semaphore, #tpu.memory_space<semaphore_mem>>
      %dma_start3A_168 = arith.constant 0 : i32
      %dma_start3A_169 = tpu.memref_slice %arg2[%mul3A_4, %dma_start3A_168] : memref<1024x200xi32, #tpu.memory_space<hbm>> -> memref<32x200xi32, #tpu.memory_space<hbm>>
      %dma_start3A_170 = arith.constant 0 : i32
      %dma_start3A_171 = tpu.memref_slice %arg2[%mul3A_4, %dma_start3A_170] : memref<1024x200xi32, #tpu.memory_space<hbm>> -> memref<32x200xi32, #tpu.memory_space<hbm>>
      tpu.enqueue_dma source(%dma_start3A_171 : memref<32x200xi32, #tpu.memory_space<hbm>>) target(%arg5 : memref<32x200xi32, #tpu.memory_space<vmem>>) target_semaphore(%run_scoped3A : memref<!tpu.dma_semaphore, #tpu.memory_space<semaphore_mem>>)
      %dma_wait3A_172 = arith.constant 0 : i32
      %dma_wait3A_173 = tpu.memref_slice %arg2[%mul3A_4, %dma_wait3A_172] : memref<1024x200xi32, #tpu.memory_space<hbm>> -> memref<32x200xi32, #tpu.memory_space<hbm>>
      %dma_wait3A_174 = arith.constant 0 : i32
      %dma_wait3A_175 = tpu.memref_slice %arg2[%mul3A_4, %dma_wait3A_174] : memref<1024x200xi32, #tpu.memory_space<hbm>> -> memref<32x200xi32, #tpu.memory_space<hbm>>
      tpu.wait_dma2 semaphore(%run_scoped3A : memref<!tpu.dma_semaphore, #tpu.memory_space<semaphore_mem>>) src(%dma_wait3A_175 : memref<32x200xi32, #tpu.memory_space<hbm>>) dst(%arg5 : memref<32x200xi32, #tpu.memory_space<vmem>>)
      tpu.yield
    }) : () -> ()
    %scan3A = arith.constant 0 : i32
    %scan3A_5 = arith.constant 32 : i32
    %scan3A_6 = arith.addi %scan3A, %scan3A_5 : i32
    %scan3A_7 = arith.constant 1 : i32
    scf.for %scan3A_168 = %scan3A to %scan3A_6 step %scan3A_7  : i32 {
      %mul3A_169 = arith.constant 1 : i32
      %mul3A_170 = arith.muli %scan3A_168, %mul3A_169 : i32
      %add3A_171 = arith.constant 0 : i32
      %add3A_172 = arith.addi %add3A_171, %mul3A_170 : i32
      %mul3A_173 = arith.constant 200 : i32
      %mul3A_174 = arith.muli %add3A_172, %mul3A_173 : i32
      %get3A = arith.index_cast %add3A_172 : i32 to index
      %get3A_175 = arith.constant 0 : index
      %get3A_176 = tpu.vector_load %arg5[%get3A, %get3A_175] {strides = array<i32>} : memref<32x200xi32, #tpu.memory_space<vmem>>, vector<1x16xi32>,
      %get3A_177 = vector.shape_cast %get3A_176 : vector<1x16xi32> to vector<16xi32>
      %add3A_178 = arith.constant 0 : i32
      %add3A_179 = arith.addi %mul3A_174, %add3A_178 : i32
      %swap3A = arith.index_cast %add3A_179 : i32 to index
      %swap3A_180 = tpu.vector_load %arg6[%swap3A] {strides = array<i32>} : memref<6400xi32, #tpu.memory_space<vmem>>, vector<16xi32>,
      %swap3A_181 = vector.shape_cast %swap3A_180 : vector<16xi32> to vector<16xi32>
      %swap3A_182 = vector.shape_cast %get3A_177 : vector<16xi32> to vector<16xi32>
      tpu.vector_store %arg6[%swap3A], %swap3A_182 {strides = array<i32>} : memref<6400xi32, #tpu.memory_space<vmem>>, vector<16xi32>,
      %get3A_183 = arith.index_cast %add3A_172 : i32 to index
      %get3A_184 = arith.constant 16 : index
      %get3A_185 = tpu.vector_load %arg5[%get3A_183, %get3A_184] {strides = array<i32>} : memref<32x200xi32, #tpu.memory_space<vmem>>, vector<1x16xi32>,
      %get3A_186 = vector.shape_cast %get3A_185 : vector<1x16xi32> to vector<16xi32>
      %add3A_187 = arith.constant 16 : i32
      %add3A_188 = arith.addi %mul3A_174, %add3A_187 : i32
      %swap3A_189 = arith.index_cast %add3A_188 : i32 to index
      %swap3A_190 = tpu.vector_load %arg6[%swap3A_189] {strides = array<i32>} : memref<6400xi32, #tpu.memory_space<vmem>>, vector<16xi32>,
      %swap3A_191 = vector.shape_cast %swap3A_190 : vector<16xi32> to vector<16xi32>
      %swap3A_192 = vector.shape_cast %get3A_186 : vector<16xi32> to vector<16xi32>
      tpu.vector_store %arg6[%swap3A_189], %swap3A_192 {strides = array<i32>} : memref<6400xi32, #tpu.memory_space<vmem>>, vector<16xi32>,
      %get3A_193 = arith.index_cast %add3A_172 : i32 to index
      %get3A_194 = arith.constant 32 : index
      %get3A_195 = tpu.vector_load %arg5[%get3A_193, %get3A_194] {strides = array<i32>} : memref<32x200xi32, #tpu.memory_space<vmem>>, vector<1x16xi32>,
      %get3A_196 = vector.shape_cast %get3A_195 : vector<1x16xi32> to vector<16xi32>
      %add3A_197 = arith.constant 32 : i32
      %add3A_198 = arith.addi %mul3A_174, %add3A_197 : i32
      %swap3A_199 = arith.index_cast %add3A_198 : i32 to index
      %swap3A_200 = tpu.vector_load %arg6[%swap3A_199] {strides = array<i32>} : memref<6400xi32, #tpu.memory_space<vmem>>, vector<16xi32>,
      %swap3A_201 = vector.shape_cast %swap3A_200 : vector<16xi32> to vector<16xi32>
      %swap3A_202 = vector.shape_cast %get3A_196 : vector<16xi32> to vector<16xi32>
      tpu.vector_store %arg6[%swap3A_199], %swap3A_202 {strides = array<i32>} : memref<6400xi32, #tpu.memory_space<vmem>>, vector<16xi32>,
      %get3A_203 = arith.index_cast %add3A_172 : i32 to index
      %get3A_204 = arith.constant 48 : index
      %get3A_205 = tpu.vector_load %arg5[%get3A_203, %get3A_204] {strides = array<i32>} : memref<32x200xi32, #tpu.memory_space<vmem>>, vector<1x16xi32>,
      %get3A_206 = vector.shape_cast %get3A_205 : vector<1x16xi32> to vector<16xi32>
      %add3A_207 = arith.constant 48 : i32
      %add3A_208 = arith.addi %mul3A_174, %add3A_207 : i32
      %swap3A_209 = arith.index_cast %add3A_208 : i32 to index
      %swap3A_210 = tpu.vector_load %arg6[%swap3A_209] {strides = array<i32>} : memref<6400xi32, #tpu.memory_space<vmem>>, vector<16xi32>,
      %swap3A_211 = vector.shape_cast %swap3A_210 : vector<16xi32> to vector<16xi32>
      %swap3A_212 = vector.shape_cast %get3A_206 : vector<16xi32> to vector<16xi32>
      tpu.vector_store %arg6[%swap3A_209], %swap3A_212 {strides = array<i32>} : memref<6400xi32, #tpu.memory_space<vmem>>, vector<16xi32>,
      %get3A_213 = arith.index_cast %add3A_172 : i32 to index
      %get3A_214 = arith.constant 64 : index
      %get3A_215 = tpu.vector_load %arg5[%get3A_213, %get3A_214] {strides = array<i32>} : memref<32x200xi32, #tpu.memory_space<vmem>>, vector<1x16xi32>,
      %get3A_216 = vector.shape_cast %get3A_215 : vector<1x16xi32> to vector<16xi32>
      %add3A_217 = arith.constant 64 : i32
      %add3A_218 = arith.addi %mul3A_174, %add3A_217 : i32
      %swap3A_219 = arith.index_cast %add3A_218 : i32 to index
      %swap3A_220 = tpu.vector_load %arg6[%swap3A_219] {strides = array<i32>} : memref<6400xi32, #tpu.memory_space<vmem>>, vector<16xi32>,
      %swap3A_221 = vector.shape_cast %swap3A_220 : vector<16xi32> to vector<16xi32>
      %swap3A_222 = vector.shape_cast %get3A_216 : vector<16xi32> to vector<16xi32>
      tpu.vector_store %arg6[%swap3A_219], %swap3A_222 {strides = array<i32>} : memref<6400xi32, #tpu.memory_space<vmem>>, vector<16xi32>,
      %get3A_223 = arith.index_cast %add3A_172 : i32 to index
      %get3A_224 = arith.constant 80 : index
      %get3A_225 = tpu.vector_load %arg5[%get3A_223, %get3A_224] {strides = array<i32>} : memref<32x200xi32, #tpu.memory_space<vmem>>, vector<1x16xi32>,
      %get3A_226 = vector.shape_cast %get3A_225 : vector<1x16xi32> to vector<16xi32>
      %add3A_227 = arith.constant 80 : i32
      %add3A_228 = arith.addi %mul3A_174, %add3A_227 : i32
      %swap3A_229 = arith.index_cast %add3A_228 : i32 to index
      %swap3A_230 = tpu.vector_load %arg6[%swap3A_229] {strides = array<i32>} : memref<6400xi32, #tpu.memory_space<vmem>>, vector<16xi32>,
      %swap3A_231 = vector.shape_cast %swap3A_230 : vector<16xi32> to vector<16xi32>
      %swap3A_232 = vector.shape_cast %get3A_226 : vector<16xi32> to vector<16xi32>
      tpu.vector_store %arg6[%swap3A_229], %swap3A_232 {strides = array<i32>} : memref<6400xi32, #tpu.memory_space<vmem>>, vector<16xi32>,
      %get3A_233 = arith.index_cast %add3A_172 : i32 to index
      %get3A_234 = arith.constant 96 : index
      %get3A_235 = tpu.vector_load %arg5[%get3A_233, %get3A_234] {strides = array<i32>} : memref<32x200xi32, #tpu.memory_space<vmem>>, vector<1x16xi32>,
      %get3A_236 = vector.shape_cast %get3A_235 : vector<1x16xi32> to vector<16xi32>
      %add3A_237 = arith.constant 96 : i32
      %add3A_238 = arith.addi %mul3A_174, %add3A_237 : i32
      %swap3A_239 = arith.index_cast %add3A_238 : i32 to index
      %swap3A_240 = tpu.vector_load %arg6[%swap3A_239] {strides = array<i32>} : memref<6400xi32, #tpu.memory_space<vmem>>, vector<16xi32>,
      %swap3A_241 = vector.shape_cast %swap3A_240 : vector<16xi32> to vector<16xi32>
      %swap3A_242 = vector.shape_cast %get3A_236 : vector<16xi32> to vector<16xi32>
      tpu.vector_store %arg6[%swap3A_239], %swap3A_242 {strides = array<i32>} : memref<6400xi32, #tpu.memory_space<vmem>>, vector<16xi32>,
      %get3A_243 = arith.index_cast %add3A_172 : i32 to index
      %get3A_244 = arith.constant 112 : index
      %get3A_245 = tpu.vector_load %arg5[%get3A_243, %get3A_244] {strides = array<i32>} : memref<32x200xi32, #tpu.memory_space<vmem>>, vector<1x16xi32>,
      %get3A_246 = vector.shape_cast %get3A_245 : vector<1x16xi32> to vector<16xi32>
      %add3A_247 = arith.constant 112 : i32
      %add3A_248 = arith.addi %mul3A_174, %add3A_247 : i32
      %swap3A_249 = arith.index_cast %add3A_248 : i32 to index
      %swap3A_250 = tpu.vector_load %arg6[%swap3A_249] {strides = array<i32>} : memref<6400xi32, #tpu.memory_space<vmem>>, vector<16xi32>,
      %swap3A_251 = vector.shape_cast %swap3A_250 : vector<16xi32> to vector<16xi32>
      %swap3A_252 = vector.shape_cast %get3A_246 : vector<16xi32> to vector<16xi32>
      tpu.vector_store %arg6[%swap3A_249], %swap3A_252 {strides = array<i32>} : memref<6400xi32, #tpu.memory_space<vmem>>, vector<16xi32>,
      %get3A_253 = arith.index_cast %add3A_172 : i32 to index
      %get3A_254 = arith.constant 128 : index
      %get3A_255 = tpu.vector_load %arg5[%get3A_253, %get3A_254] {strides = array<i32>} : memref<32x200xi32, #tpu.memory_space<vmem>>, vector<1x16xi32>,
      %get3A_256 = vector.shape_cast %get3A_255 : vector<1x16xi32> to vector<16xi32>
      %add3A_257 = arith.constant 128 : i32
      %add3A_258 = arith.addi %mul3A_174, %add3A_257 : i32
      %swap3A_259 = arith.index_cast %add3A_258 : i32 to index
      %swap3A_260 = tpu.vector_load %arg6[%swap3A_259] {strides = array<i32>} : memref<6400xi32, #tpu.memory_space<vmem>>, vector<16xi32>,
      %swap3A_261 = vector.shape_cast %swap3A_260 : vector<16xi32> to vector<16xi32>
      %swap3A_262 = vector.shape_cast %get3A_256 : vector<16xi32> to vector<16xi32>
      tpu.vector_store %arg6[%swap3A_259], %swap3A_262 {strides = array<i32>} : memref<6400xi32, #tpu.memory_space<vmem>>, vector<16xi32>,
      %get3A_263 = arith.index_cast %add3A_172 : i32 to index
      %get3A_264 = arith.constant 144 : index
      %get3A_265 = tpu.vector_load %arg5[%get3A_263, %get3A_264] {strides = array<i32>} : memref<32x200xi32, #tpu.memory_space<vmem>>, vector<1x16xi32>,
      %get3A_266 = vector.shape_cast %get3A_265 : vector<1x16xi32> to vector<16xi32>
      %add3A_267 = arith.constant 144 : i32
      %add3A_268 = arith.addi %mul3A_174, %add3A_267 : i32
      %swap3A_269 = arith.index_cast %add3A_268 : i32 to index
      %swap3A_270 = tpu.vector_load %arg6[%swap3A_269] {strides = array<i32>} : memref<6400xi32, #tpu.memory_space<vmem>>, vector<16xi32>,
      %swap3A_271 = vector.shape_cast %swap3A_270 : vector<16xi32> to vector<16xi32>
      %swap3A_272 = vector.shape_cast %get3A_266 : vector<16xi32> to vector<16xi32>
      tpu.vector_store %arg6[%swap3A_269], %swap3A_272 {strides = array<i32>} : memref<6400xi32, #tpu.memory_space<vmem>>, vector<16xi32>,
      %get3A_273 = arith.index_cast %add3A_172 : i32 to index
      %get3A_274 = arith.constant 160 : index
      %get3A_275 = tpu.vector_load %arg5[%get3A_273, %get3A_274] {strides = array<i32>} : memref<32x200xi32, #tpu.memory_space<vmem>>, vector<1x16xi32>,
      %get3A_276 = vector.shape_cast %get3A_275 : vector<1x16xi32> to vector<16xi32>
      %add3A_277 = arith.constant 160 : i32
      %add3A_278 = arith.addi %mul3A_174, %add3A_277 : i32
      %swap3A_279 = arith.index_cast %add3A_278 : i32 to index
      %swap3A_280 = tpu.vector_load %arg6[%swap3A_279] {strides = array<i32>} : memref<6400xi32, #tpu.memory_space<vmem>>, vector<16xi32>,
      %swap3A_281 = vector.shape_cast %swap3A_280 : vector<16xi32> to vector<16xi32>
      %swap3A_282 = vector.shape_cast %get3A_276 : vector<16xi32> to vector<16xi32>
      tpu.vector_store %arg6[%swap3A_279], %swap3A_282 {strides = array<i32>} : memref<6400xi32, #tpu.memory_space<vmem>>, vector<16xi32>,
      %get3A_283 = arith.index_cast %add3A_172 : i32 to index
      %get3A_284 = arith.constant 176 : index
      %get3A_285 = tpu.vector_load %arg5[%get3A_283, %get3A_284] {strides = array<i32>} : memref<32x200xi32, #tpu.memory_space<vmem>>, vector<1x16xi32>,
      %get3A_286 = vector.shape_cast %get3A_285 : vector<1x16xi32> to vector<16xi32>
      %add3A_287 = arith.constant 176 : i32
      %add3A_288 = arith.addi %mul3A_174, %add3A_287 : i32
      %swap3A_289 = arith.index_cast %add3A_288 : i32 to index
      %swap3A_290 = tpu.vector_load %arg6[%swap3A_289] {strides = array<i32>} : memref<6400xi32, #tpu.memory_space<vmem>>, vector<16xi32>,
      %swap3A_291 = vector.shape_cast %swap3A_290 : vector<16xi32> to vector<16xi32>
      %swap3A_292 = vector.shape_cast %get3A_286 : vector<16xi32> to vector<16xi32>
      tpu.vector_store %arg6[%swap3A_289], %swap3A_292 {strides = array<i32>} : memref<6400xi32, #tpu.memory_space<vmem>>, vector<16xi32>,
      %get3A_293 = arith.index_cast %add3A_172 : i32 to index
      %get3A_294 = arith.constant 184 : index
      %get3A_295 = tpu.vector_load %arg5[%get3A_293, %get3A_294] {strides = array<i32>} : memref<32x200xi32, #tpu.memory_space<vmem>>, vector<1x16xi32>,
      %get3A_296 = vector.shape_cast %get3A_295 : vector<1x16xi32> to vector<16xi32>
      %add3A_297 = arith.constant 184 : i32
      %add3A_298 = arith.addi %mul3A_174, %add3A_297 : i32
      %swap3A_299 = arith.index_cast %add3A_298 : i32 to index
      %swap3A_300 = tpu.vector_load %arg6[%swap3A_299] {strides = array<i32>} : memref<6400xi32, #tpu.memory_space<vmem>>, vector<16xi32>,
      %swap3A_301 = vector.shape_cast %swap3A_300 : vector<16xi32> to vector<16xi32>
      %swap3A_302 = vector.shape_cast %get3A_296 : vector<16xi32> to vector<16xi32>
      tpu.vector_store %arg6[%swap3A_299], %swap3A_302 {strides = array<i32>} : memref<6400xi32, #tpu.memory_space<vmem>>, vector<16xi32>,
    }
    %scan3A_8 = arith.constant 32 : i32
    %dma_start3A = arith.constant 0 : i32
    %dma_start3A_9 = arith.constant 0 : i32
    %dma_start3A_10 = arith.constant 0 : i32
    %dma_start3A_11 = tpu.memref_slice %arg7[%dma_start3A, %dma_start3A_9, %dma_start3A_10] : memref<7x128x128xf32, #tpu.memory_space<vmem>> -> memref<1x128x128xf32, #tpu.memory_space<vmem>>
    %dma_start3A_12 = tpu.memref_squeeze %dma_start3A_11 : memref<1x128x128xf32, #tpu.memory_space<vmem>> -> memref<128x128xf32, #tpu.memory_space<vmem>>
    %dma_start3A_13 = arith.constant 0 : i32
    %dma_start3A_14 = tpu.memref_slice %arg6[%dma_start3A_13] : memref<6400xi32, #tpu.memory_space<vmem>> -> memref<128xi32, #tpu.memory_space<vmem>>
    %dma_start3A_15 = arith.constant 0 : i32
    %dma_start3A_16 = arith.constant 0 : i32
    %dma_start3A_17 = tpu.memref_slice %arg3[%dma_start3A_15, %dma_start3A_16] : memref<100000x128xf32, #tpu.memory_space<hbm>> -> memref<100000x128xf32, #tpu.memory_space<hbm>>
    tpu.enqueue_indirect_dma source(%dma_start3A_17 : memref<100000x128xf32, #tpu.memory_space<hbm>>) target(%dma_start3A_12 : memref<128x128xf32, #tpu.memory_space<vmem>>) offsets(%dma_start3A_14 : memref<128xi32, #tpu.memory_space<vmem>>) semaphore(%arg8 : memref<!tpu.dma_semaphore, #tpu.memory_space<semaphore_mem>>)
    %dma_start3A_18 = arith.constant 1 : i32
    %dma_start3A_19 = arith.constant 0 : i32
    %dma_start3A_20 = arith.constant 0 : i32
    %dma_start3A_21 = tpu.memref_slice %arg7[%dma_start3A_18, %dma_start3A_19, %dma_start3A_20] : memref<7x128x128xf32, #tpu.memory_space<vmem>> -> memref<1x128x128xf32, #tpu.memory_space<vmem>>
    %dma_start3A_22 = tpu.memref_squeeze %dma_start3A_21 : memref<1x128x128xf32, #tpu.memory_space<vmem>> -> memref<128x128xf32, #tpu.memory_space<vmem>>
    %dma_start3A_23 = arith.constant 128 : i32
    %dma_start3A_24 = tpu.memref_slice %arg6[%dma_start3A_23] : memref<6400xi32, #tpu.memory_space<vmem>> -> memref<128xi32, #tpu.memory_space<vmem>>
    %dma_start3A_25 = arith.constant 0 : i32
    %dma_start3A_26 = arith.constant 0 : i32
    %dma_start3A_27 = tpu.memref_slice %arg3[%dma_start3A_25, %dma_start3A_26] : memref<100000x128xf32, #tpu.memory_space<hbm>> -> memref<100000x128xf32, #tpu.memory_space<hbm>>
    tpu.enqueue_indirect_dma source(%dma_start3A_27 : memref<100000x128xf32, #tpu.memory_space<hbm>>) target(%dma_start3A_22 : memref<128x128xf32, #tpu.memory_space<vmem>>) offsets(%dma_start3A_24 : memref<128xi32, #tpu.memory_space<vmem>>) semaphore(%arg9 : memref<!tpu.dma_semaphore, #tpu.memory_space<semaphore_mem>>)
    %dma_start3A_28 = arith.constant 2 : i32
    %dma_start3A_29 = arith.constant 0 : i32
    %dma_start3A_30 = arith.constant 0 : i32
    %dma_start3A_31 = tpu.memref_slice %arg7[%dma_start3A_28, %dma_start3A_29, %dma_start3A_30] : memref<7x128x128xf32, #tpu.memory_space<vmem>> -> memref<1x128x128xf32, #tpu.memory_space<vmem>>
    %dma_start3A_32 = tpu.memref_squeeze %dma_start3A_31 : memref<1x128x128xf32, #tpu.memory_space<vmem>> -> memref<128x128xf32, #tpu.memory_space<vmem>>
    %dma_start3A_33 = arith.constant 256 : i32
    %dma_start3A_34 = tpu.memref_slice %arg6[%dma_start3A_33] : memref<6400xi32, #tpu.memory_space<vmem>> -> memref<128xi32, #tpu.memory_space<vmem>>
    %dma_start3A_35 = arith.constant 0 : i32
    %dma_start3A_36 = arith.constant 0 : i32
    %dma_start3A_37 = tpu.memref_slice %arg3[%dma_start3A_35, %dma_start3A_36] : memref<100000x128xf32, #tpu.memory_space<hbm>> -> memref<100000x128xf32, #tpu.memory_space<hbm>>
    tpu.enqueue_indirect_dma source(%dma_start3A_37 : memref<100000x128xf32, #tpu.memory_space<hbm>>) target(%dma_start3A_32 : memref<128x128xf32, #tpu.memory_space<vmem>>) offsets(%dma_start3A_34 : memref<128xi32, #tpu.memory_space<vmem>>) semaphore(%arg10 : memref<!tpu.dma_semaphore, #tpu.memory_space<semaphore_mem>>)
    %dma_start3A_38 = arith.constant 3 : i32
    %dma_start3A_39 = arith.constant 0 : i32
    %dma_start3A_40 = arith.constant 0 : i32
    %dma_start3A_41 = tpu.memref_slice %arg7[%dma_start3A_38, %dma_start3A_39, %dma_start3A_40] : memref<7x128x128xf32, #tpu.memory_space<vmem>> -> memref<1x128x128xf32, #tpu.memory_space<vmem>>
    %dma_start3A_42 = tpu.memref_squeeze %dma_start3A_41 : memref<1x128x128xf32, #tpu.memory_space<vmem>> -> memref<128x128xf32, #tpu.memory_space<vmem>>
    %dma_start3A_43 = arith.constant 384 : i32
    %dma_start3A_44 = tpu.memref_slice %arg6[%dma_start3A_43] : memref<6400xi32, #tpu.memory_space<vmem>> -> memref<128xi32, #tpu.memory_space<vmem>>
    %dma_start3A_45 = arith.constant 0 : i32
    %dma_start3A_46 = arith.constant 0 : i32
    %dma_start3A_47 = tpu.memref_slice %arg3[%dma_start3A_45, %dma_start3A_46] : memref<100000x128xf32, #tpu.memory_space<hbm>> -> memref<100000x128xf32, #tpu.memory_space<hbm>>
    tpu.enqueue_indirect_dma source(%dma_start3A_47 : memref<100000x128xf32, #tpu.memory_space<hbm>>) target(%dma_start3A_42 : memref<128x128xf32, #tpu.memory_space<vmem>>) offsets(%dma_start3A_44 : memref<128xi32, #tpu.memory_space<vmem>>) semaphore(%arg11 : memref<!tpu.dma_semaphore, #tpu.memory_space<semaphore_mem>>)
    %dma_start3A_48 = arith.constant 4 : i32
    %dma_start3A_49 = arith.constant 0 : i32
    %dma_start3A_50 = arith.constant 0 : i32
    %dma_start3A_51 = tpu.memref_slice %arg7[%dma_start3A_48, %dma_start3A_49, %dma_start3A_50] : memref<7x128x128xf32, #tpu.memory_space<vmem>> -> memref<1x128x128xf32, #tpu.memory_space<vmem>>
    %dma_start3A_52 = tpu.memref_squeeze %dma_start3A_51 : memref<1x128x128xf32, #tpu.memory_space<vmem>> -> memref<128x128xf32, #tpu.memory_space<vmem>>
    %dma_start3A_53 = arith.constant 512 : i32
    %dma_start3A_54 = tpu.memref_slice %arg6[%dma_start3A_53] : memref<6400xi32, #tpu.memory_space<vmem>> -> memref<128xi32, #tpu.memory_space<vmem>>
    %dma_start3A_55 = arith.constant 0 : i32
    %dma_start3A_56 = arith.constant 0 : i32
    %dma_start3A_57 = tpu.memref_slice %arg3[%dma_start3A_55, %dma_start3A_56] : memref<100000x128xf32, #tpu.memory_space<hbm>> -> memref<100000x128xf32, #tpu.memory_space<hbm>>
    tpu.enqueue_indirect_dma source(%dma_start3A_57 : memref<100000x128xf32, #tpu.memory_space<hbm>>) target(%dma_start3A_52 : memref<128x128xf32, #tpu.memory_space<vmem>>) offsets(%dma_start3A_54 : memref<128xi32, #tpu.memory_space<vmem>>) semaphore(%arg12 : memref<!tpu.dma_semaphore, #tpu.memory_space<semaphore_mem>>)
    %scan3A_58 = arith.constant 11.3137083 : f32
    %scan3A_59 = arith.constant 0 : i32
    %scan3A_60 = arith.constant 8 : i32
    %scan3A_61 = arith.addi %scan3A_59, %scan3A_60 : i32
    %scan3A_62 = arith.constant 1 : i32
    scf.for %scan3A_168 = %scan3A_59 to %scan3A_61 step %scan3A_62  : i32 {
      %mul3A_169 = arith.constant 7 : i32
      %mul3A_170 = arith.muli %scan3A_168, %mul3A_169 : i32
      %add3A_171 = arith.constant 0 : i32
      %add3A_172 = arith.addi %add3A_171, %mul3A_170 : i32
      %add3A_173 = arith.constant 0 : i32
      %add3A_174 = arith.addi %add3A_172, %add3A_173 : i32
      %lt3A = arith.constant 50 : i32
      %lt3A_175 = arith.cmpi slt, %add3A_174, %lt3A : i32
      %convert_element_type3A = arith.extui %lt3A_175 : i1 to i32
      %cond3A = arith.constant 0 : i32
      %cond3A_176 = arith.cmpi ne, %convert_element_type3A, %cond3A : i32
      scf.if %cond3A_176 {
        %mul3A_219 = arith.constant 128 : i32
        %mul3A_220 = arith.muli %add3A_174, %mul3A_219 : i32
        %dma_wait3A_221 = arith.constant 0 : i32
        %dma_wait3A_222 = arith.constant 0 : i32
        %dma_wait3A_223 = arith.constant 0 : i32
        %dma_wait3A_224 = tpu.memref_slice %arg7[%dma_wait3A_221, %dma_wait3A_222, %dma_wait3A_223] : memref<7x128x128xf32, #tpu.memory_space<vmem>> -> memref<1x128x128xf32, #tpu.memory_space<vmem>>
        %dma_wait3A_225 = tpu.memref_squeeze %dma_wait3A_224 : memref<1x128x128xf32, #tpu.memory_space<vmem>> -> memref<128x128xf32, #tpu.memory_space<vmem>>
        %dma_wait3A_226 = tpu.memref_slice %arg6[%mul3A_220] : memref<6400xi32, #tpu.memory_space<vmem>> -> memref<128xi32, #tpu.memory_space<vmem>>
        %dma_wait3A_227 = arith.constant 0 : i32
        %dma_wait3A_228 = arith.constant 0 : i32
        %dma_wait3A_229 = tpu.memref_slice %arg3[%dma_wait3A_227, %dma_wait3A_228] : memref<100000x128xf32, #tpu.memory_space<hbm>> -> memref<100000x128xf32, #tpu.memory_space<hbm>>
        tpu.wait_indirect_dma semaphore(%arg8 : memref<!tpu.dma_semaphore, #tpu.memory_space<semaphore_mem>>) src(%dma_wait3A_229 : memref<100000x128xf32, #tpu.memory_space<hbm>>) dst(%dma_wait3A_225 : memref<128x128xf32, #tpu.memory_space<vmem>>)
        %add3A_230 = arith.constant 5 : i32
        %add3A_231 = arith.addi %add3A_174, %add3A_230 : i32
        %sub3A = arith.constant 2 : i32
        %sub3A_232 = arith.subi %add3A_174, %sub3A : i32
        %ge3A = arith.constant 0 : i32
        %ge3A_233 = arith.cmpi sge, %sub3A_232, %ge3A : i32
        %lt3A_234 = arith.constant 50 : i32
        %lt3A_235 = arith.cmpi slt, %add3A_231, %lt3A_234 : i32
        %and3A = arith.andi %ge3A_233, %lt3A_235 : i1
        %convert_element_type3A_236 = arith.extui %and3A : i1 to i32
        %cond3A_237 = arith.constant 0 : i32
        %cond3A_238 = arith.cmpi ne, %convert_element_type3A_236, %cond3A_237 : i32
        scf.if %cond3A_238 {
          %mul3A_265 = arith.constant 128 : i32
          %mul3A_266 = arith.muli %sub3A_232, %mul3A_265 : i32
          %add3A_267 = arith.addi %mul3A_2, %mul3A_266 : i32
          %dma_wait3A_268 = arith.constant 5 : i32
          %dma_wait3A_269 = arith.constant 0 : i32
          %dma_wait3A_270 = arith.constant 0 : i32
          %dma_wait3A_271 = tpu.memref_slice %arg7[%dma_wait3A_268, %dma_wait3A_269, %dma_wait3A_270] : memref<7x128x128xf32, #tpu.memory_space<vmem>> -> memref<1x128x128xf32, #tpu.memory_space<vmem>>
          %dma_wait3A_272 = tpu.memref_squeeze %dma_wait3A_271 : memref<1x128x128xf32, #tpu.memory_space<vmem>> -> memref<128x128xf32, #tpu.memory_space<vmem>>
          %dma_wait3A_273 = arith.constant 0 : i32
          %dma_wait3A_274 = tpu.memref_slice %arg4[%add3A_267, %dma_wait3A_273] : memref<204800x128xf32, #tpu.memory_space<hbm>> -> memref<128x128xf32, #tpu.memory_space<hbm>>
          %dma_wait3A_275 = arith.constant 0 : i32
          %dma_wait3A_276 = tpu.memref_slice %arg4[%add3A_267, %dma_wait3A_275] : memref<204800x128xf32, #tpu.memory_space<hbm>> -> memref<128x128xf32, #tpu.memory_space<hbm>>
          %dma_wait3A_277 = arith.constant 0 : i32
          %dma_wait3A_278 = arith.constant 0 : i32
          %dma_wait3A_279 = tpu.memref_slice %arg7[%dma_wait3A_268, %dma_wait3A_277, %dma_wait3A_278] : memref<7x128x128xf32, #tpu.memory_space<vmem>> -> memref<1x128x128xf32, #tpu.memory_space<vmem>>
          %dma_wait3A_280 = tpu.memref_squeeze %dma_wait3A_279 : memref<1x128x128xf32, #tpu.memory_space<vmem>> -> memref<128x128xf32, #tpu.memory_space<vmem>>
          tpu.wait_dma2 semaphore(%arg20 : memref<!tpu.dma_semaphore, #tpu.memory_space<semaphore_mem>>) src(%dma_wait3A_280 : memref<128x128xf32, #tpu.memory_space<vmem>>) dst(%dma_wait3A_276 : memref<128x128xf32, #tpu.memory_space<hbm>>)
        } else {
        }
        %lt3A_239 = arith.constant 50 : i32
        %lt3A_240 = arith.cmpi slt, %add3A_231, %lt3A_239 : i32
        %convert_element_type3A_241 = arith.extui %lt3A_240 : i1 to i32
        %cond3A_242 = arith.constant 0 : i32
        %cond3A_243 = arith.cmpi ne, %convert_element_type3A_241, %cond3A_242 : i32
        scf.if %cond3A_243 {
          %mul3A_265 = arith.constant 128 : i32
          %mul3A_266 = arith.muli %add3A_231, %mul3A_265 : i32
          %dma_start3A_267 = arith.constant 5 : i32
          %dma_start3A_268 = arith.constant 0 : i32
          %dma_start3A_269 = arith.constant 0 : i32
          %dma_start3A_270 = tpu.memref_slice %arg7[%dma_start3A_267, %dma_start3A_268, %dma_start3A_269] : memref<7x128x128xf32, #tpu.memory_space<vmem>> -> memref<1x128x128xf32, #tpu.memory_space<vmem>>
          %dma_start3A_271 = tpu.memref_squeeze %dma_start3A_270 : memref<1x128x128xf32, #tpu.memory_space<vmem>> -> memref<128x128xf32, #tpu.memory_space<vmem>>
          %dma_start3A_272 = tpu.memref_slice %arg6[%mul3A_266] : memref<6400xi32, #tpu.memory_space<vmem>> -> memref<128xi32, #tpu.memory_space<vmem>>
          %dma_start3A_273 = arith.constant 0 : i32
          %dma_start3A_274 = arith.constant 0 : i32
          %dma_start3A_275 = tpu.memref_slice %arg3[%dma_start3A_273, %dma_start3A_274] : memref<100000x128xf32, #tpu.memory_space<hbm>> -> memref<100000x128xf32, #tpu.memory_space<hbm>>
          tpu.enqueue_indirect_dma source(%dma_start3A_275 : memref<100000x128xf32, #tpu.memory_space<hbm>>) target(%dma_start3A_271 : memref<128x128xf32, #tpu.memory_space<vmem>>) offsets(%dma_start3A_272 : memref<128xi32, #tpu.memory_space<vmem>>) semaphore(%arg13 : memref<!tpu.dma_semaphore, #tpu.memory_space<semaphore_mem>>)
        } else {
        }
        %scan3A_244 = arith.constant 0 : i32
        %scan3A_245 = arith.constant 128 : i32
        %scan3A_246 = arith.addi %scan3A_244, %scan3A_245 : i32
        %scan3A_247 = arith.constant 1 : i32
        scf.for %scan3A_265 = %scan3A_244 to %scan3A_246 step %scan3A_247  : i32 {
          %mul3A_266 = arith.constant 1 : i32
          %mul3A_267 = arith.muli %scan3A_265, %mul3A_266 : i32
          %add3A_268 = arith.constant 0 : i32
          %add3A_269 = arith.addi %add3A_268, %mul3A_267 : i32
          %get3A = arith.constant 0 : i32
          %get3A_270 = arith.index_cast %get3A : i32 to index
          %get3A_271 = arith.index_cast %add3A_269 : i32 to index
          %get3A_272 = arith.constant 0 : index
          %get3A_273 = tpu.vector_load %arg7[%get3A_270, %get3A_271, %get3A_272] {strides = array<i32>} : memref<7x128x128xf32, #tpu.memory_space<vmem>>, vector<1x1x16xf32>,
          %get3A_274 = vector.shape_cast %get3A_273 : vector<1x1x16xf32> to vector<16xf32>
          %mul3A_275 = vector.broadcast %scan3A_58 : f32 to vector<16xf32>
          %mul3A_276 = arith.mulf %get3A_274, %mul3A_275 : vector<16xf32>
          %swap3A = arith.constant 0 : i32
          %swap3A_277 = arith.index_cast %swap3A : i32 to index
          %swap3A_278 = arith.index_cast %add3A_269 : i32 to index
          %swap3A_279 = arith.constant 0 : index
          %swap3A_280 = tpu.vector_load %arg7[%swap3A_277, %swap3A_278, %swap3A_279] {strides = array<i32>} : memref<7x128x128xf32, #tpu.memory_space<vmem>>, vector<1x1x16xf32>,
          %swap3A_281 = vector.shape_cast %swap3A_280 : vector<1x1x16xf32> to vector<16xf32>
          %swap3A_282 = vector.shape_cast %mul3A_276 : vector<16xf32> to vector<1x1x16xf32>
          tpu.vector_store %arg7[%swap3A_277, %swap3A_278, %swap3A_279], %swap3A_282 {strides = array<i32>} : memref<7x128x128xf32, #tpu.memory_space<vmem>>, vector<1x1x16xf32>,
          %get3A_283 = arith.constant 0 : i32
          %get3A_284 = arith.index_cast %get3A_283 : i32 to index
          %get3A_285 = arith.index_cast %add3A_269 : i32 to index
          %get3A_286 = arith.constant 16 : index
          %get3A_287 = tpu.vector_load %arg7[%get3A_284, %get3A_285, %get3A_286] {strides = array<i32>} : memref<7x128x128xf32, #tpu.memory_space<vmem>>, vector<1x1x16xf32>,
          %get3A_288 = vector.shape_cast %get3A_287 : vector<1x1x16xf32> to vector<16xf32>
          %mul3A_289 = vector.broadcast %scan3A_58 : f32 to vector<16xf32>
          %mul3A_290 = arith.mulf %get3A_288, %mul3A_289 : vector<16xf32>
          %swap3A_291 = arith.constant 0 : i32
          %swap3A_292 = arith.index_cast %swap3A_291 : i32 to index
          %swap3A_293 = arith.index_cast %add3A_269 : i32 to index
          %swap3A_294 = arith.constant 16 : index
          %swap3A_295 = tpu.vector_load %arg7[%swap3A_292, %swap3A_293, %swap3A_294] {strides = array<i32>} : memref<7x128x128xf32, #tpu.memory_space<vmem>>, vector<1x1x16xf32>,
          %swap3A_296 = vector.shape_cast %swap3A_295 : vector<1x1x16xf32> to vector<16xf32>
          %swap3A_297 = vector.shape_cast %mul3A_290 : vector<16xf32> to vector<1x1x16xf32>
          tpu.vector_store %arg7[%swap3A_292, %swap3A_293, %swap3A_294], %swap3A_297 {strides = array<i32>} : memref<7x128x128xf32, #tpu.memory_space<vmem>>, vector<1x1x16xf32>,
          %get3A_298 = arith.constant 0 : i32
          %get3A_299 = arith.index_cast %get3A_298 : i32 to index
          %get3A_300 = arith.index_cast %add3A_269 : i32 to index
          %get3A_301 = arith.constant 32 : index
          %get3A_302 = tpu.vector_load %arg7[%get3A_299, %get3A_300, %get3A_301] {strides = array<i32>} : memref<7x128x128xf32, #tpu.memory_space<vmem>>, vector<1x1x16xf32>,
          %get3A_303 = vector.shape_cast %get3A_302 : vector<1x1x16xf32> to vector<16xf32>
          %mul3A_304 = vector.broadcast %scan3A_58 : f32 to vector<16xf32>
          %mul3A_305 = arith.mulf %get3A_303, %mul3A_304 : vector<16xf32>
          %swap3A_306 = arith.constant 0 : i32
          %swap3A_307 = arith.index_cast %swap3A_306 : i32 to index
          %swap3A_308 = arith.index_cast %add3A_269 : i32 to index
          %swap3A_309 = arith.constant 32 : index
          %swap3A_310 = tpu.vector_load %arg7[%swap3A_307, %swap3A_308, %swap3A_309] {strides = array<i32>} : memref<7x128x128xf32, #tpu.memory_space<vmem>>, vector<1x1x16xf32>,
          %swap3A_311 = vector.shape_cast %swap3A_310 : vector<1x1x16xf32> to vector<16xf32>
          %swap3A_312 = vector.shape_cast %mul3A_305 : vector<16xf32> to vector<1x1x16xf32>
          tpu.vector_store %arg7[%swap3A_307, %swap3A_308, %swap3A_309], %swap3A_312 {strides = array<i32>} : memref<7x128x128xf32, #tpu.memory_space<vmem>>, vector<1x1x16xf32>,
          %get3A_313 = arith.constant 0 : i32
          %get3A_314 = arith.index_cast %get3A_313 : i32 to index
          %get3A_315 = arith.index_cast %add3A_269 : i32 to index
          %get3A_316 = arith.constant 48 : index
          %get3A_317 = tpu.vector_load %arg7[%get3A_314, %get3A_315, %get3A_316] {strides = array<i32>} : memref<7x128x128xf32, #tpu.memory_space<vmem>>, vector<1x1x16xf32>,
          %get3A_318 = vector.shape_cast %get3A_317 : vector<1x1x16xf32> to vector<16xf32>
          %mul3A_319 = vector.broadcast %scan3A_58 : f32 to vector<16xf32>
          %mul3A_320 = arith.mulf %get3A_318, %mul3A_319 : vector<16xf32>
          %swap3A_321 = arith.constant 0 : i32
          %swap3A_322 = arith.index_cast %swap3A_321 : i32 to index
          %swap3A_323 = arith.index_cast %add3A_269 : i32 to index
          %swap3A_324 = arith.constant 48 : index
          %swap3A_325 = tpu.vector_load %arg7[%swap3A_322, %swap3A_323, %swap3A_324] {strides = array<i32>} : memref<7x128x128xf32, #tpu.memory_space<vmem>>, vector<1x1x16xf32>,
          %swap3A_326 = vector.shape_cast %swap3A_325 : vector<1x1x16xf32> to vector<16xf32>
          %swap3A_327 = vector.shape_cast %mul3A_320 : vector<16xf32> to vector<1x1x16xf32>
          tpu.vector_store %arg7[%swap3A_322, %swap3A_323, %swap3A_324], %swap3A_327 {strides = array<i32>} : memref<7x128x128xf32, #tpu.memory_space<vmem>>, vector<1x1x16xf32>,
          %get3A_328 = arith.constant 0 : i32
          %get3A_329 = arith.index_cast %get3A_328 : i32 to index
          %get3A_330 = arith.index_cast %add3A_269 : i32 to index
          %get3A_331 = arith.constant 64 : index
          %get3A_332 = tpu.vector_load %arg7[%get3A_329, %get3A_330, %get3A_331] {strides = array<i32>} : memref<7x128x128xf32, #tpu.memory_space<vmem>>, vector<1x1x16xf32>,
          %get3A_333 = vector.shape_cast %get3A_332 : vector<1x1x16xf32> to vector<16xf32>
          %mul3A_334 = vector.broadcast %scan3A_58 : f32 to vector<16xf32>
          %mul3A_335 = arith.mulf %get3A_333, %mul3A_334 : vector<16xf32>
          %swap3A_336 = arith.constant 0 : i32
          %swap3A_337 = arith.index_cast %swap3A_336 : i32 to index
          %swap3A_338 = arith.index_cast %add3A_269 : i32 to index
          %swap3A_339 = arith.constant 64 : index
          %swap3A_340 = tpu.vector_load %arg7[%swap3A_337, %swap3A_338, %swap3A_339] {strides = array<i32>} : memref<7x128x128xf32, #tpu.memory_space<vmem>>, vector<1x1x16xf32>,
          %swap3A_341 = vector.shape_cast %swap3A_340 : vector<1x1x16xf32> to vector<16xf32>
          %swap3A_342 = vector.shape_cast %mul3A_335 : vector<16xf32> to vector<1x1x16xf32>
          tpu.vector_store %arg7[%swap3A_337, %swap3A_338, %swap3A_339], %swap3A_342 {strides = array<i32>} : memref<7x128x128xf32, #tpu.memory_space<vmem>>, vector<1x1x16xf32>,
          %get3A_343 = arith.constant 0 : i32
          %get3A_344 = arith.index_cast %get3A_343 : i32 to index
          %get3A_345 = arith.index_cast %add3A_269 : i32 to index
          %get3A_346 = arith.constant 80 : index
          %get3A_347 = tpu.vector_load %arg7[%get3A_344, %get3A_345, %get3A_346] {strides = array<i32>} : memref<7x128x128xf32, #tpu.memory_space<vmem>>, vector<1x1x16xf32>,
          %get3A_348 = vector.shape_cast %get3A_347 : vector<1x1x16xf32> to vector<16xf32>
          %mul3A_349 = vector.broadcast %scan3A_58 : f32 to vector<16xf32>
          %mul3A_350 = arith.mulf %get3A_348, %mul3A_349 : vector<16xf32>
          %swap3A_351 = arith.constant 0 : i32
          %swap3A_352 = arith.index_cast %swap3A_351 : i32 to index
          %swap3A_353 = arith.index_cast %add3A_269 : i32 to index
          %swap3A_354 = arith.constant 80 : index
          %swap3A_355 = tpu.vector_load %arg7[%swap3A_352, %swap3A_353, %swap3A_354] {strides = array<i32>} : memref<7x128x128xf32, #tpu.memory_space<vmem>>, vector<1x1x16xf32>,
          %swap3A_356 = vector.shape_cast %swap3A_355 : vector<1x1x16xf32> to vector<16xf32>
          %swap3A_357 = vector.shape_cast %mul3A_350 : vector<16xf32> to vector<1x1x16xf32>
          tpu.vector_store %arg7[%swap3A_352, %swap3A_353, %swap3A_354], %swap3A_357 {strides = array<i32>} : memref<7x128x128xf32, #tpu.memory_space<vmem>>, vector<1x1x16xf32>,
          %get3A_358 = arith.constant 0 : i32
          %get3A_359 = arith.index_cast %get3A_358 : i32 to index
          %get3A_360 = arith.index_cast %add3A_269 : i32 to index
          %get3A_361 = arith.constant 96 : index
          %get3A_362 = tpu.vector_load %arg7[%get3A_359, %get3A_360, %get3A_361] {strides = array<i32>} : memref<7x128x128xf32, #tpu.memory_space<vmem>>, vector<1x1x16xf32>,
          %get3A_363 = vector.shape_cast %get3A_362 : vector<1x1x16xf32> to vector<16xf32>
          %mul3A_364 = vector.broadcast %scan3A_58 : f32 to vector<16xf32>
          %mul3A_365 = arith.mulf %get3A_363, %mul3A_364 : vector<16xf32>
          %swap3A_366 = arith.constant 0 : i32
          %swap3A_367 = arith.index_cast %swap3A_366 : i32 to index
          %swap3A_368 = arith.index_cast %add3A_269 : i32 to index
          %swap3A_369 = arith.constant 96 : index
          %swap3A_370 = tpu.vector_load %arg7[%swap3A_367, %swap3A_368, %swap3A_369] {strides = array<i32>} : memref<7x128x128xf32, #tpu.memory_space<vmem>>, vector<1x1x16xf32>,
          %swap3A_371 = vector.shape_cast %swap3A_370 : vector<1x1x16xf32> to vector<16xf32>
          %swap3A_372 = vector.shape_cast %mul3A_365 : vector<16xf32> to vector<1x1x16xf32>
          tpu.vector_store %arg7[%swap3A_367, %swap3A_368, %swap3A_369], %swap3A_372 {strides = array<i32>} : memref<7x128x128xf32, #tpu.memory_space<vmem>>, vector<1x1x16xf32>,
          %get3A_373 = arith.constant 0 : i32
          %get3A_374 = arith.index_cast %get3A_373 : i32 to index
          %get3A_375 = arith.index_cast %add3A_269 : i32 to index
          %get3A_376 = arith.constant 112 : index
          %get3A_377 = tpu.vector_load %arg7[%get3A_374, %get3A_375, %get3A_376] {strides = array<i32>} : memref<7x128x128xf32, #tpu.memory_space<vmem>>, vector<1x1x16xf32>,
          %get3A_378 = vector.shape_cast %get3A_377 : vector<1x1x16xf32> to vector<16xf32>
          %mul3A_379 = vector.broadcast %scan3A_58 : f32 to vector<16xf32>
          %mul3A_380 = arith.mulf %get3A_378, %mul3A_379 : vector<16xf32>
          %swap3A_381 = arith.constant 0 : i32
          %swap3A_382 = arith.index_cast %swap3A_381 : i32 to index
          %swap3A_383 = arith.index_cast %add3A_269 : i32 to index
          %swap3A_384 = arith.constant 112 : index
          %swap3A_385 = tpu.vector_load %arg7[%swap3A_382, %swap3A_383, %swap3A_384] {strides = array<i32>} : memref<7x128x128xf32, #tpu.memory_space<vmem>>, vector<1x1x16xf32>,
          %swap3A_386 = vector.shape_cast %swap3A_385 : vector<1x1x16xf32> to vector<16xf32>
          %swap3A_387 = vector.shape_cast %mul3A_380 : vector<16xf32> to vector<1x1x16xf32>
          tpu.vector_store %arg7[%swap3A_382, %swap3A_383, %swap3A_384], %swap3A_387 {strides = array<i32>} : memref<7x128x128xf32, #tpu.memory_space<vmem>>, vector<1x1x16xf32>,
        }
        %scan3A_248 = arith.constant 128 : i32
        %mul3A_249 = arith.constant 128 : i32
        %mul3A_250 = arith.muli %add3A_174, %mul3A_249 : i32
        %add3A_251 = arith.addi %mul3A_2, %mul3A_250 : i32
        %dma_start3A_252 = arith.constant 0 : i32
        %dma_start3A_253 = arith.constant 0 : i32
        %dma_start3A_254 = arith.constant 0 : i32
        %dma_start3A_255 = tpu.memref_slice %arg7[%dma_start3A_252, %dma_start3A_253, %dma_start3A_254] : memref<7x128x128xf32, #tpu.memory_space<vmem>> -> memref<1x128x128xf32, #tpu.memory_space<vmem>>
        %dma_start3A_256 = tpu.memref_squeeze %dma_start3A_255 : memref<1x128x128xf32, #tpu.memory_space<vmem>> -> memref<128x128xf32, #tpu.memory_space<vmem>>
        %dma_start3A_257 = arith.constant 0 : i32
        %dma_start3A_258 = tpu.memref_slice %arg4[%add3A_251, %dma_start3A_257] : memref<204800x128xf32, #tpu.memory_space<hbm>> -> memref<128x128xf32, #tpu.memory_space<hbm>>
        %dma_start3A_259 = arith.constant 0 : i32
        %dma_start3A_260 = tpu.memref_slice %arg4[%add3A_251, %dma_start3A_259] : memref<204800x128xf32, #tpu.memory_space<hbm>> -> memref<128x128xf32, #tpu.memory_space<hbm>>
        %dma_start3A_261 = arith.constant 0 : i32
        %dma_start3A_262 = arith.constant 0 : i32
        %dma_start3A_263 = tpu.memref_slice %arg7[%dma_start3A_252, %dma_start3A_261, %dma_start3A_262] : memref<7x128x128xf32, #tpu.memory_space<vmem>> -> memref<1x128x128xf32, #tpu.memory_space<vmem>>
        %dma_start3A_264 = tpu.memref_squeeze %dma_start3A_263 : memref<1x128x128xf32, #tpu.memory_space<vmem>> -> memref<128x128xf32, #tpu.memory_space<vmem>>
        tpu.enqueue_dma source(%dma_start3A_264 : memref<128x128xf32, #tpu.memory_space<vmem>>) target(%dma_start3A_260 : memref<128x128xf32, #tpu.memory_space<hbm>>) target_semaphore(%arg15 : memref<!tpu.dma_semaphore, #tpu.memory_space<semaphore_mem>>)
      } else {
      }
      %add3A_177 = arith.constant 1 : i32
      %add3A_178 = arith.addi %add3A_172, %add3A_177 : i32
      %lt3A_179 = arith.constant 50 : i32
      %lt3A_180 = arith.cmpi slt, %add3A_178, %lt3A_179 : i32
      %convert_element_type3A_181 = arith.extui %lt3A_180 : i1 to i32
      %cond3A_182 = arith.constant 0 : i32
      %cond3A_183 = arith.cmpi ne, %convert_element_type3A_181, %cond3A_182 : i32
      scf.if %cond3A_183 {
        %mul3A_219 = arith.constant 128 : i32
        %mul3A_220 = arith.muli %add3A_178, %mul3A_219 : i32
        %dma_wait3A_221 = arith.constant 1 : i32
        %dma_wait3A_222 = arith.constant 0 : i32
        %dma_wait3A_223 = arith.constant 0 : i32
        %dma_wait3A_224 = tpu.memref_slice %arg7[%dma_wait3A_221, %dma_wait3A_222, %dma_wait3A_223] : memref<7x128x128xf32, #tpu.memory_space<vmem>> -> memref<1x128x128xf32, #tpu.memory_space<vmem>>
        %dma_wait3A_225 = tpu.memref_squeeze %dma_wait3A_224 : memref<1x128x128xf32, #tpu.memory_space<vmem>> -> memref<128x128xf32, #tpu.memory_space<vmem>>
        %dma_wait3A_226 = tpu.memref_slice %arg6[%mul3A_220] : memref<6400xi32, #tpu.memory_space<vmem>> -> memref<128xi32, #tpu.memory_space<vmem>>
        %dma_wait3A_227 = arith.constant 0 : i32
        %dma_wait3A_228 = arith.constant 0 : i32
        %dma_wait3A_229 = tpu.memref_slice %arg3[%dma_wait3A_227, %dma_wait3A_228] : memref<100000x128xf32, #tpu.memory_space<hbm>> -> memref<100000x128xf32, #tpu.memory_space<hbm>>
        tpu.wait_indirect_dma semaphore(%arg9 : memref<!tpu.dma_semaphore, #tpu.memory_space<semaphore_mem>>) src(%dma_wait3A_229 : memref<100000x128xf32, #tpu.memory_space<hbm>>) dst(%dma_wait3A_225 : memref<128x128xf32, #tpu.memory_space<vmem>>)
        %add3A_230 = arith.constant 5 : i32
        %add3A_231 = arith.addi %add3A_178, %add3A_230 : i32
        %sub3A = arith.constant 2 : i32
        %sub3A_232 = arith.subi %add3A_178, %sub3A : i32
        %ge3A = arith.constant 0 : i32
        %ge3A_233 = arith.cmpi sge, %sub3A_232, %ge3A : i32
        %lt3A_234 = arith.constant 50 : i32
        %lt3A_235 = arith.cmpi slt, %add3A_231, %lt3A_234 : i32
        %and3A = arith.andi %ge3A_233, %lt3A_235 : i1
        %convert_element_type3A_236 = arith.extui %and3A : i1 to i32
        %cond3A_237 = arith.constant 0 : i32
        %cond3A_238 = arith.cmpi ne, %convert_element_type3A_236, %cond3A_237 : i32
        scf.if %cond3A_238 {
          %mul3A_265 = arith.constant 128 : i32
          %mul3A_266 = arith.muli %sub3A_232, %mul3A_265 : i32
          %add3A_267 = arith.addi %mul3A_2, %mul3A_266 : i32
          %dma_wait3A_268 = arith.constant 6 : i32
          %dma_wait3A_269 = arith.constant 0 : i32
          %dma_wait3A_270 = arith.constant 0 : i32
          %dma_wait3A_271 = tpu.memref_slice %arg7[%dma_wait3A_268, %dma_wait3A_269, %dma_wait3A_270] : memref<7x128x128xf32, #tpu.memory_space<vmem>> -> memref<1x128x128xf32, #tpu.memory_space<vmem>>
          %dma_wait3A_272 = tpu.memref_squeeze %dma_wait3A_271 : memref<1x128x128xf32, #tpu.memory_space<vmem>> -> memref<128x128xf32, #tpu.memory_space<vmem>>
          %dma_wait3A_273 = arith.constant 0 : i32
          %dma_wait3A_274 = tpu.memref_slice %arg4[%add3A_267, %dma_wait3A_273] : memref<204800x128xf32, #tpu.memory_space<hbm>> -> memref<128x128xf32, #tpu.memory_space<hbm>>
          %dma_wait3A_275 = arith.constant 0 : i32
          %dma_wait3A_276 = tpu.memref_slice %arg4[%add3A_267, %dma_wait3A_275] : memref<204800x128xf32, #tpu.memory_space<hbm>> -> memref<128x128xf32, #tpu.memory_space<hbm>>
          %dma_wait3A_277 = arith.constant 0 : i32
          %dma_wait3A_278 = arith.constant 0 : i32
          %dma_wait3A_279 = tpu.memref_slice %arg7[%dma_wait3A_268, %dma_wait3A_277, %dma_wait3A_278] : memref<7x128x128xf32, #tpu.memory_space<vmem>> -> memref<1x128x128xf32, #tpu.memory_space<vmem>>
          %dma_wait3A_280 = tpu.memref_squeeze %dma_wait3A_279 : memref<1x128x128xf32, #tpu.memory_space<vmem>> -> memref<128x128xf32, #tpu.memory_space<vmem>>
          tpu.wait_dma2 semaphore(%arg21 : memref<!tpu.dma_semaphore, #tpu.memory_space<semaphore_mem>>) src(%dma_wait3A_280 : memref<128x128xf32, #tpu.memory_space<vmem>>) dst(%dma_wait3A_276 : memref<128x128xf32, #tpu.memory_space<hbm>>)
        } else {
        }
        %lt3A_239 = arith.constant 50 : i32
        %lt3A_240 = arith.cmpi slt, %add3A_231, %lt3A_239 : i32
        %convert_element_type3A_241 = arith.extui %lt3A_240 : i1 to i32
        %cond3A_242 = arith.constant 0 : i32
        %cond3A_243 = arith.cmpi ne, %convert_element_type3A_241, %cond3A_242 : i32
        scf.if %cond3A_243 {
          %mul3A_265 = arith.constant 128 : i32
          %mul3A_266 = arith.muli %add3A_231, %mul3A_265 : i32
          %dma_start3A_267 = arith.constant 6 : i32
          %dma_start3A_268 = arith.constant 0 : i32
          %dma_start3A_269 = arith.constant 0 : i32
          %dma_start3A_270 = tpu.memref_slice %arg7[%dma_start3A_267, %dma_start3A_268, %dma_start3A_269] : memref<7x128x128xf32, #tpu.memory_space<vmem>> -> memref<1x128x128xf32, #tpu.memory_space<vmem>>
          %dma_start3A_271 = tpu.memref_squeeze %dma_start3A_270 : memref<1x128x128xf32, #tpu.memory_space<vmem>> -> memref<128x128xf32, #tpu.memory_space<vmem>>
          %dma_start3A_272 = tpu.memref_slice %arg6[%mul3A_266] : memref<6400xi32, #tpu.memory_space<vmem>> -> memref<128xi32, #tpu.memory_space<vmem>>
          %dma_start3A_273 = arith.constant 0 : i32
          %dma_start3A_274 = arith.constant 0 : i32
          %dma_start3A_275 = tpu.memref_slice %arg3[%dma_start3A_273, %dma_start3A_274] : memref<100000x128xf32, #tpu.memory_space<hbm>> -> memref<100000x128xf32, #tpu.memory_space<hbm>>
          tpu.enqueue_indirect_dma source(%dma_start3A_275 : memref<100000x128xf32, #tpu.memory_space<hbm>>) target(%dma_start3A_271 : memref<128x128xf32, #tpu.memory_space<vmem>>) offsets(%dma_start3A_272 : memref<128xi32, #tpu.memory_space<vmem>>) semaphore(%arg14 : memref<!tpu.dma_semaphore, #tpu.memory_space<semaphore_mem>>)
        } else {
        }
        %scan3A_244 = arith.constant 0 : i32
        %scan3A_245 = arith.constant 128 : i32
        %scan3A_246 = arith.addi %scan3A_244, %scan3A_245 : i32
        %scan3A_247 = arith.constant 1 : i32
        scf.for %scan3A_265 = %scan3A_244 to %scan3A_246 step %scan3A_247  : i32 {
          %mul3A_266 = arith.constant 1 : i32
          %mul3A_267 = arith.muli %scan3A_265, %mul3A_266 : i32
          %add3A_268 = arith.constant 0 : i32
          %add3A_269 = arith.addi %add3A_268, %mul3A_267 : i32
          %get3A = arith.constant 1 : i32
          %get3A_270 = arith.index_cast %get3A : i32 to index
          %get3A_271 = arith.index_cast %add3A_269 : i32 to index
          %get3A_272 = arith.constant 0 : index
          %get3A_273 = tpu.vector_load %arg7[%get3A_270, %get3A_271, %get3A_272] {strides = array<i32>} : memref<7x128x128xf32, #tpu.memory_space<vmem>>, vector<1x1x16xf32>,
          %get3A_274 = vector.shape_cast %get3A_273 : vector<1x1x16xf32> to vector<16xf32>
          %mul3A_275 = vector.broadcast %scan3A_58 : f32 to vector<16xf32>
          %mul3A_276 = arith.mulf %get3A_274, %mul3A_275 : vector<16xf32>
          %swap3A = arith.constant 1 : i32
          %swap3A_277 = arith.index_cast %swap3A : i32 to index
          %swap3A_278 = arith.index_cast %add3A_269 : i32 to index
          %swap3A_279 = arith.constant 0 : index
          %swap3A_280 = tpu.vector_load %arg7[%swap3A_277, %swap3A_278, %swap3A_279] {strides = array<i32>} : memref<7x128x128xf32, #tpu.memory_space<vmem>>, vector<1x1x16xf32>,
          %swap3A_281 = vector.shape_cast %swap3A_280 : vector<1x1x16xf32> to vector<16xf32>
          %swap3A_282 = vector.shape_cast %mul3A_276 : vector<16xf32> to vector<1x1x16xf32>
          tpu.vector_store %arg7[%swap3A_277, %swap3A_278, %swap3A_279], %swap3A_282 {strides = array<i32>} : memref<7x128x128xf32, #tpu.memory_space<vmem>>, vector<1x1x16xf32>,
          %get3A_283 = arith.constant 1 : i32
          %get3A_284 = arith.index_cast %get3A_283 : i32 to index
          %get3A_285 = arith.index_cast %add3A_269 : i32 to index
          %get3A_286 = arith.constant 16 : index
          %get3A_287 = tpu.vector_load %arg7[%get3A_284, %get3A_285, %get3A_286] {strides = array<i32>} : memref<7x128x128xf32, #tpu.memory_space<vmem>>, vector<1x1x16xf32>,
          %get3A_288 = vector.shape_cast %get3A_287 : vector<1x1x16xf32> to vector<16xf32>
          %mul3A_289 = vector.broadcast %scan3A_58 : f32 to vector<16xf32>
          %mul3A_290 = arith.mulf %get3A_288, %mul3A_289 : vector<16xf32>
          %swap3A_291 = arith.constant 1 : i32
          %swap3A_292 = arith.index_cast %swap3A_291 : i32 to index
          %swap3A_293 = arith.index_cast %add3A_269 : i32 to index
          %swap3A_294 = arith.constant 16 : index
          %swap3A_295 = tpu.vector_load %arg7[%swap3A_292, %swap3A_293, %swap3A_294] {strides = array<i32>} : memref<7x128x128xf32, #tpu.memory_space<vmem>>, vector<1x1x16xf32>,
          %swap3A_296 = vector.shape_cast %swap3A_295 : vector<1x1x16xf32> to vector<16xf32>
          %swap3A_297 = vector.shape_cast %mul3A_290 : vector<16xf32> to vector<1x1x16xf32>
          tpu.vector_store %arg7[%swap3A_292, %swap3A_293, %swap3A_294], %swap3A_297 {strides = array<i32>} : memref<7x128x128xf32, #tpu.memory_space<vmem>>, vector<1x1x16xf32>,
          %get3A_298 = arith.constant 1 : i32
          %get3A_299 = arith.index_cast %get3A_298 : i32 to index
          %get3A_300 = arith.index_cast %add3A_269 : i32 to index
          %get3A_301 = arith.constant 32 : index
          %get3A_302 = tpu.vector_load %arg7[%get3A_299, %get3A_300, %get3A_301] {strides = array<i32>} : memref<7x128x128xf32, #tpu.memory_space<vmem>>, vector<1x1x16xf32>,
          %get3A_303 = vector.shape_cast %get3A_302 : vector<1x1x16xf32> to vector<16xf32>
          %mul3A_304 = vector.broadcast %scan3A_58 : f32 to vector<16xf32>
          %mul3A_305 = arith.mulf %get3A_303, %mul3A_304 : vector<16xf32>
          %swap3A_306 = arith.constant 1 : i32
          %swap3A_307 = arith.index_cast %swap3A_306 : i32 to index
          %swap3A_308 = arith.index_cast %add3A_269 : i32 to index
          %swap3A_309 = arith.constant 32 : index
          %swap3A_310 = tpu.vector_load %arg7[%swap3A_307, %swap3A_308, %swap3A_309] {strides = array<i32>} : memref<7x128x128xf32, #tpu.memory_space<vmem>>, vector<1x1x16xf32>,
          %swap3A_311 = vector.shape_cast %swap3A_310 : vector<1x1x16xf32> to vector<16xf32>
          %swap3A_312 = vector.shape_cast %mul3A_305 : vector<16xf32> to vector<1x1x16xf32>
          tpu.vector_store %arg7[%swap3A_307, %swap3A_308, %swap3A_309], %swap3A_312 {strides = array<i32>} : memref<7x128x128xf32, #tpu.memory_space<vmem>>, vector<1x1x16xf32>,
          %get3A_313 = arith.constant 1 : i32
          %get3A_314 = arith.index_cast %get3A_313 : i32 to index
          %get3A_315 = arith.index_cast %add3A_269 : i32 to index
          %get3A_316 = arith.constant 48 : index
          %get3A_317 = tpu.vector_load %arg7[%get3A_314, %get3A_315, %get3A_316] {strides = array<i32>} : memref<7x128x128xf32, #tpu.memory_space<vmem>>, vector<1x1x16xf32>,
          %get3A_318 = vector.shape_cast %get3A_317 : vector<1x1x16xf32> to vector<16xf32>
          %mul3A_319 = vector.broadcast %scan3A_58 : f32 to vector<16xf32>
          %mul3A_320 = arith.mulf %get3A_318, %mul3A_319 : vector<16xf32>
          %swap3A_321 = arith.constant 1 : i32
          %swap3A_322 = arith.index_cast %swap3A_321 : i32 to index
          %swap3A_323 = arith.index_cast %add3A_269 : i32 to index
          %swap3A_324 = arith.constant 48 : index
          %swap3A_325 = tpu.vector_load %arg7[%swap3A_322, %swap3A_323, %swap3A_324] {strides = array<i32>} : memref<7x128x128xf32, #tpu.memory_space<vmem>>, vector<1x1x16xf32>,
          %swap3A_326 = vector.shape_cast %swap3A_325 : vector<1x1x16xf32> to vector<16xf32>
          %swap3A_327 = vector.shape_cast %mul3A_320 : vector<16xf32> to vector<1x1x16xf32>
          tpu.vector_store %arg7[%swap3A_322, %swap3A_323, %swap3A_324], %swap3A_327 {strides = array<i32>} : memref<7x128x128xf32, #tpu.memory_space<vmem>>, vector<1x1x16xf32>,
          %get3A_328 = arith.constant 1 : i32
          %get3A_329 = arith.index_cast %get3A_328 : i32 to index
          %get3A_330 = arith.index_cast %add3A_269 : i32 to index
          %get3A_331 = arith.constant 64 : index
          %get3A_332 = tpu.vector_load %arg7[%get3A_329, %get3A_330, %get3A_331] {strides = array<i32>} : memref<7x128x128xf32, #tpu.memory_space<vmem>>, vector<1x1x16xf32>,
          %get3A_333 = vector.shape_cast %get3A_332 : vector<1x1x16xf32> to vector<16xf32>
          %mul3A_334 = vector.broadcast %scan3A_58 : f32 to vector<16xf32>
          %mul3A_335 = arith.mulf %get3A_333, %mul3A_334 : vector<16xf32>
          %swap3A_336 = arith.constant 1 : i32
          %swap3A_337 = arith.index_cast %swap3A_336 : i32 to index
          %swap3A_338 = arith.index_cast %add3A_269 : i32 to index
          %swap3A_339 = arith.constant 64 : index
          %swap3A_340 = tpu.vector_load %arg7[%swap3A_337, %swap3A_338, %swap3A_339] {strides = array<i32>} : memref<7x128x128xf32, #tpu.memory_space<vmem>>, vector<1x1x16xf32>,
          %swap3A_341 = vector.shape_cast %swap3A_340 : vector<1x1x16xf32> to vector<16xf32>
          %swap3A_342 = vector.shape_cast %mul3A_335 : vector<16xf32> to vector<1x1x16xf32>
          tpu.vector_store %arg7[%swap3A_337, %swap3A_338, %swap3A_339], %swap3A_342 {strides = array<i32>} : memref<7x128x128xf32, #tpu.memory_space<vmem>>, vector<1x1x16xf32>,
          %get3A_343 = arith.constant 1 : i32
          %get3A_344 = arith.index_cast %get3A_343 : i32 to index
          %get3A_345 = arith.index_cast %add3A_269 : i32 to index
          %get3A_346 = arith.constant 80 : index
          %get3A_347 = tpu.vector_load %arg7[%get3A_344, %get3A_345, %get3A_346] {strides = array<i32>} : memref<7x128x128xf32, #tpu.memory_space<vmem>>, vector<1x1x16xf32>,
          %get3A_348 = vector.shape_cast %get3A_347 : vector<1x1x16xf32> to vector<16xf32>
          %mul3A_349 = vector.broadcast %scan3A_58 : f32 to vector<16xf32>
          %mul3A_350 = arith.mulf %get3A_348, %mul3A_349 : vector<16xf32>
          %swap3A_351 = arith.constant 1 : i32
          %swap3A_352 = arith.index_cast %swap3A_351 : i32 to index
          %swap3A_353 = arith.index_cast %add3A_269 : i32 to index
          %swap3A_354 = arith.constant 80 : index
          %swap3A_355 = tpu.vector_load %arg7[%swap3A_352, %swap3A_353, %swap3A_354] {strides = array<i32>} : memref<7x128x128xf32, #tpu.memory_space<vmem>>, vector<1x1x16xf32>,
          %swap3A_356 = vector.shape_cast %swap3A_355 : vector<1x1x16xf32> to vector<16xf32>
          %swap3A_357 = vector.shape_cast %mul3A_350 : vector<16xf32> to vector<1x1x16xf32>
          tpu.vector_store %arg7[%swap3A_352, %swap3A_353, %swap3A_354], %swap3A_357 {strides = array<i32>} : memref<7x128x128xf32, #tpu.memory_space<vmem>>, vector<1x1x16xf32>,
          %get3A_358 = arith.constant 1 : i32
          %get3A_359 = arith.index_cast %get3A_358 : i32 to index
          %get3A_360 = arith.index_cast %add3A_269 : i32 to index
          %get3A_361 = arith.constant 96 : index
          %get3A_362 = tpu.vector_load %arg7[%get3A_359, %get3A_360, %get3A_361] {strides = array<i32>} : memref<7x128x128xf32, #tpu.memory_space<vmem>>, vector<1x1x16xf32>,
          %get3A_363 = vector.shape_cast %get3A_362 : vector<1x1x16xf32> to vector<16xf32>
          %mul3A_364 = vector.broadcast %scan3A_58 : f32 to vector<16xf32>
          %mul3A_365 = arith.mulf %get3A_363, %mul3A_364 : vector<16xf32>
          %swap3A_366 = arith.constant 1 : i32
          %swap3A_367 = arith.index_cast %swap3A_366 : i32 to index
          %swap3A_368 = arith.index_cast %add3A_269 : i32 to index
          %swap3A_369 = arith.constant 96 : index
          %swap3A_370 = tpu.vector_load %arg7[%swap3A_367, %swap3A_368, %swap3A_369] {strides = array<i32>} : memref<7x128x128xf32, #tpu.memory_space<vmem>>, vector<1x1x16xf32>,
          %swap3A_371 = vector.shape_cast %swap3A_370 : vector<1x1x16xf32> to vector<16xf32>
          %swap3A_372 = vector.shape_cast %mul3A_365 : vector<16xf32> to vector<1x1x16xf32>
          tpu.vector_store %arg7[%swap3A_367, %swap3A_368, %swap3A_369], %swap3A_372 {strides = array<i32>} : memref<7x128x128xf32, #tpu.memory_space<vmem>>, vector<1x1x16xf32>,
          %get3A_373 = arith.constant 1 : i32
          %get3A_374 = arith.index_cast %get3A_373 : i32 to index
          %get3A_375 = arith.index_cast %add3A_269 : i32 to index
          %get3A_376 = arith.constant 112 : index
          %get3A_377 = tpu.vector_load %arg7[%get3A_374, %get3A_375, %get3A_376] {strides = array<i32>} : memref<7x128x128xf32, #tpu.memory_space<vmem>>, vector<1x1x16xf32>,
          %get3A_378 = vector.shape_cast %get3A_377 : vector<1x1x16xf32> to vector<16xf32>
          %mul3A_379 = vector.broadcast %scan3A_58 : f32 to vector<16xf32>
          %mul3A_380 = arith.mulf %get3A_378, %mul3A_379 : vector<16xf32>
          %swap3A_381 = arith.constant 1 : i32
          %swap3A_382 = arith.index_cast %swap3A_381 : i32 to index
          %swap3A_383 = arith.index_cast %add3A_269 : i32 to index
          %swap3A_384 = arith.constant 112 : index
          %swap3A_385 = tpu.vector_load %arg7[%swap3A_382, %swap3A_383, %swap3A_384] {strides = array<i32>} : memref<7x128x128xf32, #tpu.memory_space<vmem>>, vector<1x1x16xf32>,
          %swap3A_386 = vector.shape_cast %swap3A_385 : vector<1x1x16xf32> to vector<16xf32>
          %swap3A_387 = vector.shape_cast %mul3A_380 : vector<16xf32> to vector<1x1x16xf32>
          tpu.vector_store %arg7[%swap3A_382, %swap3A_383, %swap3A_384], %swap3A_387 {strides = array<i32>} : memref<7x128x128xf32, #tpu.memory_space<vmem>>, vector<1x1x16xf32>,
        }
        %scan3A_248 = arith.constant 128 : i32
        %mul3A_249 = arith.constant 128 : i32
        %mul3A_250 = arith.muli %add3A_178, %mul3A_249 : i32
        %add3A_251 = arith.addi %mul3A_2, %mul3A_250 : i32
        %dma_start3A_252 = arith.constant 1 : i32
        %dma_start3A_253 = arith.constant 0 : i32
        %dma_start3A_254 = arith.constant 0 : i32
        %dma_start3A_255 = tpu.memref_slice %arg7[%dma_start3A_252, %dma_start3A_253, %dma_start3A_254] : memref<7x128x128xf32, #tpu.memory_space<vmem>> -> memref<1x128x128xf32, #tpu.memory_space<vmem>>
        %dma_start3A_256 = tpu.memref_squeeze %dma_start3A_255 : memref<1x128x128xf32, #tpu.memory_space<vmem>> -> memref<128x128xf32, #tpu.memory_space<vmem>>
        %dma_start3A_257 = arith.constant 0 : i32
        %dma_start3A_258 = tpu.memref_slice %arg4[%add3A_251, %dma_start3A_257] : memref<204800x128xf32, #tpu.memory_space<hbm>> -> memref<128x128xf32, #tpu.memory_space<hbm>>
        %dma_start3A_259 = arith.constant 0 : i32
        %dma_start3A_260 = tpu.memref_slice %arg4[%add3A_251, %dma_start3A_259] : memref<204800x128xf32, #tpu.memory_space<hbm>> -> memref<128x128xf32, #tpu.memory_space<hbm>>
        %dma_start3A_261 = arith.constant 0 : i32
        %dma_start3A_262 = arith.constant 0 : i32
        %dma_start3A_263 = tpu.memref_slice %arg7[%dma_start3A_252, %dma_start3A_261, %dma_start3A_262] : memref<7x128x128xf32, #tpu.memory_space<vmem>> -> memref<1x128x128xf32, #tpu.memory_space<vmem>>
        %dma_start3A_264 = tpu.memref_squeeze %dma_start3A_263 : memref<1x128x128xf32, #tpu.memory_space<vmem>> -> memref<128x128xf32, #tpu.memory_space<vmem>>
        tpu.enqueue_dma source(%dma_start3A_264 : memref<128x128xf32, #tpu.memory_space<vmem>>) target(%dma_start3A_260 : memref<128x128xf32, #tpu.memory_space<hbm>>) target_semaphore(%arg16 : memref<!tpu.dma_semaphore, #tpu.memory_space<semaphore_mem>>)
      } else {
      }
      %add3A_184 = arith.constant 2 : i32
      %add3A_185 = arith.addi %add3A_172, %add3A_184 : i32
      %lt3A_186 = arith.constant 50 : i32
      %lt3A_187 = arith.cmpi slt, %add3A_185, %lt3A_186 : i32
      %convert_element_type3A_188 = arith.extui %lt3A_187 : i1 to i32
      %cond3A_189 = arith.constant 0 : i32
      %cond3A_190 = arith.cmpi ne, %convert_element_type3A_188, %cond3A_189 : i32
      scf.if %cond3A_190 {
        %mul3A_219 = arith.constant 128 : i32
        %mul3A_220 = arith.muli %add3A_185, %mul3A_219 : i32
        %dma_wait3A_221 = arith.constant 2 : i32
        %dma_wait3A_222 = arith.constant 0 : i32
        %dma_wait3A_223 = arith.constant 0 : i32
        %dma_wait3A_224 = tpu.memref_slice %arg7[%dma_wait3A_221, %dma_wait3A_222, %dma_wait3A_223] : memref<7x128x128xf32, #tpu.memory_space<vmem>> -> memref<1x128x128xf32, #tpu.memory_space<vmem>>
        %dma_wait3A_225 = tpu.memref_squeeze %dma_wait3A_224 : memref<1x128x128xf32, #tpu.memory_space<vmem>> -> memref<128x128xf32, #tpu.memory_space<vmem>>
        %dma_wait3A_226 = tpu.memref_slice %arg6[%mul3A_220] : memref<6400xi32, #tpu.memory_space<vmem>> -> memref<128xi32, #tpu.memory_space<vmem>>
        %dma_wait3A_227 = arith.constant 0 : i32
        %dma_wait3A_228 = arith.constant 0 : i32
        %dma_wait3A_229 = tpu.memref_slice %arg3[%dma_wait3A_227, %dma_wait3A_228] : memref<100000x128xf32, #tpu.memory_space<hbm>> -> memref<100000x128xf32, #tpu.memory_space<hbm>>
        tpu.wait_indirect_dma semaphore(%arg10 : memref<!tpu.dma_semaphore, #tpu.memory_space<semaphore_mem>>) src(%dma_wait3A_229 : memref<100000x128xf32, #tpu.memory_space<hbm>>) dst(%dma_wait3A_225 : memref<128x128xf32, #tpu.memory_space<vmem>>)
        %add3A_230 = arith.constant 5 : i32
        %add3A_231 = arith.addi %add3A_185, %add3A_230 : i32
        %sub3A = arith.constant 2 : i32
        %sub3A_232 = arith.subi %add3A_185, %sub3A : i32
        %ge3A = arith.constant 0 : i32
        %ge3A_233 = arith.cmpi sge, %sub3A_232, %ge3A : i32
        %lt3A_234 = arith.constant 50 : i32
        %lt3A_235 = arith.cmpi slt, %add3A_231, %lt3A_234 : i32
        %and3A = arith.andi %ge3A_233, %lt3A_235 : i1
        %convert_element_type3A_236 = arith.extui %and3A : i1 to i32
        %cond3A_237 = arith.constant 0 : i32
        %cond3A_238 = arith.cmpi ne, %convert_element_type3A_236, %cond3A_237 : i32
        scf.if %cond3A_238 {
          %mul3A_265 = arith.constant 128 : i32
          %mul3A_266 = arith.muli %sub3A_232, %mul3A_265 : i32
          %add3A_267 = arith.addi %mul3A_2, %mul3A_266 : i32
          %dma_wait3A_268 = arith.constant 0 : i32
          %dma_wait3A_269 = arith.constant 0 : i32
          %dma_wait3A_270 = arith.constant 0 : i32
          %dma_wait3A_271 = tpu.memref_slice %arg7[%dma_wait3A_268, %dma_wait3A_269, %dma_wait3A_270] : memref<7x128x128xf32, #tpu.memory_space<vmem>> -> memref<1x128x128xf32, #tpu.memory_space<vmem>>
          %dma_wait3A_272 = tpu.memref_squeeze %dma_wait3A_271 : memref<1x128x128xf32, #tpu.memory_space<vmem>> -> memref<128x128xf32, #tpu.memory_space<vmem>>
          %dma_wait3A_273 = arith.constant 0 : i32
          %dma_wait3A_274 = tpu.memref_slice %arg4[%add3A_267, %dma_wait3A_273] : memref<204800x128xf32, #tpu.memory_space<hbm>> -> memref<128x128xf32, #tpu.memory_space<hbm>>
          %dma_wait3A_275 = arith.constant 0 : i32
          %dma_wait3A_276 = tpu.memref_slice %arg4[%add3A_267, %dma_wait3A_275] : memref<204800x128xf32, #tpu.memory_space<hbm>> -> memref<128x128xf32, #tpu.memory_space<hbm>>
          %dma_wait3A_277 = arith.constant 0 : i32
          %dma_wait3A_278 = arith.constant 0 : i32
          %dma_wait3A_279 = tpu.memref_slice %arg7[%dma_wait3A_268, %dma_wait3A_277, %dma_wait3A_278] : memref<7x128x128xf32, #tpu.memory_space<vmem>> -> memref<1x128x128xf32, #tpu.memory_space<vmem>>
          %dma_wait3A_280 = tpu.memref_squeeze %dma_wait3A_279 : memref<1x128x128xf32, #tpu.memory_space<vmem>> -> memref<128x128xf32, #tpu.memory_space<vmem>>
          tpu.wait_dma2 semaphore(%arg15 : memref<!tpu.dma_semaphore, #tpu.memory_space<semaphore_mem>>) src(%dma_wait3A_280 : memref<128x128xf32, #tpu.memory_space<vmem>>) dst(%dma_wait3A_276 : memref<128x128xf32, #tpu.memory_space<hbm>>)
        } else {
        }
        %lt3A_239 = arith.constant 50 : i32
        %lt3A_240 = arith.cmpi slt, %add3A_231, %lt3A_239 : i32
        %convert_element_type3A_241 = arith.extui %lt3A_240 : i1 to i32
        %cond3A_242 = arith.constant 0 : i32
        %cond3A_243 = arith.cmpi ne, %convert_element_type3A_241, %cond3A_242 : i32
        scf.if %cond3A_243 {
          %mul3A_265 = arith.constant 128 : i32
          %mul3A_266 = arith.muli %add3A_231, %mul3A_265 : i32
          %dma_start3A_267 = arith.constant 0 : i32
          %dma_start3A_268 = arith.constant 0 : i32
          %dma_start3A_269 = arith.constant 0 : i32
          %dma_start3A_270 = tpu.memref_slice %arg7[%dma_start3A_267, %dma_start3A_268, %dma_start3A_269] : memref<7x128x128xf32, #tpu.memory_space<vmem>> -> memref<1x128x128xf32, #tpu.memory_space<vmem>>
          %dma_start3A_271 = tpu.memref_squeeze %dma_start3A_270 : memref<1x128x128xf32, #tpu.memory_space<vmem>> -> memref<128x128xf32, #tpu.memory_space<vmem>>
          %dma_start3A_272 = tpu.memref_slice %arg6[%mul3A_266] : memref<6400xi32, #tpu.memory_space<vmem>> -> memref<128xi32, #tpu.memory_space<vmem>>
          %dma_start3A_273 = arith.constant 0 : i32
          %dma_start3A_274 = arith.constant 0 : i32
          %dma_start3A_275 = tpu.memref_slice %arg3[%dma_start3A_273, %dma_start3A_274] : memref<100000x128xf32, #tpu.memory_space<hbm>> -> memref<100000x128xf32, #tpu.memory_space<hbm>>
          tpu.enqueue_indirect_dma source(%dma_start3A_275 : memref<100000x128xf32, #tpu.memory_space<hbm>>) target(%dma_start3A_271 : memref<128x128xf32, #tpu.memory_space<vmem>>) offsets(%dma_start3A_272 : memref<128xi32, #tpu.memory_space<vmem>>) semaphore(%arg8 : memref<!tpu.dma_semaphore, #tpu.memory_space<semaphore_mem>>)
        } else {
        }
        %scan3A_244 = arith.constant 0 : i32
        %scan3A_245 = arith.constant 128 : i32
        %scan3A_246 = arith.addi %scan3A_244, %scan3A_245 : i32
        %scan3A_247 = arith.constant 1 : i32
        scf.for %scan3A_265 = %scan3A_244 to %scan3A_246 step %scan3A_247  : i32 {
          %mul3A_266 = arith.constant 1 : i32
          %mul3A_267 = arith.muli %scan3A_265, %mul3A_266 : i32
          %add3A_268 = arith.constant 0 : i32
          %add3A_269 = arith.addi %add3A_268, %mul3A_267 : i32
          %get3A = arith.constant 2 : i32
          %get3A_270 = arith.index_cast %get3A : i32 to index
          %get3A_271 = arith.index_cast %add3A_269 : i32 to index
          %get3A_272 = arith.constant 0 : index
          %get3A_273 = tpu.vector_load %arg7[%get3A_270, %get3A_271, %get3A_272] {strides = array<i32>} : memref<7x128x128xf32, #tpu.memory_space<vmem>>, vector<1x1x16xf32>,
          %get3A_274 = vector.shape_cast %get3A_273 : vector<1x1x16xf32> to vector<16xf32>
          %mul3A_275 = vector.broadcast %scan3A_58 : f32 to vector<16xf32>
          %mul3A_276 = arith.mulf %get3A_274, %mul3A_275 : vector<16xf32>
          %swap3A = arith.constant 2 : i32
          %swap3A_277 = arith.index_cast %swap3A : i32 to index
          %swap3A_278 = arith.index_cast %add3A_269 : i32 to index
          %swap3A_279 = arith.constant 0 : index
          %swap3A_280 = tpu.vector_load %arg7[%swap3A_277, %swap3A_278, %swap3A_279] {strides = array<i32>} : memref<7x128x128xf32, #tpu.memory_space<vmem>>, vector<1x1x16xf32>,
          %swap3A_281 = vector.shape_cast %swap3A_280 : vector<1x1x16xf32> to vector<16xf32>
          %swap3A_282 = vector.shape_cast %mul3A_276 : vector<16xf32> to vector<1x1x16xf32>
          tpu.vector_store %arg7[%swap3A_277, %swap3A_278, %swap3A_279], %swap3A_282 {strides = array<i32>} : memref<7x128x128xf32, #tpu.memory_space<vmem>>, vector<1x1x16xf32>,
          %get3A_283 = arith.constant 2 : i32
          %get3A_284 = arith.index_cast %get3A_283 : i32 to index
          %get3A_285 = arith.index_cast %add3A_269 : i32 to index
          %get3A_286 = arith.constant 16 : index
          %get3A_287 = tpu.vector_load %arg7[%get3A_284, %get3A_285, %get3A_286] {strides = array<i32>} : memref<7x128x128xf32, #tpu.memory_space<vmem>>, vector<1x1x16xf32>,
          %get3A_288 = vector.shape_cast %get3A_287 : vector<1x1x16xf32> to vector<16xf32>
          %mul3A_289 = vector.broadcast %scan3A_58 : f32 to vector<16xf32>
          %mul3A_290 = arith.mulf %get3A_288, %mul3A_289 : vector<16xf32>
          %swap3A_291 = arith.constant 2 : i32
          %swap3A_292 = arith.index_cast %swap3A_291 : i32 to index
          %swap3A_293 = arith.index_cast %add3A_269 : i32 to index
          %swap3A_294 = arith.constant 16 : index
          %swap3A_295 = tpu.vector_load %arg7[%swap3A_292, %swap3A_293, %swap3A_294] {strides = array<i32>} : memref<7x128x128xf32, #tpu.memory_space<vmem>>, vector<1x1x16xf32>,
          %swap3A_296 = vector.shape_cast %swap3A_295 : vector<1x1x16xf32> to vector<16xf32>
          %swap3A_297 = vector.shape_cast %mul3A_290 : vector<16xf32> to vector<1x1x16xf32>
          tpu.vector_store %arg7[%swap3A_292, %swap3A_293, %swap3A_294], %swap3A_297 {strides = array<i32>} : memref<7x128x128xf32, #tpu.memory_space<vmem>>, vector<1x1x16xf32>,
          %get3A_298 = arith.constant 2 : i32
          %get3A_299 = arith.index_cast %get3A_298 : i32 to index
          %get3A_300 = arith.index_cast %add3A_269 : i32 to index
          %get3A_301 = arith.constant 32 : index
          %get3A_302 = tpu.vector_load %arg7[%get3A_299, %get3A_300, %get3A_301] {strides = array<i32>} : memref<7x128x128xf32, #tpu.memory_space<vmem>>, vector<1x1x16xf32>,
          %get3A_303 = vector.shape_cast %get3A_302 : vector<1x1x16xf32> to vector<16xf32>
          %mul3A_304 = vector.broadcast %scan3A_58 : f32 to vector<16xf32>
          %mul3A_305 = arith.mulf %get3A_303, %mul3A_304 : vector<16xf32>
          %swap3A_306 = arith.constant 2 : i32
          %swap3A_307 = arith.index_cast %swap3A_306 : i32 to index
          %swap3A_308 = arith.index_cast %add3A_269 : i32 to index
          %swap3A_309 = arith.constant 32 : index
          %swap3A_310 = tpu.vector_load %arg7[%swap3A_307, %swap3A_308, %swap3A_309] {strides = array<i32>} : memref<7x128x128xf32, #tpu.memory_space<vmem>>, vector<1x1x16xf32>,
          %swap3A_311 = vector.shape_cast %swap3A_310 : vector<1x1x16xf32> to vector<16xf32>
          %swap3A_312 = vector.shape_cast %mul3A_305 : vector<16xf32> to vector<1x1x16xf32>
          tpu.vector_store %arg7[%swap3A_307, %swap3A_308, %swap3A_309], %swap3A_312 {strides = array<i32>} : memref<7x128x128xf32, #tpu.memory_space<vmem>>, vector<1x1x16xf32>,
          %get3A_313 = arith.constant 2 : i32
          %get3A_314 = arith.index_cast %get3A_313 : i32 to index
          %get3A_315 = arith.index_cast %add3A_269 : i32 to index
          %get3A_316 = arith.constant 48 : index
          %get3A_317 = tpu.vector_load %arg7[%get3A_314, %get3A_315, %get3A_316] {strides = array<i32>} : memref<7x128x128xf32, #tpu.memory_space<vmem>>, vector<1x1x16xf32>,
          %get3A_318 = vector.shape_cast %get3A_317 : vector<1x1x16xf32> to vector<16xf32>
          %mul3A_319 = vector.broadcast %scan3A_58 : f32 to vector<16xf32>
          %mul3A_320 = arith.mulf %get3A_318, %mul3A_319 : vector<16xf32>
          %swap3A_321 = arith.constant 2 : i32
          %swap3A_322 = arith.index_cast %swap3A_321 : i32 to index
          %swap3A_323 = arith.index_cast %add3A_269 : i32 to index
          %swap3A_324 = arith.constant 48 : index
          %swap3A_325 = tpu.vector_load %arg7[%swap3A_322, %swap3A_323, %swap3A_324] {strides = array<i32>} : memref<7x128x128xf32, #tpu.memory_space<vmem>>, vector<1x1x16xf32>,
          %swap3A_326 = vector.shape_cast %swap3A_325 : vector<1x1x16xf32> to vector<16xf32>
          %swap3A_327 = vector.shape_cast %mul3A_320 : vector<16xf32> to vector<1x1x16xf32>
          tpu.vector_store %arg7[%swap3A_322, %swap3A_323, %swap3A_324], %swap3A_327 {strides = array<i32>} : memref<7x128x128xf32, #tpu.memory_space<vmem>>, vector<1x1x16xf32>,
          %get3A_328 = arith.constant 2 : i32
          %get3A_329 = arith.index_cast %get3A_328 : i32 to index
          %get3A_330 = arith.index_cast %add3A_269 : i32 to index
          %get3A_331 = arith.constant 64 : index
          %get3A_332 = tpu.vector_load %arg7[%get3A_329, %get3A_330, %get3A_331] {strides = array<i32>} : memref<7x128x128xf32, #tpu.memory_space<vmem>>, vector<1x1x16xf32>,
          %get3A_333 = vector.shape_cast %get3A_332 : vector<1x1x16xf32> to vector<16xf32>
          %mul3A_334 = vector.broadcast %scan3A_58 : f32 to vector<16xf32>
          %mul3A_335 = arith.mulf %get3A_333, %mul3A_334 : vector<16xf32>
          %swap3A_336 = arith.constant 2 : i32
          %swap3A_337 = arith.index_cast %swap3A_336 : i32 to index
          %swap3A_338 = arith.index_cast %add3A_269 : i32 to index
          %swap3A_339 = arith.constant 64 : index
          %swap3A_340 = tpu.vector_load %arg7[%swap3A_337, %swap3A_338, %swap3A_339] {strides = array<i32>} : memref<7x128x128xf32, #tpu.memory_space<vmem>>, vector<1x1x16xf32>,
          %swap3A_341 = vector.shape_cast %swap3A_340 : vector<1x1x16xf32> to vector<16xf32>
          %swap3A_342 = vector.shape_cast %mul3A_335 : vector<16xf32> to vector<1x1x16xf32>
          tpu.vector_store %arg7[%swap3A_337, %swap3A_338, %swap3A_339], %swap3A_342 {strides = array<i32>} : memref<7x128x128xf32, #tpu.memory_space<vmem>>, vector<1x1x16xf32>,
          %get3A_343 = arith.constant 2 : i32
          %get3A_344 = arith.index_cast %get3A_343 : i32 to index
          %get3A_345 = arith.index_cast %add3A_269 : i32 to index
          %get3A_346 = arith.constant 80 : index
          %get3A_347 = tpu.vector_load %arg7[%get3A_344, %get3A_345, %get3A_346] {strides = array<i32>} : memref<7x128x128xf32, #tpu.memory_space<vmem>>, vector<1x1x16xf32>,
          %get3A_348 = vector.shape_cast %get3A_347 : vector<1x1x16xf32> to vector<16xf32>
          %mul3A_349 = vector.broadcast %scan3A_58 : f32 to vector<16xf32>
          %mul3A_350 = arith.mulf %get3A_348, %mul3A_349 : vector<16xf32>
          %swap3A_351 = arith.constant 2 : i32
          %swap3A_352 = arith.index_cast %swap3A_351 : i32 to index
          %swap3A_353 = arith.index_cast %add3A_269 : i32 to index
          %swap3A_354 = arith.constant 80 : index
          %swap3A_355 = tpu.vector_load %arg7[%swap3A_352, %swap3A_353, %swap3A_354] {strides = array<i32>} : memref<7x128x128xf32, #tpu.memory_space<vmem>>, vector<1x1x16xf32>,
          %swap3A_356 = vector.shape_cast %swap3A_355 : vector<1x1x16xf32> to vector<16xf32>
          %swap3A_357 = vector.shape_cast %mul3A_350 : vector<16xf32> to vector<1x1x16xf32>
          tpu.vector_store %arg7[%swap3A_352, %swap3A_353, %swap3A_354], %swap3A_357 {strides = array<i32>} : memref<7x128x128xf32, #tpu.memory_space<vmem>>, vector<1x1x16xf32>,
          %get3A_358 = arith.constant 2 : i32
          %get3A_359 = arith.index_cast %get3A_358 : i32 to index
          %get3A_360 = arith.index_cast %add3A_269 : i32 to index
          %get3A_361 = arith.constant 96 : index
          %get3A_362 = tpu.vector_load %arg7[%get3A_359, %get3A_360, %get3A_361] {strides = array<i32>} : memref<7x128x128xf32, #tpu.memory_space<vmem>>, vector<1x1x16xf32>,
          %get3A_363 = vector.shape_cast %get3A_362 : vector<1x1x16xf32> to vector<16xf32>
          %mul3A_364 = vector.broadcast %scan3A_58 : f32 to vector<16xf32>
          %mul3A_365 = arith.mulf %get3A_363, %mul3A_364 : vector<16xf32>
          %swap3A_366 = arith.constant 2 : i32
          %swap3A_367 = arith.index_cast %swap3A_366 : i32 to index
          %swap3A_368 = arith.index_cast %add3A_269 : i32 to index
          %swap3A_369 = arith.constant 96 : index
          %swap3A_370 = tpu.vector_load %arg7[%swap3A_367, %swap3A_368, %swap3A_369] {strides = array<i32>} : memref<7x128x128xf32, #tpu.memory_space<vmem>>, vector<1x1x16xf32>,
          %swap3A_371 = vector.shape_cast %swap3A_370 : vector<1x1x16xf32> to vector<16xf32>
          %swap3A_372 = vector.shape_cast %mul3A_365 : vector<16xf32> to vector<1x1x16xf32>
          tpu.vector_store %arg7[%swap3A_367, %swap3A_368, %swap3A_369], %swap3A_372 {strides = array<i32>} : memref<7x128x128xf32, #tpu.memory_space<vmem>>, vector<1x1x16xf32>,
          %get3A_373 = arith.constant 2 : i32
          %get3A_374 = arith.index_cast %get3A_373 : i32 to index
          %get3A_375 = arith.index_cast %add3A_269 : i32 to index
          %get3A_376 = arith.constant 112 : index
          %get3A_377 = tpu.vector_load %arg7[%get3A_374, %get3A_375, %get3A_376] {strides = array<i32>} : memref<7x128x128xf32, #tpu.memory_space<vmem>>, vector<1x1x16xf32>,
          %get3A_378 = vector.shape_cast %get3A_377 : vector<1x1x16xf32> to vector<16xf32>
          %mul3A_379 = vector.broadcast %scan3A_58 : f32 to vector<16xf32>
          %mul3A_380 = arith.mulf %get3A_378, %mul3A_379 : vector<16xf32>
          %swap3A_381 = arith.constant 2 : i32
          %swap3A_382 = arith.index_cast %swap3A_381 : i32 to index
          %swap3A_383 = arith.index_cast %add3A_269 : i32 to index
          %swap3A_384 = arith.constant 112 : index
          %swap3A_385 = tpu.vector_load %arg7[%swap3A_382, %swap3A_383, %swap3A_384] {strides = array<i32>} : memref<7x128x128xf32, #tpu.memory_space<vmem>>, vector<1x1x16xf32>,
          %swap3A_386 = vector.shape_cast %swap3A_385 : vector<1x1x16xf32> to vector<16xf32>
          %swap3A_387 = vector.shape_cast %mul3A_380 : vector<16xf32> to vector<1x1x16xf32>
          tpu.vector_store %arg7[%swap3A_382, %swap3A_383, %swap3A_384], %swap3A_387 {strides = array<i32>} : memref<7x128x128xf32, #tpu.memory_space<vmem>>, vector<1x1x16xf32>,
        }
        %scan3A_248 = arith.constant 128 : i32
        %mul3A_249 = arith.constant 128 : i32
        %mul3A_250 = arith.muli %add3A_185, %mul3A_249 : i32
        %add3A_251 = arith.addi %mul3A_2, %mul3A_250 : i32
        %dma_start3A_252 = arith.constant 2 : i32
        %dma_start3A_253 = arith.constant 0 : i32
        %dma_start3A_254 = arith.constant 0 : i32
        %dma_start3A_255 = tpu.memref_slice %arg7[%dma_start3A_252, %dma_start3A_253, %dma_start3A_254] : memref<7x128x128xf32, #tpu.memory_space<vmem>> -> memref<1x128x128xf32, #tpu.memory_space<vmem>>
        %dma_start3A_256 = tpu.memref_squeeze %dma_start3A_255 : memref<1x128x128xf32, #tpu.memory_space<vmem>> -> memref<128x128xf32, #tpu.memory_space<vmem>>
        %dma_start3A_257 = arith.constant 0 : i32
        %dma_start3A_258 = tpu.memref_slice %arg4[%add3A_251, %dma_start3A_257] : memref<204800x128xf32, #tpu.memory_space<hbm>> -> memref<128x128xf32, #tpu.memory_space<hbm>>
        %dma_start3A_259 = arith.constant 0 : i32
        %dma_start3A_260 = tpu.memref_slice %arg4[%add3A_251, %dma_start3A_259] : memref<204800x128xf32, #tpu.memory_space<hbm>> -> memref<128x128xf32, #tpu.memory_space<hbm>>
        %dma_start3A_261 = arith.constant 0 : i32
        %dma_start3A_262 = arith.constant 0 : i32
        %dma_start3A_263 = tpu.memref_slice %arg7[%dma_start3A_252, %dma_start3A_261, %dma_start3A_262] : memref<7x128x128xf32, #tpu.memory_space<vmem>> -> memref<1x128x128xf32, #tpu.memory_space<vmem>>
        %dma_start3A_264 = tpu.memref_squeeze %dma_start3A_263 : memref<1x128x128xf32, #tpu.memory_space<vmem>> -> memref<128x128xf32, #tpu.memory_space<vmem>>
        tpu.enqueue_dma source(%dma_start3A_264 : memref<128x128xf32, #tpu.memory_space<vmem>>) target(%dma_start3A_260 : memref<128x128xf32, #tpu.memory_space<hbm>>) target_semaphore(%arg17 : memref<!tpu.dma_semaphore, #tpu.memory_space<semaphore_mem>>)
      } else {
      }
      %add3A_191 = arith.constant 3 : i32
      %add3A_192 = arith.addi %add3A_172, %add3A_191 : i32
      %lt3A_193 = arith.constant 50 : i32
      %lt3A_194 = arith.cmpi slt, %add3A_192, %lt3A_193 : i32
      %convert_element_type3A_195 = arith.extui %lt3A_194 : i1 to i32
      %cond3A_196 = arith.constant 0 : i32
      %cond3A_197 = arith.cmpi ne, %convert_element_type3A_195, %cond3A_196 : i32
      scf.if %cond3A_197 {
        %mul3A_219 = arith.constant 128 : i32
        %mul3A_220 = arith.muli %add3A_192, %mul3A_219 : i32
        %dma_wait3A_221 = arith.constant 3 : i32
        %dma_wait3A_222 = arith.constant 0 : i32
        %dma_wait3A_223 = arith.constant 0 : i32
        %dma_wait3A_224 = tpu.memref_slice %arg7[%dma_wait3A_221, %dma_wait3A_222, %dma_wait3A_223] : memref<7x128x128xf32, #tpu.memory_space<vmem>> -> memref<1x128x128xf32, #tpu.memory_space<vmem>>
        %dma_wait3A_225 = tpu.memref_squeeze %dma_wait3A_224 : memref<1x128x128xf32, #tpu.memory_space<vmem>> -> memref<128x128xf32, #tpu.memory_space<vmem>>
        %dma_wait3A_226 = tpu.memref_slice %arg6[%mul3A_220] : memref<6400xi32, #tpu.memory_space<vmem>> -> memref<128xi32, #tpu.memory_space<vmem>>
        %dma_wait3A_227 = arith.constant 0 : i32
        %dma_wait3A_228 = arith.constant 0 : i32
        %dma_wait3A_229 = tpu.memref_slice %arg3[%dma_wait3A_227, %dma_wait3A_228] : memref<100000x128xf32, #tpu.memory_space<hbm>> -> memref<100000x128xf32, #tpu.memory_space<hbm>>
        tpu.wait_indirect_dma semaphore(%arg11 : memref<!tpu.dma_semaphore, #tpu.memory_space<semaphore_mem>>) src(%dma_wait3A_229 : memref<100000x128xf32, #tpu.memory_space<hbm>>) dst(%dma_wait3A_225 : memref<128x128xf32, #tpu.memory_space<vmem>>)
        %add3A_230 = arith.constant 5 : i32
        %add3A_231 = arith.addi %add3A_192, %add3A_230 : i32
        %sub3A = arith.constant 2 : i32
        %sub3A_232 = arith.subi %add3A_192, %sub3A : i32
        %ge3A = arith.constant 0 : i32
        %ge3A_233 = arith.cmpi sge, %sub3A_232, %ge3A : i32
        %lt3A_234 = arith.constant 50 : i32
        %lt3A_235 = arith.cmpi slt, %add3A_231, %lt3A_234 : i32
        %and3A = arith.andi %ge3A_233, %lt3A_235 : i1
        %convert_element_type3A_236 = arith.extui %and3A : i1 to i32
        %cond3A_237 = arith.constant 0 : i32
        %cond3A_238 = arith.cmpi ne, %convert_element_type3A_236, %cond3A_237 : i32
        scf.if %cond3A_238 {
          %mul3A_265 = arith.constant 128 : i32
          %mul3A_266 = arith.muli %sub3A_232, %mul3A_265 : i32
          %add3A_267 = arith.addi %mul3A_2, %mul3A_266 : i32
          %dma_wait3A_268 = arith.constant 1 : i32
          %dma_wait3A_269 = arith.constant 0 : i32
          %dma_wait3A_270 = arith.constant 0 : i32
          %dma_wait3A_271 = tpu.memref_slice %arg7[%dma_wait3A_268, %dma_wait3A_269, %dma_wait3A_270] : memref<7x128x128xf32, #tpu.memory_space<vmem>> -> memref<1x128x128xf32, #tpu.memory_space<vmem>>
          %dma_wait3A_272 = tpu.memref_squeeze %dma_wait3A_271 : memref<1x128x128xf32, #tpu.memory_space<vmem>> -> memref<128x128xf32, #tpu.memory_space<vmem>>
          %dma_wait3A_273 = arith.constant 0 : i32
          %dma_wait3A_274 = tpu.memref_slice %arg4[%add3A_267, %dma_wait3A_273] : memref<204800x128xf32, #tpu.memory_space<hbm>> -> memref<128x128xf32, #tpu.memory_space<hbm>>
          %dma_wait3A_275 = arith.constant 0 : i32
          %dma_wait3A_276 = tpu.memref_slice %arg4[%add3A_267, %dma_wait3A_275] : memref<204800x128xf32, #tpu.memory_space<hbm>> -> memref<128x128xf32, #tpu.memory_space<hbm>>
          %dma_wait3A_277 = arith.constant 0 : i32
          %dma_wait3A_278 = arith.constant 0 : i32
          %dma_wait3A_279 = tpu.memref_slice %arg7[%dma_wait3A_268, %dma_wait3A_277, %dma_wait3A_278] : memref<7x128x128xf32, #tpu.memory_space<vmem>> -> memref<1x128x128xf32, #tpu.memory_space<vmem>>
          %dma_wait3A_280 = tpu.memref_squeeze %dma_wait3A_279 : memref<1x128x128xf32, #tpu.memory_space<vmem>> -> memref<128x128xf32, #tpu.memory_space<vmem>>
          tpu.wait_dma2 semaphore(%arg16 : memref<!tpu.dma_semaphore, #tpu.memory_space<semaphore_mem>>) src(%dma_wait3A_280 : memref<128x128xf32, #tpu.memory_space<vmem>>) dst(%dma_wait3A_276 : memref<128x128xf32, #tpu.memory_space<hbm>>)
        } else {
        }
        %lt3A_239 = arith.constant 50 : i32
        %lt3A_240 = arith.cmpi slt, %add3A_231, %lt3A_239 : i32
        %convert_element_type3A_241 = arith.extui %lt3A_240 : i1 to i32
        %cond3A_242 = arith.constant 0 : i32
        %cond3A_243 = arith.cmpi ne, %convert_element_type3A_241, %cond3A_242 : i32
        scf.if %cond3A_243 {
          %mul3A_265 = arith.constant 128 : i32
          %mul3A_266 = arith.muli %add3A_231, %mul3A_265 : i32
          %dma_start3A_267 = arith.constant 1 : i32
          %dma_start3A_268 = arith.constant 0 : i32
          %dma_start3A_269 = arith.constant 0 : i32
          %dma_start3A_270 = tpu.memref_slice %arg7[%dma_start3A_267, %dma_start3A_268, %dma_start3A_269] : memref<7x128x128xf32, #tpu.memory_space<vmem>> -> memref<1x128x128xf32, #tpu.memory_space<vmem>>
          %dma_start3A_271 = tpu.memref_squeeze %dma_start3A_270 : memref<1x128x128xf32, #tpu.memory_space<vmem>> -> memref<128x128xf32, #tpu.memory_space<vmem>>
          %dma_start3A_272 = tpu.memref_slice %arg6[%mul3A_266] : memref<6400xi32, #tpu.memory_space<vmem>> -> memref<128xi32, #tpu.memory_space<vmem>>
          %dma_start3A_273 = arith.constant 0 : i32
          %dma_start3A_274 = arith.constant 0 : i32
          %dma_start3A_275 = tpu.memref_slice %arg3[%dma_start3A_273, %dma_start3A_274] : memref<100000x128xf32, #tpu.memory_space<hbm>> -> memref<100000x128xf32, #tpu.memory_space<hbm>>
          tpu.enqueue_indirect_dma source(%dma_start3A_275 : memref<100000x128xf32, #tpu.memory_space<hbm>>) target(%dma_start3A_271 : memref<128x128xf32, #tpu.memory_space<vmem>>) offsets(%dma_start3A_272 : memref<128xi32, #tpu.memory_space<vmem>>) semaphore(%arg9 : memref<!tpu.dma_semaphore, #tpu.memory_space<semaphore_mem>>)
        } else {
        }
        %scan3A_244 = arith.constant 0 : i32
        %scan3A_245 = arith.constant 128 : i32
        %scan3A_246 = arith.addi %scan3A_244, %scan3A_245 : i32
        %scan3A_247 = arith.constant 1 : i32
        scf.for %scan3A_265 = %scan3A_244 to %scan3A_246 step %scan3A_247  : i32 {
          %mul3A_266 = arith.constant 1 : i32
          %mul3A_267 = arith.muli %scan3A_265, %mul3A_266 : i32
          %add3A_268 = arith.constant 0 : i32
          %add3A_269 = arith.addi %add3A_268, %mul3A_267 : i32
          %get3A = arith.constant 3 : i32
          %get3A_270 = arith.index_cast %get3A : i32 to index
          %get3A_271 = arith.index_cast %add3A_269 : i32 to index
          %get3A_272 = arith.constant 0 : index
          %get3A_273 = tpu.vector_load %arg7[%get3A_270, %get3A_271, %get3A_272] {strides = array<i32>} : memref<7x128x128xf32, #tpu.memory_space<vmem>>, vector<1x1x16xf32>,
          %get3A_274 = vector.shape_cast %get3A_273 : vector<1x1x16xf32> to vector<16xf32>
          %mul3A_275 = vector.broadcast %scan3A_58 : f32 to vector<16xf32>
          %mul3A_276 = arith.mulf %get3A_274, %mul3A_275 : vector<16xf32>
          %swap3A = arith.constant 3 : i32
          %swap3A_277 = arith.index_cast %swap3A : i32 to index
          %swap3A_278 = arith.index_cast %add3A_269 : i32 to index
          %swap3A_279 = arith.constant 0 : index
          %swap3A_280 = tpu.vector_load %arg7[%swap3A_277, %swap3A_278, %swap3A_279] {strides = array<i32>} : memref<7x128x128xf32, #tpu.memory_space<vmem>>, vector<1x1x16xf32>,
          %swap3A_281 = vector.shape_cast %swap3A_280 : vector<1x1x16xf32> to vector<16xf32>
          %swap3A_282 = vector.shape_cast %mul3A_276 : vector<16xf32> to vector<1x1x16xf32>
          tpu.vector_store %arg7[%swap3A_277, %swap3A_278, %swap3A_279], %swap3A_282 {strides = array<i32>} : memref<7x128x128xf32, #tpu.memory_space<vmem>>, vector<1x1x16xf32>,
          %get3A_283 = arith.constant 3 : i32
          %get3A_284 = arith.index_cast %get3A_283 : i32 to index
          %get3A_285 = arith.index_cast %add3A_269 : i32 to index
          %get3A_286 = arith.constant 16 : index
          %get3A_287 = tpu.vector_load %arg7[%get3A_284, %get3A_285, %get3A_286] {strides = array<i32>} : memref<7x128x128xf32, #tpu.memory_space<vmem>>, vector<1x1x16xf32>,
          %get3A_288 = vector.shape_cast %get3A_287 : vector<1x1x16xf32> to vector<16xf32>
          %mul3A_289 = vector.broadcast %scan3A_58 : f32 to vector<16xf32>
          %mul3A_290 = arith.mulf %get3A_288, %mul3A_289 : vector<16xf32>
          %swap3A_291 = arith.constant 3 : i32
          %swap3A_292 = arith.index_cast %swap3A_291 : i32 to index
          %swap3A_293 = arith.index_cast %add3A_269 : i32 to index
          %swap3A_294 = arith.constant 16 : index
          %swap3A_295 = tpu.vector_load %arg7[%swap3A_292, %swap3A_293, %swap3A_294] {strides = array<i32>} : memref<7x128x128xf32, #tpu.memory_space<vmem>>, vector<1x1x16xf32>,
          %swap3A_296 = vector.shape_cast %swap3A_295 : vector<1x1x16xf32> to vector<16xf32>
          %swap3A_297 = vector.shape_cast %mul3A_290 : vector<16xf32> to vector<1x1x16xf32>
          tpu.vector_store %arg7[%swap3A_292, %swap3A_293, %swap3A_294], %swap3A_297 {strides = array<i32>} : memref<7x128x128xf32, #tpu.memory_space<vmem>>, vector<1x1x16xf32>,
          %get3A_298 = arith.constant 3 : i32
          %get3A_299 = arith.index_cast %get3A_298 : i32 to index
          %get3A_300 = arith.index_cast %add3A_269 : i32 to index
          %get3A_301 = arith.constant 32 : index
          %get3A_302 = tpu.vector_load %arg7[%get3A_299, %get3A_300, %get3A_301] {strides = array<i32>} : memref<7x128x128xf32, #tpu.memory_space<vmem>>, vector<1x1x16xf32>,
          %get3A_303 = vector.shape_cast %get3A_302 : vector<1x1x16xf32> to vector<16xf32>
          %mul3A_304 = vector.broadcast %scan3A_58 : f32 to vector<16xf32>
          %mul3A_305 = arith.mulf %get3A_303, %mul3A_304 : vector<16xf32>
          %swap3A_306 = arith.constant 3 : i32
          %swap3A_307 = arith.index_cast %swap3A_306 : i32 to index
          %swap3A_308 = arith.index_cast %add3A_269 : i32 to index
          %swap3A_309 = arith.constant 32 : index
          %swap3A_310 = tpu.vector_load %arg7[%swap3A_307, %swap3A_308, %swap3A_309] {strides = array<i32>} : memref<7x128x128xf32, #tpu.memory_space<vmem>>, vector<1x1x16xf32>,
          %swap3A_311 = vector.shape_cast %swap3A_310 : vector<1x1x16xf32> to vector<16xf32>
          %swap3A_312 = vector.shape_cast %mul3A_305 : vector<16xf32> to vector<1x1x16xf32>
          tpu.vector_store %arg7[%swap3A_307, %swap3A_308, %swap3A_309], %swap3A_312 {strides = array<i32>} : memref<7x128x128xf32, #tpu.memory_space<vmem>>, vector<1x1x16xf32>,
          %get3A_313 = arith.constant 3 : i32
          %get3A_314 = arith.index_cast %get3A_313 : i32 to index
          %get3A_315 = arith.index_cast %add3A_269 : i32 to index
          %get3A_316 = arith.constant 48 : index
          %get3A_317 = tpu.vector_load %arg7[%get3A_314, %get3A_315, %get3A_316] {strides = array<i32>} : memref<7x128x128xf32, #tpu.memory_space<vmem>>, vector<1x1x16xf32>,
          %get3A_318 = vector.shape_cast %get3A_317 : vector<1x1x16xf32> to vector<16xf32>
          %mul3A_319 = vector.broadcast %scan3A_58 : f32 to vector<16xf32>
          %mul3A_320 = arith.mulf %get3A_318, %mul3A_319 : vector<16xf32>
          %swap3A_321 = arith.constant 3 : i32
          %swap3A_322 = arith.index_cast %swap3A_321 : i32 to index
          %swap3A_323 = arith.index_cast %add3A_269 : i32 to index
          %swap3A_324 = arith.constant 48 : index
          %swap3A_325 = tpu.vector_load %arg7[%swap3A_322, %swap3A_323, %swap3A_324] {strides = array<i32>} : memref<7x128x128xf32, #tpu.memory_space<vmem>>, vector<1x1x16xf32>,
          %swap3A_326 = vector.shape_cast %swap3A_325 : vector<1x1x16xf32> to vector<16xf32>
          %swap3A_327 = vector.shape_cast %mul3A_320 : vector<16xf32> to vector<1x1x16xf32>
          tpu.vector_store %arg7[%swap3A_322, %swap3A_323, %swap3A_324], %swap3A_327 {strides = array<i32>} : memref<7x128x128xf32, #tpu.memory_space<vmem>>, vector<1x1x16xf32>,
          %get3A_328 = arith.constant 3 : i32
          %get3A_329 = arith.index_cast %get3A_328 : i32 to index
          %get3A_330 = arith.index_cast %add3A_269 : i32 to index
          %get3A_331 = arith.constant 64 : index
          %get3A_332 = tpu.vector_load %arg7[%get3A_329, %get3A_330, %get3A_331] {strides = array<i32>} : memref<7x128x128xf32, #tpu.memory_space<vmem>>, vector<1x1x16xf32>,
          %get3A_333 = vector.shape_cast %get3A_332 : vector<1x1x16xf32> to vector<16xf32>
          %mul3A_334 = vector.broadcast %scan3A_58 : f32 to vector<16xf32>
          %mul3A_335 = arith.mulf %get3A_333, %mul3A_334 : vector<16xf32>
          %swap3A_336 = arith.constant 3 : i32
          %swap3A_337 = arith.index_cast %swap3A_336 : i32 to index
          %swap3A_338 = arith.index_cast %add3A_269 : i32 to index
          %swap3A_339 = arith.constant 64 : index
          %swap3A_340 = tpu.vector_load %arg7[%swap3A_337, %swap3A_338, %swap3A_339] {strides = array<i32>} : memref<7x128x128xf32, #tpu.memory_space<vmem>>, vector<1x1x16xf32>,
          %swap3A_341 = vector.shape_cast %swap3A_340 : vector<1x1x16xf32> to vector<16xf32>
          %swap3A_342 = vector.shape_cast %mul3A_335 : vector<16xf32> to vector<1x1x16xf32>
          tpu.vector_store %arg7[%swap3A_337, %swap3A_338, %swap3A_339], %swap3A_342 {strides = array<i32>} : memref<7x128x128xf32, #tpu.memory_space<vmem>>, vector<1x1x16xf32>,
          %get3A_343 = arith.constant 3 : i32
          %get3A_344 = arith.index_cast %get3A_343 : i32 to index
          %get3A_345 = arith.index_cast %add3A_269 : i32 to index
          %get3A_346 = arith.constant 80 : index
          %get3A_347 = tpu.vector_load %arg7[%get3A_344, %get3A_345, %get3A_346] {strides = array<i32>} : memref<7x128x128xf32, #tpu.memory_space<vmem>>, vector<1x1x16xf32>,
          %get3A_348 = vector.shape_cast %get3A_347 : vector<1x1x16xf32> to vector<16xf32>
          %mul3A_349 = vector.broadcast %scan3A_58 : f32 to vector<16xf32>
          %mul3A_350 = arith.mulf %get3A_348, %mul3A_349 : vector<16xf32>
          %swap3A_351 = arith.constant 3 : i32
          %swap3A_352 = arith.index_cast %swap3A_351 : i32 to index
          %swap3A_353 = arith.index_cast %add3A_269 : i32 to index
          %swap3A_354 = arith.constant 80 : index
          %swap3A_355 = tpu.vector_load %arg7[%swap3A_352, %swap3A_353, %swap3A_354] {strides = array<i32>} : memref<7x128x128xf32, #tpu.memory_space<vmem>>, vector<1x1x16xf32>,
          %swap3A_356 = vector.shape_cast %swap3A_355 : vector<1x1x16xf32> to vector<16xf32>
          %swap3A_357 = vector.shape_cast %mul3A_350 : vector<16xf32> to vector<1x1x16xf32>
          tpu.vector_store %arg7[%swap3A_352, %swap3A_353, %swap3A_354], %swap3A_357 {strides = array<i32>} : memref<7x128x128xf32, #tpu.memory_space<vmem>>, vector<1x1x16xf32>,
          %get3A_358 = arith.constant 3 : i32
          %get3A_359 = arith.index_cast %get3A_358 : i32 to index
          %get3A_360 = arith.index_cast %add3A_269 : i32 to index
          %get3A_361 = arith.constant 96 : index
          %get3A_362 = tpu.vector_load %arg7[%get3A_359, %get3A_360, %get3A_361] {strides = array<i32>} : memref<7x128x128xf32, #tpu.memory_space<vmem>>, vector<1x1x16xf32>,
          %get3A_363 = vector.shape_cast %get3A_362 : vector<1x1x16xf32> to vector<16xf32>
          %mul3A_364 = vector.broadcast %scan3A_58 : f32 to vector<16xf32>
          %mul3A_365 = arith.mulf %get3A_363, %mul3A_364 : vector<16xf32>
          %swap3A_366 = arith.constant 3 : i32
          %swap3A_367 = arith.index_cast %swap3A_366 : i32 to index
          %swap3A_368 = arith.index_cast %add3A_269 : i32 to index
          %swap3A_369 = arith.constant 96 : index
          %swap3A_370 = tpu.vector_load %arg7[%swap3A_367, %swap3A_368, %swap3A_369] {strides = array<i32>} : memref<7x128x128xf32, #tpu.memory_space<vmem>>, vector<1x1x16xf32>,
          %swap3A_371 = vector.shape_cast %swap3A_370 : vector<1x1x16xf32> to vector<16xf32>
          %swap3A_372 = vector.shape_cast %mul3A_365 : vector<16xf32> to vector<1x1x16xf32>
          tpu.vector_store %arg7[%swap3A_367, %swap3A_368, %swap3A_369], %swap3A_372 {strides = array<i32>} : memref<7x128x128xf32, #tpu.memory_space<vmem>>, vector<1x1x16xf32>,
          %get3A_373 = arith.constant 3 : i32
          %get3A_374 = arith.index_cast %get3A_373 : i32 to index
          %get3A_375 = arith.index_cast %add3A_269 : i32 to index
          %get3A_376 = arith.constant 112 : index
          %get3A_377 = tpu.vector_load %arg7[%get3A_374, %get3A_375, %get3A_376] {strides = array<i32>} : memref<7x128x128xf32, #tpu.memory_space<vmem>>, vector<1x1x16xf32>,
          %get3A_378 = vector.shape_cast %get3A_377 : vector<1x1x16xf32> to vector<16xf32>
          %mul3A_379 = vector.broadcast %scan3A_58 : f32 to vector<16xf32>
          %mul3A_380 = arith.mulf %get3A_378, %mul3A_379 : vector<16xf32>
          %swap3A_381 = arith.constant 3 : i32
          %swap3A_382 = arith.index_cast %swap3A_381 : i32 to index
          %swap3A_383 = arith.index_cast %add3A_269 : i32 to index
          %swap3A_384 = arith.constant 112 : index
          %swap3A_385 = tpu.vector_load %arg7[%swap3A_382, %swap3A_383, %swap3A_384] {strides = array<i32>} : memref<7x128x128xf32, #tpu.memory_space<vmem>>, vector<1x1x16xf32>,
          %swap3A_386 = vector.shape_cast %swap3A_385 : vector<1x1x16xf32> to vector<16xf32>
          %swap3A_387 = vector.shape_cast %mul3A_380 : vector<16xf32> to vector<1x1x16xf32>
          tpu.vector_store %arg7[%swap3A_382, %swap3A_383, %swap3A_384], %swap3A_387 {strides = array<i32>} : memref<7x128x128xf32, #tpu.memory_space<vmem>>, vector<1x1x16xf32>,
        }
        %scan3A_248 = arith.constant 128 : i32
        %mul3A_249 = arith.constant 128 : i32
        %mul3A_250 = arith.muli %add3A_192, %mul3A_249 : i32
        %add3A_251 = arith.addi %mul3A_2, %mul3A_250 : i32
        %dma_start3A_252 = arith.constant 3 : i32
        %dma_start3A_253 = arith.constant 0 : i32
        %dma_start3A_254 = arith.constant 0 : i32
        %dma_start3A_255 = tpu.memref_slice %arg7[%dma_start3A_252, %dma_start3A_253, %dma_start3A_254] : memref<7x128x128xf32, #tpu.memory_space<vmem>> -> memref<1x128x128xf32, #tpu.memory_space<vmem>>
        %dma_start3A_256 = tpu.memref_squeeze %dma_start3A_255 : memref<1x128x128xf32, #tpu.memory_space<vmem>> -> memref<128x128xf32, #tpu.memory_space<vmem>>
        %dma_start3A_257 = arith.constant 0 : i32
        %dma_start3A_258 = tpu.memref_slice %arg4[%add3A_251, %dma_start3A_257] : memref<204800x128xf32, #tpu.memory_space<hbm>> -> memref<128x128xf32, #tpu.memory_space<hbm>>
        %dma_start3A_259 = arith.constant 0 : i32
        %dma_start3A_260 = tpu.memref_slice %arg4[%add3A_251, %dma_start3A_259] : memref<204800x128xf32, #tpu.memory_space<hbm>> -> memref<128x128xf32, #tpu.memory_space<hbm>>
        %dma_start3A_261 = arith.constant 0 : i32
        %dma_start3A_262 = arith.constant 0 : i32
        %dma_start3A_263 = tpu.memref_slice %arg7[%dma_start3A_252, %dma_start3A_261, %dma_start3A_262] : memref<7x128x128xf32, #tpu.memory_space<vmem>> -> memref<1x128x128xf32, #tpu.memory_space<vmem>>
        %dma_start3A_264 = tpu.memref_squeeze %dma_start3A_263 : memref<1x128x128xf32, #tpu.memory_space<vmem>> -> memref<128x128xf32, #tpu.memory_space<vmem>>
        tpu.enqueue_dma source(%dma_start3A_264 : memref<128x128xf32, #tpu.memory_space<vmem>>) target(%dma_start3A_260 : memref<128x128xf32, #tpu.memory_space<hbm>>) target_semaphore(%arg18 : memref<!tpu.dma_semaphore, #tpu.memory_space<semaphore_mem>>)
      } else {
      }
      %add3A_198 = arith.constant 4 : i32
      %add3A_199 = arith.addi %add3A_172, %add3A_198 : i32
      %lt3A_200 = arith.constant 50 : i32
      %lt3A_201 = arith.cmpi slt, %add3A_199, %lt3A_200 : i32
      %convert_element_type3A_202 = arith.extui %lt3A_201 : i1 to i32
      %cond3A_203 = arith.constant 0 : i32
      %cond3A_204 = arith.cmpi ne, %convert_element_type3A_202, %cond3A_203 : i32
      scf.if %cond3A_204 {
        %mul3A_219 = arith.constant 128 : i32
        %mul3A_220 = arith.muli %add3A_199, %mul3A_219 : i32
        %dma_wait3A_221 = arith.constant 4 : i32
        %dma_wait3A_222 = arith.constant 0 : i32
        %dma_wait3A_223 = arith.constant 0 : i32
        %dma_wait3A_224 = tpu.memref_slice %arg7[%dma_wait3A_221, %dma_wait3A_222, %dma_wait3A_223] : memref<7x128x128xf32, #tpu.memory_space<vmem>> -> memref<1x128x128xf32, #tpu.memory_space<vmem>>
        %dma_wait3A_225 = tpu.memref_squeeze %dma_wait3A_224 : memref<1x128x128xf32, #tpu.memory_space<vmem>> -> memref<128x128xf32, #tpu.memory_space<vmem>>
        %dma_wait3A_226 = tpu.memref_slice %arg6[%mul3A_220] : memref<6400xi32, #tpu.memory_space<vmem>> -> memref<128xi32, #tpu.memory_space<vmem>>
        %dma_wait3A_227 = arith.constant 0 : i32
        %dma_wait3A_228 = arith.constant 0 : i32
        %dma_wait3A_229 = tpu.memref_slice %arg3[%dma_wait3A_227, %dma_wait3A_228] : memref<100000x128xf32, #tpu.memory_space<hbm>> -> memref<100000x128xf32, #tpu.memory_space<hbm>>
        tpu.wait_indirect_dma semaphore(%arg12 : memref<!tpu.dma_semaphore, #tpu.memory_space<semaphore_mem>>) src(%dma_wait3A_229 : memref<100000x128xf32, #tpu.memory_space<hbm>>) dst(%dma_wait3A_225 : memref<128x128xf32, #tpu.memory_space<vmem>>)
        %add3A_230 = arith.constant 5 : i32
        %add3A_231 = arith.addi %add3A_199, %add3A_230 : i32
        %sub3A = arith.constant 2 : i32
        %sub3A_232 = arith.subi %add3A_199, %sub3A : i32
        %ge3A = arith.constant 0 : i32
        %ge3A_233 = arith.cmpi sge, %sub3A_232, %ge3A : i32
        %lt3A_234 = arith.constant 50 : i32
        %lt3A_235 = arith.cmpi slt, %add3A_231, %lt3A_234 : i32
        %and3A = arith.andi %ge3A_233, %lt3A_235 : i1
        %convert_element_type3A_236 = arith.extui %and3A : i1 to i32
        %cond3A_237 = arith.constant 0 : i32
        %cond3A_238 = arith.cmpi ne, %convert_element_type3A_236, %cond3A_237 : i32
        scf.if %cond3A_238 {
          %mul3A_265 = arith.constant 128 : i32
          %mul3A_266 = arith.muli %sub3A_232, %mul3A_265 : i32
          %add3A_267 = arith.addi %mul3A_2, %mul3A_266 : i32
          %dma_wait3A_268 = arith.constant 2 : i32
          %dma_wait3A_269 = arith.constant 0 : i32
          %dma_wait3A_270 = arith.constant 0 : i32
          %dma_wait3A_271 = tpu.memref_slice %arg7[%dma_wait3A_268, %dma_wait3A_269, %dma_wait3A_270] : memref<7x128x128xf32, #tpu.memory_space<vmem>> -> memref<1x128x128xf32, #tpu.memory_space<vmem>>
          %dma_wait3A_272 = tpu.memref_squeeze %dma_wait3A_271 : memref<1x128x128xf32, #tpu.memory_space<vmem>> -> memref<128x128xf32, #tpu.memory_space<vmem>>
          %dma_wait3A_273 = arith.constant 0 : i32
          %dma_wait3A_274 = tpu.memref_slice %arg4[%add3A_267, %dma_wait3A_273] : memref<204800x128xf32, #tpu.memory_space<hbm>> -> memref<128x128xf32, #tpu.memory_space<hbm>>
          %dma_wait3A_275 = arith.constant 0 : i32
          %dma_wait3A_276 = tpu.memref_slice %arg4[%add3A_267, %dma_wait3A_275] : memref<204800x128xf32, #tpu.memory_space<hbm>> -> memref<128x128xf32, #tpu.memory_space<hbm>>
          %dma_wait3A_277 = arith.constant 0 : i32
          %dma_wait3A_278 = arith.constant 0 : i32
          %dma_wait3A_279 = tpu.memref_slice %arg7[%dma_wait3A_268, %dma_wait3A_277, %dma_wait3A_278] : memref<7x128x128xf32, #tpu.memory_space<vmem>> -> memref<1x128x128xf32, #tpu.memory_space<vmem>>
          %dma_wait3A_280 = tpu.memref_squeeze %dma_wait3A_279 : memref<1x128x128xf32, #tpu.memory_space<vmem>> -> memref<128x128xf32, #tpu.memory_space<vmem>>
          tpu.wait_dma2 semaphore(%arg17 : memref<!tpu.dma_semaphore, #tpu.memory_space<semaphore_mem>>) src(%dma_wait3A_280 : memref<128x128xf32, #tpu.memory_space<vmem>>) dst(%dma_wait3A_276 : memref<128x128xf32, #tpu.memory_space<hbm>>)
        } else {
        }
        %lt3A_239 = arith.constant 50 : i32
        %lt3A_240 = arith.cmpi slt, %add3A_231, %lt3A_239 : i32
        %convert_element_type3A_241 = arith.extui %lt3A_240 : i1 to i32
        %cond3A_242 = arith.constant 0 : i32
        %cond3A_243 = arith.cmpi ne, %convert_element_type3A_241, %cond3A_242 : i32
        scf.if %cond3A_243 {
          %mul3A_265 = arith.constant 128 : i32
          %mul3A_266 = arith.muli %add3A_231, %mul3A_265 : i32
          %dma_start3A_267 = arith.constant 2 : i32
          %dma_start3A_268 = arith.constant 0 : i32
          %dma_start3A_269 = arith.constant 0 : i32
          %dma_start3A_270 = tpu.memref_slice %arg7[%dma_start3A_267, %dma_start3A_268, %dma_start3A_269] : memref<7x128x128xf32, #tpu.memory_space<vmem>> -> memref<1x128x128xf32, #tpu.memory_space<vmem>>
          %dma_start3A_271 = tpu.memref_squeeze %dma_start3A_270 : memref<1x128x128xf32, #tpu.memory_space<vmem>> -> memref<128x128xf32, #tpu.memory_space<vmem>>
          %dma_start3A_272 = tpu.memref_slice %arg6[%mul3A_266] : memref<6400xi32, #tpu.memory_space<vmem>> -> memref<128xi32, #tpu.memory_space<vmem>>
          %dma_start3A_273 = arith.constant 0 : i32
          %dma_start3A_274 = arith.constant 0 : i32
          %dma_start3A_275 = tpu.memref_slice %arg3[%dma_start3A_273, %dma_start3A_274] : memref<100000x128xf32, #tpu.memory_space<hbm>> -> memref<100000x128xf32, #tpu.memory_space<hbm>>
          tpu.enqueue_indirect_dma source(%dma_start3A_275 : memref<100000x128xf32, #tpu.memory_space<hbm>>) target(%dma_start3A_271 : memref<128x128xf32, #tpu.memory_space<vmem>>) offsets(%dma_start3A_272 : memref<128xi32, #tpu.memory_space<vmem>>) semaphore(%arg10 : memref<!tpu.dma_semaphore, #tpu.memory_space<semaphore_mem>>)
        } else {
        }
        %scan3A_244 = arith.constant 0 : i32
        %scan3A_245 = arith.constant 128 : i32
        %scan3A_246 = arith.addi %scan3A_244, %scan3A_245 : i32
        %scan3A_247 = arith.constant 1 : i32
        scf.for %scan3A_265 = %scan3A_244 to %scan3A_246 step %scan3A_247  : i32 {
          %mul3A_266 = arith.constant 1 : i32
          %mul3A_267 = arith.muli %scan3A_265, %mul3A_266 : i32
          %add3A_268 = arith.constant 0 : i32
          %add3A_269 = arith.addi %add3A_268, %mul3A_267 : i32
          %get3A = arith.constant 4 : i32
          %get3A_270 = arith.index_cast %get3A : i32 to index
          %get3A_271 = arith.index_cast %add3A_269 : i32 to index
          %get3A_272 = arith.constant 0 : index
          %get3A_273 = tpu.vector_load %arg7[%get3A_270, %get3A_271, %get3A_272] {strides = array<i32>} : memref<7x128x128xf32, #tpu.memory_space<vmem>>, vector<1x1x16xf32>,
          %get3A_274 = vector.shape_cast %get3A_273 : vector<1x1x16xf32> to vector<16xf32>
          %mul3A_275 = vector.broadcast %scan3A_58 : f32 to vector<16xf32>
          %mul3A_276 = arith.mulf %get3A_274, %mul3A_275 : vector<16xf32>
          %swap3A = arith.constant 4 : i32
          %swap3A_277 = arith.index_cast %swap3A : i32 to index
          %swap3A_278 = arith.index_cast %add3A_269 : i32 to index
          %swap3A_279 = arith.constant 0 : index
          %swap3A_280 = tpu.vector_load %arg7[%swap3A_277, %swap3A_278, %swap3A_279] {strides = array<i32>} : memref<7x128x128xf32, #tpu.memory_space<vmem>>, vector<1x1x16xf32>,
          %swap3A_281 = vector.shape_cast %swap3A_280 : vector<1x1x16xf32> to vector<16xf32>
          %swap3A_282 = vector.shape_cast %mul3A_276 : vector<16xf32> to vector<1x1x16xf32>
          tpu.vector_store %arg7[%swap3A_277, %swap3A_278, %swap3A_279], %swap3A_282 {strides = array<i32>} : memref<7x128x128xf32, #tpu.memory_space<vmem>>, vector<1x1x16xf32>,
          %get3A_283 = arith.constant 4 : i32
          %get3A_284 = arith.index_cast %get3A_283 : i32 to index
          %get3A_285 = arith.index_cast %add3A_269 : i32 to index
          %get3A_286 = arith.constant 16 : index
          %get3A_287 = tpu.vector_load %arg7[%get3A_284, %get3A_285, %get3A_286] {strides = array<i32>} : memref<7x128x128xf32, #tpu.memory_space<vmem>>, vector<1x1x16xf32>,
          %get3A_288 = vector.shape_cast %get3A_287 : vector<1x1x16xf32> to vector<16xf32>
          %mul3A_289 = vector.broadcast %scan3A_58 : f32 to vector<16xf32>
          %mul3A_290 = arith.mulf %get3A_288, %mul3A_289 : vector<16xf32>
          %swap3A_291 = arith.constant 4 : i32
          %swap3A_292 = arith.index_cast %swap3A_291 : i32 to index
          %swap3A_293 = arith.index_cast %add3A_269 : i32 to index
          %swap3A_294 = arith.constant 16 : index
          %swap3A_295 = tpu.vector_load %arg7[%swap3A_292, %swap3A_293, %swap3A_294] {strides = array<i32>} : memref<7x128x128xf32, #tpu.memory_space<vmem>>, vector<1x1x16xf32>,
          %swap3A_296 = vector.shape_cast %swap3A_295 : vector<1x1x16xf32> to vector<16xf32>
          %swap3A_297 = vector.shape_cast %mul3A_290 : vector<16xf32> to vector<1x1x16xf32>
          tpu.vector_store %arg7[%swap3A_292, %swap3A_293, %swap3A_294], %swap3A_297 {strides = array<i32>} : memref<7x128x128xf32, #tpu.memory_space<vmem>>, vector<1x1x16xf32>,
          %get3A_298 = arith.constant 4 : i32
          %get3A_299 = arith.index_cast %get3A_298 : i32 to index
          %get3A_300 = arith.index_cast %add3A_269 : i32 to index
          %get3A_301 = arith.constant 32 : index
          %get3A_302 = tpu.vector_load %arg7[%get3A_299, %get3A_300, %get3A_301] {strides = array<i32>} : memref<7x128x128xf32, #tpu.memory_space<vmem>>, vector<1x1x16xf32>,
          %get3A_303 = vector.shape_cast %get3A_302 : vector<1x1x16xf32> to vector<16xf32>
          %mul3A_304 = vector.broadcast %scan3A_58 : f32 to vector<16xf32>
          %mul3A_305 = arith.mulf %get3A_303, %mul3A_304 : vector<16xf32>
          %swap3A_306 = arith.constant 4 : i32
          %swap3A_307 = arith.index_cast %swap3A_306 : i32 to index
          %swap3A_308 = arith.index_cast %add3A_269 : i32 to index
          %swap3A_309 = arith.constant 32 : index
          %swap3A_310 = tpu.vector_load %arg7[%swap3A_307, %swap3A_308, %swap3A_309] {strides = array<i32>} : memref<7x128x128xf32, #tpu.memory_space<vmem>>, vector<1x1x16xf32>,
          %swap3A_311 = vector.shape_cast %swap3A_310 : vector<1x1x16xf32> to vector<16xf32>
          %swap3A_312 = vector.shape_cast %mul3A_305 : vector<16xf32> to vector<1x1x16xf32>
          tpu.vector_store %arg7[%swap3A_307, %swap3A_308, %swap3A_309], %swap3A_312 {strides = array<i32>} : memref<7x128x128xf32, #tpu.memory_space<vmem>>, vector<1x1x16xf32>,
          %get3A_313 = arith.constant 4 : i32
          %get3A_314 = arith.index_cast %get3A_313 : i32 to index
          %get3A_315 = arith.index_cast %add3A_269 : i32 to index
          %get3A_316 = arith.constant 48 : index
          %get3A_317 = tpu.vector_load %arg7[%get3A_314, %get3A_315, %get3A_316] {strides = array<i32>} : memref<7x128x128xf32, #tpu.memory_space<vmem>>, vector<1x1x16xf32>,
          %get3A_318 = vector.shape_cast %get3A_317 : vector<1x1x16xf32> to vector<16xf32>
          %mul3A_319 = vector.broadcast %scan3A_58 : f32 to vector<16xf32>
          %mul3A_320 = arith.mulf %get3A_318, %mul3A_319 : vector<16xf32>
          %swap3A_321 = arith.constant 4 : i32
          %swap3A_322 = arith.index_cast %swap3A_321 : i32 to index
          %swap3A_323 = arith.index_cast %add3A_269 : i32 to index
          %swap3A_324 = arith.constant 48 : index
          %swap3A_325 = tpu.vector_load %arg7[%swap3A_322, %swap3A_323, %swap3A_324] {strides = array<i32>} : memref<7x128x128xf32, #tpu.memory_space<vmem>>, vector<1x1x16xf32>,
          %swap3A_326 = vector.shape_cast %swap3A_325 : vector<1x1x16xf32> to vector<16xf32>
          %swap3A_327 = vector.shape_cast %mul3A_320 : vector<16xf32> to vector<1x1x16xf32>
          tpu.vector_store %arg7[%swap3A_322, %swap3A_323, %swap3A_324], %swap3A_327 {strides = array<i32>} : memref<7x128x128xf32, #tpu.memory_space<vmem>>, vector<1x1x16xf32>,
          %get3A_328 = arith.constant 4 : i32
          %get3A_329 = arith.index_cast %get3A_328 : i32 to index
          %get3A_330 = arith.index_cast %add3A_269 : i32 to index
          %get3A_331 = arith.constant 64 : index
          %get3A_332 = tpu.vector_load %arg7[%get3A_329, %get3A_330, %get3A_331] {strides = array<i32>} : memref<7x128x128xf32, #tpu.memory_space<vmem>>, vector<1x1x16xf32>,
          %get3A_333 = vector.shape_cast %get3A_332 : vector<1x1x16xf32> to vector<16xf32>
          %mul3A_334 = vector.broadcast %scan3A_58 : f32 to vector<16xf32>
          %mul3A_335 = arith.mulf %get3A_333, %mul3A_334 : vector<16xf32>
          %swap3A_336 = arith.constant 4 : i32
          %swap3A_337 = arith.index_cast %swap3A_336 : i32 to index
          %swap3A_338 = arith.index_cast %add3A_269 : i32 to index
          %swap3A_339 = arith.constant 64 : index
          %swap3A_340 = tpu.vector_load %arg7[%swap3A_337, %swap3A_338, %swap3A_339] {strides = array<i32>} : memref<7x128x128xf32, #tpu.memory_space<vmem>>, vector<1x1x16xf32>,
          %swap3A_341 = vector.shape_cast %swap3A_340 : vector<1x1x16xf32> to vector<16xf32>
          %swap3A_342 = vector.shape_cast %mul3A_335 : vector<16xf32> to vector<1x1x16xf32>
          tpu.vector_store %arg7[%swap3A_337, %swap3A_338, %swap3A_339], %swap3A_342 {strides = array<i32>} : memref<7x128x128xf32, #tpu.memory_space<vmem>>, vector<1x1x16xf32>,
          %get3A_343 = arith.constant 4 : i32
          %get3A_344 = arith.index_cast %get3A_343 : i32 to index
          %get3A_345 = arith.index_cast %add3A_269 : i32 to index
          %get3A_346 = arith.constant 80 : index
          %get3A_347 = tpu.vector_load %arg7[%get3A_344, %get3A_345, %get3A_346] {strides = array<i32>} : memref<7x128x128xf32, #tpu.memory_space<vmem>>, vector<1x1x16xf32>,
          %get3A_348 = vector.shape_cast %get3A_347 : vector<1x1x16xf32> to vector<16xf32>
          %mul3A_349 = vector.broadcast %scan3A_58 : f32 to vector<16xf32>
          %mul3A_350 = arith.mulf %get3A_348, %mul3A_349 : vector<16xf32>
          %swap3A_351 = arith.constant 4 : i32
          %swap3A_352 = arith.index_cast %swap3A_351 : i32 to index
          %swap3A_353 = arith.index_cast %add3A_269 : i32 to index
          %swap3A_354 = arith.constant 80 : index
          %swap3A_355 = tpu.vector_load %arg7[%swap3A_352, %swap3A_353, %swap3A_354] {strides = array<i32>} : memref<7x128x128xf32, #tpu.memory_space<vmem>>, vector<1x1x16xf32>,
          %swap3A_356 = vector.shape_cast %swap3A_355 : vector<1x1x16xf32> to vector<16xf32>
          %swap3A_357 = vector.shape_cast %mul3A_350 : vector<16xf32> to vector<1x1x16xf32>
          tpu.vector_store %arg7[%swap3A_352, %swap3A_353, %swap3A_354], %swap3A_357 {strides = array<i32>} : memref<7x128x128xf32, #tpu.memory_space<vmem>>, vector<1x1x16xf32>,
          %get3A_358 = arith.constant 4 : i32
          %get3A_359 = arith.index_cast %get3A_358 : i32 to index
          %get3A_360 = arith.index_cast %add3A_269 : i32 to index
          %get3A_361 = arith.constant 96 : index
          %get3A_362 = tpu.vector_load %arg7[%get3A_359, %get3A_360, %get3A_361] {strides = array<i32>} : memref<7x128x128xf32, #tpu.memory_space<vmem>>, vector<1x1x16xf32>,
          %get3A_363 = vector.shape_cast %get3A_362 : vector<1x1x16xf32> to vector<16xf32>
          %mul3A_364 = vector.broadcast %scan3A_58 : f32 to vector<16xf32>
          %mul3A_365 = arith.mulf %get3A_363, %mul3A_364 : vector<16xf32>
          %swap3A_366 = arith.constant 4 : i32
          %swap3A_367 = arith.index_cast %swap3A_366 : i32 to index
          %swap3A_368 = arith.index_cast %add3A_269 : i32 to index
          %swap3A_369 = arith.constant 96 : index
          %swap3A_370 = tpu.vector_load %arg7[%swap3A_367, %swap3A_368, %swap3A_369] {strides = array<i32>} : memref<7x128x128xf32, #tpu.memory_space<vmem>>, vector<1x1x16xf32>,
          %swap3A_371 = vector.shape_cast %swap3A_370 : vector<1x1x16xf32> to vector<16xf32>
          %swap3A_372 = vector.shape_cast %mul3A_365 : vector<16xf32> to vector<1x1x16xf32>
          tpu.vector_store %arg7[%swap3A_367, %swap3A_368, %swap3A_369], %swap3A_372 {strides = array<i32>} : memref<7x128x128xf32, #tpu.memory_space<vmem>>, vector<1x1x16xf32>,
          %get3A_373 = arith.constant 4 : i32
          %get3A_374 = arith.index_cast %get3A_373 : i32 to index
          %get3A_375 = arith.index_cast %add3A_269 : i32 to index
          %get3A_376 = arith.constant 112 : index
          %get3A_377 = tpu.vector_load %arg7[%get3A_374, %get3A_375, %get3A_376] {strides = array<i32>} : memref<7x128x128xf32, #tpu.memory_space<vmem>>, vector<1x1x16xf32>,
          %get3A_378 = vector.shape_cast %get3A_377 : vector<1x1x16xf32> to vector<16xf32>
          %mul3A_379 = vector.broadcast %scan3A_58 : f32 to vector<16xf32>
          %mul3A_380 = arith.mulf %get3A_378, %mul3A_379 : vector<16xf32>
          %swap3A_381 = arith.constant 4 : i32
          %swap3A_382 = arith.index_cast %swap3A_381 : i32 to index
          %swap3A_383 = arith.index_cast %add3A_269 : i32 to index
          %swap3A_384 = arith.constant 112 : index
          %swap3A_385 = tpu.vector_load %arg7[%swap3A_382, %swap3A_383, %swap3A_384] {strides = array<i32>} : memref<7x128x128xf32, #tpu.memory_space<vmem>>, vector<1x1x16xf32>,
          %swap3A_386 = vector.shape_cast %swap3A_385 : vector<1x1x16xf32> to vector<16xf32>
          %swap3A_387 = vector.shape_cast %mul3A_380 : vector<16xf32> to vector<1x1x16xf32>
          tpu.vector_store %arg7[%swap3A_382, %swap3A_383, %swap3A_384], %swap3A_387 {strides = array<i32>} : memref<7x128x128xf32, #tpu.memory_space<vmem>>, vector<1x1x16xf32>,
        }
        %scan3A_248 = arith.constant 128 : i32
        %mul3A_249 = arith.constant 128 : i32
        %mul3A_250 = arith.muli %add3A_199, %mul3A_249 : i32
        %add3A_251 = arith.addi %mul3A_2, %mul3A_250 : i32
        %dma_start3A_252 = arith.constant 4 : i32
        %dma_start3A_253 = arith.constant 0 : i32
        %dma_start3A_254 = arith.constant 0 : i32
        %dma_start3A_255 = tpu.memref_slice %arg7[%dma_start3A_252, %dma_start3A_253, %dma_start3A_254] : memref<7x128x128xf32, #tpu.memory_space<vmem>> -> memref<1x128x128xf32, #tpu.memory_space<vmem>>
        %dma_start3A_256 = tpu.memref_squeeze %dma_start3A_255 : memref<1x128x128xf32, #tpu.memory_space<vmem>> -> memref<128x128xf32, #tpu.memory_space<vmem>>
        %dma_start3A_257 = arith.constant 0 : i32
        %dma_start3A_258 = tpu.memref_slice %arg4[%add3A_251, %dma_start3A_257] : memref<204800x128xf32, #tpu.memory_space<hbm>> -> memref<128x128xf32, #tpu.memory_space<hbm>>
        %dma_start3A_259 = arith.constant 0 : i32
        %dma_start3A_260 = tpu.memref_slice %arg4[%add3A_251, %dma_start3A_259] : memref<204800x128xf32, #tpu.memory_space<hbm>> -> memref<128x128xf32, #tpu.memory_space<hbm>>
        %dma_start3A_261 = arith.constant 0 : i32
        %dma_start3A_262 = arith.constant 0 : i32
        %dma_start3A_263 = tpu.memref_slice %arg7[%dma_start3A_252, %dma_start3A_261, %dma_start3A_262] : memref<7x128x128xf32, #tpu.memory_space<vmem>> -> memref<1x128x128xf32, #tpu.memory_space<vmem>>
        %dma_start3A_264 = tpu.memref_squeeze %dma_start3A_263 : memref<1x128x128xf32, #tpu.memory_space<vmem>> -> memref<128x128xf32, #tpu.memory_space<vmem>>
        tpu.enqueue_dma source(%dma_start3A_264 : memref<128x128xf32, #tpu.memory_space<vmem>>) target(%dma_start3A_260 : memref<128x128xf32, #tpu.memory_space<hbm>>) target_semaphore(%arg19 : memref<!tpu.dma_semaphore, #tpu.memory_space<semaphore_mem>>)
      } else {
      }
      %add3A_205 = arith.constant 5 : i32
      %add3A_206 = arith.addi %add3A_172, %add3A_205 : i32
      %lt3A_207 = arith.constant 50 : i32
      %lt3A_208 = arith.cmpi slt, %add3A_206, %lt3A_207 : i32
      %convert_element_type3A_209 = arith.extui %lt3A_208 : i1 to i32
      %cond3A_210 = arith.constant 0 : i32
      %cond3A_211 = arith.cmpi ne, %convert_element_type3A_209, %cond3A_210 : i32
      scf.if %cond3A_211 {
        %mul3A_219 = arith.constant 128 : i32
        %mul3A_220 = arith.muli %add3A_206, %mul3A_219 : i32
        %dma_wait3A_221 = arith.constant 5 : i32
        %dma_wait3A_222 = arith.constant 0 : i32
        %dma_wait3A_223 = arith.constant 0 : i32
        %dma_wait3A_224 = tpu.memref_slice %arg7[%dma_wait3A_221, %dma_wait3A_222, %dma_wait3A_223] : memref<7x128x128xf32, #tpu.memory_space<vmem>> -> memref<1x128x128xf32, #tpu.memory_space<vmem>>
        %dma_wait3A_225 = tpu.memref_squeeze %dma_wait3A_224 : memref<1x128x128xf32, #tpu.memory_space<vmem>> -> memref<128x128xf32, #tpu.memory_space<vmem>>
        %dma_wait3A_226 = tpu.memref_slice %arg6[%mul3A_220] : memref<6400xi32, #tpu.memory_space<vmem>> -> memref<128xi32, #tpu.memory_space<vmem>>
        %dma_wait3A_227 = arith.constant 0 : i32
        %dma_wait3A_228 = arith.constant 0 : i32
        %dma_wait3A_229 = tpu.memref_slice %arg3[%dma_wait3A_227, %dma_wait3A_228] : memref<100000x128xf32, #tpu.memory_space<hbm>> -> memref<100000x128xf32, #tpu.memory_space<hbm>>
        tpu.wait_indirect_dma semaphore(%arg13 : memref<!tpu.dma_semaphore, #tpu.memory_space<semaphore_mem>>) src(%dma_wait3A_229 : memref<100000x128xf32, #tpu.memory_space<hbm>>) dst(%dma_wait3A_225 : memref<128x128xf32, #tpu.memory_space<vmem>>)
        %add3A_230 = arith.constant 5 : i32
        %add3A_231 = arith.addi %add3A_206, %add3A_230 : i32
        %sub3A = arith.constant 2 : i32
        %sub3A_232 = arith.subi %add3A_206, %sub3A : i32
        %ge3A = arith.constant 0 : i32
        %ge3A_233 = arith.cmpi sge, %sub3A_232, %ge3A : i32
        %lt3A_234 = arith.constant 50 : i32
        %lt3A_235 = arith.cmpi slt, %add3A_231, %lt3A_234 : i32
        %and3A = arith.andi %ge3A_233, %lt3A_235 : i1
        %convert_element_type3A_236 = arith.extui %and3A : i1 to i32
        %cond3A_237 = arith.constant 0 : i32
        %cond3A_238 = arith.cmpi ne, %convert_element_type3A_236, %cond3A_237 : i32
        scf.if %cond3A_238 {
          %mul3A_265 = arith.constant 128 : i32
          %mul3A_266 = arith.muli %sub3A_232, %mul3A_265 : i32
          %add3A_267 = arith.addi %mul3A_2, %mul3A_266 : i32
          %dma_wait3A_268 = arith.constant 3 : i32
          %dma_wait3A_269 = arith.constant 0 : i32
          %dma_wait3A_270 = arith.constant 0 : i32
          %dma_wait3A_271 = tpu.memref_slice %arg7[%dma_wait3A_268, %dma_wait3A_269, %dma_wait3A_270] : memref<7x128x128xf32, #tpu.memory_space<vmem>> -> memref<1x128x128xf32, #tpu.memory_space<vmem>>
          %dma_wait3A_272 = tpu.memref_squeeze %dma_wait3A_271 : memref<1x128x128xf32, #tpu.memory_space<vmem>> -> memref<128x128xf32, #tpu.memory_space<vmem>>
          %dma_wait3A_273 = arith.constant 0 : i32
          %dma_wait3A_274 = tpu.memref_slice %arg4[%add3A_267, %dma_wait3A_273] : memref<204800x128xf32, #tpu.memory_space<hbm>> -> memref<128x128xf32, #tpu.memory_space<hbm>>
          %dma_wait3A_275 = arith.constant 0 : i32
          %dma_wait3A_276 = tpu.memref_slice %arg4[%add3A_267, %dma_wait3A_275] : memref<204800x128xf32, #tpu.memory_space<hbm>> -> memref<128x128xf32, #tpu.memory_space<hbm>>
          %dma_wait3A_277 = arith.constant 0 : i32
          %dma_wait3A_278 = arith.constant 0 : i32
          %dma_wait3A_279 = tpu.memref_slice %arg7[%dma_wait3A_268, %dma_wait3A_277, %dma_wait3A_278] : memref<7x128x128xf32, #tpu.memory_space<vmem>> -> memref<1x128x128xf32, #tpu.memory_space<vmem>>
          %dma_wait3A_280 = tpu.memref_squeeze %dma_wait3A_279 : memref<1x128x128xf32, #tpu.memory_space<vmem>> -> memref<128x128xf32, #tpu.memory_space<vmem>>
          tpu.wait_dma2 semaphore(%arg18 : memref<!tpu.dma_semaphore, #tpu.memory_space<semaphore_mem>>) src(%dma_wait3A_280 : memref<128x128xf32, #tpu.memory_space<vmem>>) dst(%dma_wait3A_276 : memref<128x128xf32, #tpu.memory_space<hbm>>)
        } else {
        }
        %lt3A_239 = arith.constant 50 : i32
        %lt3A_240 = arith.cmpi slt, %add3A_231, %lt3A_239 : i32
        %convert_element_type3A_241 = arith.extui %lt3A_240 : i1 to i32
        %cond3A_242 = arith.constant 0 : i32
        %cond3A_243 = arith.cmpi ne, %convert_element_type3A_241, %cond3A_242 : i32
        scf.if %cond3A_243 {
          %mul3A_265 = arith.constant 128 : i32
          %mul3A_266 = arith.muli %add3A_231, %mul3A_265 : i32
          %dma_start3A_267 = arith.constant 3 : i32
          %dma_start3A_268 = arith.constant 0 : i32
          %dma_start3A_269 = arith.constant 0 : i32
          %dma_start3A_270 = tpu.memref_slice %arg7[%dma_start3A_267, %dma_start3A_268, %dma_start3A_269] : memref<7x128x128xf32, #tpu.memory_space<vmem>> -> memref<1x128x128xf32, #tpu.memory_space<vmem>>
          %dma_start3A_271 = tpu.memref_squeeze %dma_start3A_270 : memref<1x128x128xf32, #tpu.memory_space<vmem>> -> memref<128x128xf32, #tpu.memory_space<vmem>>
          %dma_start3A_272 = tpu.memref_slice %arg6[%mul3A_266] : memref<6400xi32, #tpu.memory_space<vmem>> -> memref<128xi32, #tpu.memory_space<vmem>>
          %dma_start3A_273 = arith.constant 0 : i32
          %dma_start3A_274 = arith.constant 0 : i32
          %dma_start3A_275 = tpu.memref_slice %arg3[%dma_start3A_273, %dma_start3A_274] : memref<100000x128xf32, #tpu.memory_space<hbm>> -> memref<100000x128xf32, #tpu.memory_space<hbm>>
          tpu.enqueue_indirect_dma source(%dma_start3A_275 : memref<100000x128xf32, #tpu.memory_space<hbm>>) target(%dma_start3A_271 : memref<128x128xf32, #tpu.memory_space<vmem>>) offsets(%dma_start3A_272 : memref<128xi32, #tpu.memory_space<vmem>>) semaphore(%arg11 : memref<!tpu.dma_semaphore, #tpu.memory_space<semaphore_mem>>)
        } else {
        }
        %scan3A_244 = arith.constant 0 : i32
        %scan3A_245 = arith.constant 128 : i32
        %scan3A_246 = arith.addi %scan3A_244, %scan3A_245 : i32
        %scan3A_247 = arith.constant 1 : i32
        scf.for %scan3A_265 = %scan3A_244 to %scan3A_246 step %scan3A_247  : i32 {
          %mul3A_266 = arith.constant 1 : i32
          %mul3A_267 = arith.muli %scan3A_265, %mul3A_266 : i32
          %add3A_268 = arith.constant 0 : i32
          %add3A_269 = arith.addi %add3A_268, %mul3A_267 : i32
          %get3A = arith.constant 5 : i32
          %get3A_270 = arith.index_cast %get3A : i32 to index
          %get3A_271 = arith.index_cast %add3A_269 : i32 to index
          %get3A_272 = arith.constant 0 : index
          %get3A_273 = tpu.vector_load %arg7[%get3A_270, %get3A_271, %get3A_272] {strides = array<i32>} : memref<7x128x128xf32, #tpu.memory_space<vmem>>, vector<1x1x16xf32>,
          %get3A_274 = vector.shape_cast %get3A_273 : vector<1x1x16xf32> to vector<16xf32>
          %mul3A_275 = vector.broadcast %scan3A_58 : f32 to vector<16xf32>
          %mul3A_276 = arith.mulf %get3A_274, %mul3A_275 : vector<16xf32>
          %swap3A = arith.constant 5 : i32
          %swap3A_277 = arith.index_cast %swap3A : i32 to index
          %swap3A_278 = arith.index_cast %add3A_269 : i32 to index
          %swap3A_279 = arith.constant 0 : index
          %swap3A_280 = tpu.vector_load %arg7[%swap3A_277, %swap3A_278, %swap3A_279] {strides = array<i32>} : memref<7x128x128xf32, #tpu.memory_space<vmem>>, vector<1x1x16xf32>,
          %swap3A_281 = vector.shape_cast %swap3A_280 : vector<1x1x16xf32> to vector<16xf32>
          %swap3A_282 = vector.shape_cast %mul3A_276 : vector<16xf32> to vector<1x1x16xf32>
          tpu.vector_store %arg7[%swap3A_277, %swap3A_278, %swap3A_279], %swap3A_282 {strides = array<i32>} : memref<7x128x128xf32, #tpu.memory_space<vmem>>, vector<1x1x16xf32>,
          %get3A_283 = arith.constant 5 : i32
          %get3A_284 = arith.index_cast %get3A_283 : i32 to index
          %get3A_285 = arith.index_cast %add3A_269 : i32 to index
          %get3A_286 = arith.constant 16 : index
          %get3A_287 = tpu.vector_load %arg7[%get3A_284, %get3A_285, %get3A_286] {strides = array<i32>} : memref<7x128x128xf32, #tpu.memory_space<vmem>>, vector<1x1x16xf32>,
          %get3A_288 = vector.shape_cast %get3A_287 : vector<1x1x16xf32> to vector<16xf32>
          %mul3A_289 = vector.broadcast %scan3A_58 : f32 to vector<16xf32>
          %mul3A_290 = arith.mulf %get3A_288, %mul3A_289 : vector<16xf32>
          %swap3A_291 = arith.constant 5 : i32
          %swap3A_292 = arith.index_cast %swap3A_291 : i32 to index
          %swap3A_293 = arith.index_cast %add3A_269 : i32 to index
          %swap3A_294 = arith.constant 16 : index
          %swap3A_295 = tpu.vector_load %arg7[%swap3A_292, %swap3A_293, %swap3A_294] {strides = array<i32>} : memref<7x128x128xf32, #tpu.memory_space<vmem>>, vector<1x1x16xf32>,
          %swap3A_296 = vector.shape_cast %swap3A_295 : vector<1x1x16xf32> to vector<16xf32>
          %swap3A_297 = vector.shape_cast %mul3A_290 : vector<16xf32> to vector<1x1x16xf32>
          tpu.vector_store %arg7[%swap3A_292, %swap3A_293, %swap3A_294], %swap3A_297 {strides = array<i32>} : memref<7x128x128xf32, #tpu.memory_space<vmem>>, vector<1x1x16xf32>,
          %get3A_298 = arith.constant 5 : i32
          %get3A_299 = arith.index_cast %get3A_298 : i32 to index
          %get3A_300 = arith.index_cast %add3A_269 : i32 to index
          %get3A_301 = arith.constant 32 : index
          %get3A_302 = tpu.vector_load %arg7[%get3A_299, %get3A_300, %get3A_301] {strides = array<i32>} : memref<7x128x128xf32, #tpu.memory_space<vmem>>, vector<1x1x16xf32>,
          %get3A_303 = vector.shape_cast %get3A_302 : vector<1x1x16xf32> to vector<16xf32>
          %mul3A_304 = vector.broadcast %scan3A_58 : f32 to vector<16xf32>
          %mul3A_305 = arith.mulf %get3A_303, %mul3A_304 : vector<16xf32>
          %swap3A_306 = arith.constant 5 : i32
          %swap3A_307 = arith.index_cast %swap3A_306 : i32 to index
          %swap3A_308 = arith.index_cast %add3A_269 : i32 to index
          %swap3A_309 = arith.constant 32 : index
          %swap3A_310 = tpu.vector_load %arg7[%swap3A_307, %swap3A_308, %swap3A_309] {strides = array<i32>} : memref<7x128x128xf32, #tpu.memory_space<vmem>>, vector<1x1x16xf32>,
          %swap3A_311 = vector.shape_cast %swap3A_310 : vector<1x1x16xf32> to vector<16xf32>
          %swap3A_312 = vector.shape_cast %mul3A_305 : vector<16xf32> to vector<1x1x16xf32>
          tpu.vector_store %arg7[%swap3A_307, %swap3A_308, %swap3A_309], %swap3A_312 {strides = array<i32>} : memref<7x128x128xf32, #tpu.memory_space<vmem>>, vector<1x1x16xf32>,
          %get3A_313 = arith.constant 5 : i32
          %get3A_314 = arith.index_cast %get3A_313 : i32 to index
          %get3A_315 = arith.index_cast %add3A_269 : i32 to index
          %get3A_316 = arith.constant 48 : index
          %get3A_317 = tpu.vector_load %arg7[%get3A_314, %get3A_315, %get3A_316] {strides = array<i32>} : memref<7x128x128xf32, #tpu.memory_space<vmem>>, vector<1x1x16xf32>,
          %get3A_318 = vector.shape_cast %get3A_317 : vector<1x1x16xf32> to vector<16xf32>
          %mul3A_319 = vector.broadcast %scan3A_58 : f32 to vector<16xf32>
          %mul3A_320 = arith.mulf %get3A_318, %mul3A_319 : vector<16xf32>
          %swap3A_321 = arith.constant 5 : i32
          %swap3A_322 = arith.index_cast %swap3A_321 : i32 to index
          %swap3A_323 = arith.index_cast %add3A_269 : i32 to index
          %swap3A_324 = arith.constant 48 : index
          %swap3A_325 = tpu.vector_load %arg7[%swap3A_322, %swap3A_323, %swap3A_324] {strides = array<i32>} : memref<7x128x128xf32, #tpu.memory_space<vmem>>, vector<1x1x16xf32>,
          %swap3A_326 = vector.shape_cast %swap3A_325 : vector<1x1x16xf32> to vector<16xf32>
          %swap3A_327 = vector.shape_cast %mul3A_320 : vector<16xf32> to vector<1x1x16xf32>
          tpu.vector_store %arg7[%swap3A_322, %swap3A_323, %swap3A_324], %swap3A_327 {strides = array<i32>} : memref<7x128x128xf32, #tpu.memory_space<vmem>>, vector<1x1x16xf32>,
          %get3A_328 = arith.constant 5 : i32
          %get3A_329 = arith.index_cast %get3A_328 : i32 to index
          %get3A_330 = arith.index_cast %add3A_269 : i32 to index
          %get3A_331 = arith.constant 64 : index
          %get3A_332 = tpu.vector_load %arg7[%get3A_329, %get3A_330, %get3A_331] {strides = array<i32>} : memref<7x128x128xf32, #tpu.memory_space<vmem>>, vector<1x1x16xf32>,
          %get3A_333 = vector.shape_cast %get3A_332 : vector<1x1x16xf32> to vector<16xf32>
          %mul3A_334 = vector.broadcast %scan3A_58 : f32 to vector<16xf32>
          %mul3A_335 = arith.mulf %get3A_333, %mul3A_334 : vector<16xf32>
          %swap3A_336 = arith.constant 5 : i32
          %swap3A_337 = arith.index_cast %swap3A_336 : i32 to index
          %swap3A_338 = arith.index_cast %add3A_269 : i32 to index
          %swap3A_339 = arith.constant 64 : index
          %swap3A_340 = tpu.vector_load %arg7[%swap3A_337, %swap3A_338, %swap3A_339] {strides = array<i32>} : memref<7x128x128xf32, #tpu.memory_space<vmem>>, vector<1x1x16xf32>,
          %swap3A_341 = vector.shape_cast %swap3A_340 : vector<1x1x16xf32> to vector<16xf32>
          %swap3A_342 = vector.shape_cast %mul3A_335 : vector<16xf32> to vector<1x1x16xf32>
          tpu.vector_store %arg7[%swap3A_337, %swap3A_338, %swap3A_339], %swap3A_342 {strides = array<i32>} : memref<7x128x128xf32, #tpu.memory_space<vmem>>, vector<1x1x16xf32>,
          %get3A_343 = arith.constant 5 : i32
          %get3A_344 = arith.index_cast %get3A_343 : i32 to index
          %get3A_345 = arith.index_cast %add3A_269 : i32 to index
          %get3A_346 = arith.constant 80 : index
          %get3A_347 = tpu.vector_load %arg7[%get3A_344, %get3A_345, %get3A_346] {strides = array<i32>} : memref<7x128x128xf32, #tpu.memory_space<vmem>>, vector<1x1x16xf32>,
          %get3A_348 = vector.shape_cast %get3A_347 : vector<1x1x16xf32> to vector<16xf32>
          %mul3A_349 = vector.broadcast %scan3A_58 : f32 to vector<16xf32>
          %mul3A_350 = arith.mulf %get3A_348, %mul3A_349 : vector<16xf32>
          %swap3A_351 = arith.constant 5 : i32
          %swap3A_352 = arith.index_cast %swap3A_351 : i32 to index
          %swap3A_353 = arith.index_cast %add3A_269 : i32 to index
          %swap3A_354 = arith.constant 80 : index
          %swap3A_355 = tpu.vector_load %arg7[%swap3A_352, %swap3A_353, %swap3A_354] {strides = array<i32>} : memref<7x128x128xf32, #tpu.memory_space<vmem>>, vector<1x1x16xf32>,
          %swap3A_356 = vector.shape_cast %swap3A_355 : vector<1x1x16xf32> to vector<16xf32>
          %swap3A_357 = vector.shape_cast %mul3A_350 : vector<16xf32> to vector<1x1x16xf32>
          tpu.vector_store %arg7[%swap3A_352, %swap3A_353, %swap3A_354], %swap3A_357 {strides = array<i32>} : memref<7x128x128xf32, #tpu.memory_space<vmem>>, vector<1x1x16xf32>,
          %get3A_358 = arith.constant 5 : i32
          %get3A_359 = arith.index_cast %get3A_358 : i32 to index
          %get3A_360 = arith.index_cast %add3A_269 : i32 to index
          %get3A_361 = arith.constant 96 : index
          %get3A_362 = tpu.vector_load %arg7[%get3A_359, %get3A_360, %get3A_361] {strides = array<i32>} : memref<7x128x128xf32, #tpu.memory_space<vmem>>, vector<1x1x16xf32>,
          %get3A_363 = vector.shape_cast %get3A_362 : vector<1x1x16xf32> to vector<16xf32>
          %mul3A_364 = vector.broadcast %scan3A_58 : f32 to vector<16xf32>
          %mul3A_365 = arith.mulf %get3A_363, %mul3A_364 : vector<16xf32>
          %swap3A_366 = arith.constant 5 : i32
          %swap3A_367 = arith.index_cast %swap3A_366 : i32 to index
          %swap3A_368 = arith.index_cast %add3A_269 : i32 to index
          %swap3A_369 = arith.constant 96 : index
          %swap3A_370 = tpu.vector_load %arg7[%swap3A_367, %swap3A_368, %swap3A_369] {strides = array<i32>} : memref<7x128x128xf32, #tpu.memory_space<vmem>>, vector<1x1x16xf32>,
          %swap3A_371 = vector.shape_cast %swap3A_370 : vector<1x1x16xf32> to vector<16xf32>
          %swap3A_372 = vector.shape_cast %mul3A_365 : vector<16xf32> to vector<1x1x16xf32>
          tpu.vector_store %arg7[%swap3A_367, %swap3A_368, %swap3A_369], %swap3A_372 {strides = array<i32>} : memref<7x128x128xf32, #tpu.memory_space<vmem>>, vector<1x1x16xf32>,
          %get3A_373 = arith.constant 5 : i32
          %get3A_374 = arith.index_cast %get3A_373 : i32 to index
          %get3A_375 = arith.index_cast %add3A_269 : i32 to index
          %get3A_376 = arith.constant 112 : index
          %get3A_377 = tpu.vector_load %arg7[%get3A_374, %get3A_375, %get3A_376] {strides = array<i32>} : memref<7x128x128xf32, #tpu.memory_space<vmem>>, vector<1x1x16xf32>,
          %get3A_378 = vector.shape_cast %get3A_377 : vector<1x1x16xf32> to vector<16xf32>
          %mul3A_379 = vector.broadcast %scan3A_58 : f32 to vector<16xf32>
          %mul3A_380 = arith.mulf %get3A_378, %mul3A_379 : vector<16xf32>
          %swap3A_381 = arith.constant 5 : i32
          %swap3A_382 = arith.index_cast %swap3A_381 : i32 to index
          %swap3A_383 = arith.index_cast %add3A_269 : i32 to index
          %swap3A_384 = arith.constant 112 : index
          %swap3A_385 = tpu.vector_load %arg7[%swap3A_382, %swap3A_383, %swap3A_384] {strides = array<i32>} : memref<7x128x128xf32, #tpu.memory_space<vmem>>, vector<1x1x16xf32>,
          %swap3A_386 = vector.shape_cast %swap3A_385 : vector<1x1x16xf32> to vector<16xf32>
          %swap3A_387 = vector.shape_cast %mul3A_380 : vector<16xf32> to vector<1x1x16xf32>
          tpu.vector_store %arg7[%swap3A_382, %swap3A_383, %swap3A_384], %swap3A_387 {strides = array<i32>} : memref<7x128x128xf32, #tpu.memory_space<vmem>>, vector<1x1x16xf32>,
        }
        %scan3A_248 = arith.constant 128 : i32
        %mul3A_249 = arith.constant 128 : i32
        %mul3A_250 = arith.muli %add3A_206, %mul3A_249 : i32
        %add3A_251 = arith.addi %mul3A_2, %mul3A_250 : i32
        %dma_start3A_252 = arith.constant 5 : i32
        %dma_start3A_253 = arith.constant 0 : i32
        %dma_start3A_254 = arith.constant 0 : i32
        %dma_start3A_255 = tpu.memref_slice %arg7[%dma_start3A_252, %dma_start3A_253, %dma_start3A_254] : memref<7x128x128xf32, #tpu.memory_space<vmem>> -> memref<1x128x128xf32, #tpu.memory_space<vmem>>
        %dma_start3A_256 = tpu.memref_squeeze %dma_start3A_255 : memref<1x128x128xf32, #tpu.memory_space<vmem>> -> memref<128x128xf32, #tpu.memory_space<vmem>>
        %dma_start3A_257 = arith.constant 0 : i32
        %dma_start3A_258 = tpu.memref_slice %arg4[%add3A_251, %dma_start3A_257] : memref<204800x128xf32, #tpu.memory_space<hbm>> -> memref<128x128xf32, #tpu.memory_space<hbm>>
        %dma_start3A_259 = arith.constant 0 : i32
        %dma_start3A_260 = tpu.memref_slice %arg4[%add3A_251, %dma_start3A_259] : memref<204800x128xf32, #tpu.memory_space<hbm>> -> memref<128x128xf32, #tpu.memory_space<hbm>>
        %dma_start3A_261 = arith.constant 0 : i32
        %dma_start3A_262 = arith.constant 0 : i32
        %dma_start3A_263 = tpu.memref_slice %arg7[%dma_start3A_252, %dma_start3A_261, %dma_start3A_262] : memref<7x128x128xf32, #tpu.memory_space<vmem>> -> memref<1x128x128xf32, #tpu.memory_space<vmem>>
        %dma_start3A_264 = tpu.memref_squeeze %dma_start3A_263 : memref<1x128x128xf32, #tpu.memory_space<vmem>> -> memref<128x128xf32, #tpu.memory_space<vmem>>
        tpu.enqueue_dma source(%dma_start3A_264 : memref<128x128xf32, #tpu.memory_space<vmem>>) target(%dma_start3A_260 : memref<128x128xf32, #tpu.memory_space<hbm>>) target_semaphore(%arg20 : memref<!tpu.dma_semaphore, #tpu.memory_space<semaphore_mem>>)
      } else {
      }
      %add3A_212 = arith.constant 6 : i32
      %add3A_213 = arith.addi %add3A_172, %add3A_212 : i32
      %lt3A_214 = arith.constant 50 : i32
      %lt3A_215 = arith.cmpi slt, %add3A_213, %lt3A_214 : i32
      %convert_element_type3A_216 = arith.extui %lt3A_215 : i1 to i32
      %cond3A_217 = arith.constant 0 : i32
      %cond3A_218 = arith.cmpi ne, %convert_element_type3A_216, %cond3A_217 : i32
      scf.if %cond3A_218 {
        %mul3A_219 = arith.constant 128 : i32
        %mul3A_220 = arith.muli %add3A_213, %mul3A_219 : i32
        %dma_wait3A_221 = arith.constant 6 : i32
        %dma_wait3A_222 = arith.constant 0 : i32
        %dma_wait3A_223 = arith.constant 0 : i32
        %dma_wait3A_224 = tpu.memref_slice %arg7[%dma_wait3A_221, %dma_wait3A_222, %dma_wait3A_223] : memref<7x128x128xf32, #tpu.memory_space<vmem>> -> memref<1x128x128xf32, #tpu.memory_space<vmem>>
        %dma_wait3A_225 = tpu.memref_squeeze %dma_wait3A_224 : memref<1x128x128xf32, #tpu.memory_space<vmem>> -> memref<128x128xf32, #tpu.memory_space<vmem>>
        %dma_wait3A_226 = tpu.memref_slice %arg6[%mul3A_220] : memref<6400xi32, #tpu.memory_space<vmem>> -> memref<128xi32, #tpu.memory_space<vmem>>
        %dma_wait3A_227 = arith.constant 0 : i32
        %dma_wait3A_228 = arith.constant 0 : i32
        %dma_wait3A_229 = tpu.memref_slice %arg3[%dma_wait3A_227, %dma_wait3A_228] : memref<100000x128xf32, #tpu.memory_space<hbm>> -> memref<100000x128xf32, #tpu.memory_space<hbm>>
        tpu.wait_indirect_dma semaphore(%arg14 : memref<!tpu.dma_semaphore, #tpu.memory_space<semaphore_mem>>) src(%dma_wait3A_229 : memref<100000x128xf32, #tpu.memory_space<hbm>>) dst(%dma_wait3A_225 : memref<128x128xf32, #tpu.memory_space<vmem>>)
        %add3A_230 = arith.constant 5 : i32
        %add3A_231 = arith.addi %add3A_213, %add3A_230 : i32
        %sub3A = arith.constant 2 : i32
        %sub3A_232 = arith.subi %add3A_213, %sub3A : i32
        %ge3A = arith.constant 0 : i32
        %ge3A_233 = arith.cmpi sge, %sub3A_232, %ge3A : i32
        %lt3A_234 = arith.constant 50 : i32
        %lt3A_235 = arith.cmpi slt, %add3A_231, %lt3A_234 : i32
        %and3A = arith.andi %ge3A_233, %lt3A_235 : i1
        %convert_element_type3A_236 = arith.extui %and3A : i1 to i32
        %cond3A_237 = arith.constant 0 : i32
        %cond3A_238 = arith.cmpi ne, %convert_element_type3A_236, %cond3A_237 : i32
        scf.if %cond3A_238 {
          %mul3A_265 = arith.constant 128 : i32
          %mul3A_266 = arith.muli %sub3A_232, %mul3A_265 : i32
          %add3A_267 = arith.addi %mul3A_2, %mul3A_266 : i32
          %dma_wait3A_268 = arith.constant 4 : i32
          %dma_wait3A_269 = arith.constant 0 : i32
          %dma_wait3A_270 = arith.constant 0 : i32
          %dma_wait3A_271 = tpu.memref_slice %arg7[%dma_wait3A_268, %dma_wait3A_269, %dma_wait3A_270] : memref<7x128x128xf32, #tpu.memory_space<vmem>> -> memref<1x128x128xf32, #tpu.memory_space<vmem>>
          %dma_wait3A_272 = tpu.memref_squeeze %dma_wait3A_271 : memref<1x128x128xf32, #tpu.memory_space<vmem>> -> memref<128x128xf32, #tpu.memory_space<vmem>>
          %dma_wait3A_273 = arith.constant 0 : i32
          %dma_wait3A_274 = tpu.memref_slice %arg4[%add3A_267, %dma_wait3A_273] : memref<204800x128xf32, #tpu.memory_space<hbm>> -> memref<128x128xf32, #tpu.memory_space<hbm>>
          %dma_wait3A_275 = arith.constant 0 : i32
          %dma_wait3A_276 = tpu.memref_slice %arg4[%add3A_267, %dma_wait3A_275] : memref<204800x128xf32, #tpu.memory_space<hbm>> -> memref<128x128xf32, #tpu.memory_space<hbm>>
          %dma_wait3A_277 = arith.constant 0 : i32
          %dma_wait3A_278 = arith.constant 0 : i32
          %dma_wait3A_279 = tpu.memref_slice %arg7[%dma_wait3A_268, %dma_wait3A_277, %dma_wait3A_278] : memref<7x128x128xf32, #tpu.memory_space<vmem>> -> memref<1x128x128xf32, #tpu.memory_space<vmem>>
          %dma_wait3A_280 = tpu.memref_squeeze %dma_wait3A_279 : memref<1x128x128xf32, #tpu.memory_space<vmem>> -> memref<128x128xf32, #tpu.memory_space<vmem>>
          tpu.wait_dma2 semaphore(%arg19 : memref<!tpu.dma_semaphore, #tpu.memory_space<semaphore_mem>>) src(%dma_wait3A_280 : memref<128x128xf32, #tpu.memory_space<vmem>>) dst(%dma_wait3A_276 : memref<128x128xf32, #tpu.memory_space<hbm>>)
        } else {
        }
        %lt3A_239 = arith.constant 50 : i32
        %lt3A_240 = arith.cmpi slt, %add3A_231, %lt3A_239 : i32
        %convert_element_type3A_241 = arith.extui %lt3A_240 : i1 to i32
        %cond3A_242 = arith.constant 0 : i32
        %cond3A_243 = arith.cmpi ne, %convert_element_type3A_241, %cond3A_242 : i32
        scf.if %cond3A_243 {
          %mul3A_265 = arith.constant 128 : i32
          %mul3A_266 = arith.muli %add3A_231, %mul3A_265 : i32
          %dma_start3A_267 = arith.constant 4 : i32
          %dma_start3A_268 = arith.constant 0 : i32
          %dma_start3A_269 = arith.constant 0 : i32
          %dma_start3A_270 = tpu.memref_slice %arg7[%dma_start3A_267, %dma_start3A_268, %dma_start3A_269] : memref<7x128x128xf32, #tpu.memory_space<vmem>> -> memref<1x128x128xf32, #tpu.memory_space<vmem>>
          %dma_start3A_271 = tpu.memref_squeeze %dma_start3A_270 : memref<1x128x128xf32, #tpu.memory_space<vmem>> -> memref<128x128xf32, #tpu.memory_space<vmem>>
          %dma_start3A_272 = tpu.memref_slice %arg6[%mul3A_266] : memref<6400xi32, #tpu.memory_space<vmem>> -> memref<128xi32, #tpu.memory_space<vmem>>
          %dma_start3A_273 = arith.constant 0 : i32
          %dma_start3A_274 = arith.constant 0 : i32
          %dma_start3A_275 = tpu.memref_slice %arg3[%dma_start3A_273, %dma_start3A_274] : memref<100000x128xf32, #tpu.memory_space<hbm>> -> memref<100000x128xf32, #tpu.memory_space<hbm>>
          tpu.enqueue_indirect_dma source(%dma_start3A_275 : memref<100000x128xf32, #tpu.memory_space<hbm>>) target(%dma_start3A_271 : memref<128x128xf32, #tpu.memory_space<vmem>>) offsets(%dma_start3A_272 : memref<128xi32, #tpu.memory_space<vmem>>) semaphore(%arg12 : memref<!tpu.dma_semaphore, #tpu.memory_space<semaphore_mem>>)
        } else {
        }
        %scan3A_244 = arith.constant 0 : i32
        %scan3A_245 = arith.constant 128 : i32
        %scan3A_246 = arith.addi %scan3A_244, %scan3A_245 : i32
        %scan3A_247 = arith.constant 1 : i32
        scf.for %scan3A_265 = %scan3A_244 to %scan3A_246 step %scan3A_247  : i32 {
          %mul3A_266 = arith.constant 1 : i32
          %mul3A_267 = arith.muli %scan3A_265, %mul3A_266 : i32
          %add3A_268 = arith.constant 0 : i32
          %add3A_269 = arith.addi %add3A_268, %mul3A_267 : i32
          %get3A = arith.constant 6 : i32
          %get3A_270 = arith.index_cast %get3A : i32 to index
          %get3A_271 = arith.index_cast %add3A_269 : i32 to index
          %get3A_272 = arith.constant 0 : index
          %get3A_273 = tpu.vector_load %arg7[%get3A_270, %get3A_271, %get3A_272] {strides = array<i32>} : memref<7x128x128xf32, #tpu.memory_space<vmem>>, vector<1x1x16xf32>,
          %get3A_274 = vector.shape_cast %get3A_273 : vector<1x1x16xf32> to vector<16xf32>
          %mul3A_275 = vector.broadcast %scan3A_58 : f32 to vector<16xf32>
          %mul3A_276 = arith.mulf %get3A_274, %mul3A_275 : vector<16xf32>
          %swap3A = arith.constant 6 : i32
          %swap3A_277 = arith.index_cast %swap3A : i32 to index
          %swap3A_278 = arith.index_cast %add3A_269 : i32 to index
          %swap3A_279 = arith.constant 0 : index
          %swap3A_280 = tpu.vector_load %arg7[%swap3A_277, %swap3A_278, %swap3A_279] {strides = array<i32>} : memref<7x128x128xf32, #tpu.memory_space<vmem>>, vector<1x1x16xf32>,
          %swap3A_281 = vector.shape_cast %swap3A_280 : vector<1x1x16xf32> to vector<16xf32>
          %swap3A_282 = vector.shape_cast %mul3A_276 : vector<16xf32> to vector<1x1x16xf32>
          tpu.vector_store %arg7[%swap3A_277, %swap3A_278, %swap3A_279], %swap3A_282 {strides = array<i32>} : memref<7x128x128xf32, #tpu.memory_space<vmem>>, vector<1x1x16xf32>,
          %get3A_283 = arith.constant 6 : i32
          %get3A_284 = arith.index_cast %get3A_283 : i32 to index
          %get3A_285 = arith.index_cast %add3A_269 : i32 to index
          %get3A_286 = arith.constant 16 : index
          %get3A_287 = tpu.vector_load %arg7[%get3A_284, %get3A_285, %get3A_286] {strides = array<i32>} : memref<7x128x128xf32, #tpu.memory_space<vmem>>, vector<1x1x16xf32>,
          %get3A_288 = vector.shape_cast %get3A_287 : vector<1x1x16xf32> to vector<16xf32>
          %mul3A_289 = vector.broadcast %scan3A_58 : f32 to vector<16xf32>
          %mul3A_290 = arith.mulf %get3A_288, %mul3A_289 : vector<16xf32>
          %swap3A_291 = arith.constant 6 : i32
          %swap3A_292 = arith.index_cast %swap3A_291 : i32 to index
          %swap3A_293 = arith.index_cast %add3A_269 : i32 to index
          %swap3A_294 = arith.constant 16 : index
          %swap3A_295 = tpu.vector_load %arg7[%swap3A_292, %swap3A_293, %swap3A_294] {strides = array<i32>} : memref<7x128x128xf32, #tpu.memory_space<vmem>>, vector<1x1x16xf32>,
          %swap3A_296 = vector.shape_cast %swap3A_295 : vector<1x1x16xf32> to vector<16xf32>
          %swap3A_297 = vector.shape_cast %mul3A_290 : vector<16xf32> to vector<1x1x16xf32>
          tpu.vector_store %arg7[%swap3A_292, %swap3A_293, %swap3A_294], %swap3A_297 {strides = array<i32>} : memref<7x128x128xf32, #tpu.memory_space<vmem>>, vector<1x1x16xf32>,
          %get3A_298 = arith.constant 6 : i32
          %get3A_299 = arith.index_cast %get3A_298 : i32 to index
          %get3A_300 = arith.index_cast %add3A_269 : i32 to index
          %get3A_301 = arith.constant 32 : index
          %get3A_302 = tpu.vector_load %arg7[%get3A_299, %get3A_300, %get3A_301] {strides = array<i32>} : memref<7x128x128xf32, #tpu.memory_space<vmem>>, vector<1x1x16xf32>,
          %get3A_303 = vector.shape_cast %get3A_302 : vector<1x1x16xf32> to vector<16xf32>
          %mul3A_304 = vector.broadcast %scan3A_58 : f32 to vector<16xf32>
          %mul3A_305 = arith.mulf %get3A_303, %mul3A_304 : vector<16xf32>
          %swap3A_306 = arith.constant 6 : i32
          %swap3A_307 = arith.index_cast %swap3A_306 : i32 to index
          %swap3A_308 = arith.index_cast %add3A_269 : i32 to index
          %swap3A_309 = arith.constant 32 : index
          %swap3A_310 = tpu.vector_load %arg7[%swap3A_307, %swap3A_308, %swap3A_309] {strides = array<i32>} : memref<7x128x128xf32, #tpu.memory_space<vmem>>, vector<1x1x16xf32>,
          %swap3A_311 = vector.shape_cast %swap3A_310 : vector<1x1x16xf32> to vector<16xf32>
          %swap3A_312 = vector.shape_cast %mul3A_305 : vector<16xf32> to vector<1x1x16xf32>
          tpu.vector_store %arg7[%swap3A_307, %swap3A_308, %swap3A_309], %swap3A_312 {strides = array<i32>} : memref<7x128x128xf32, #tpu.memory_space<vmem>>, vector<1x1x16xf32>,
          %get3A_313 = arith.constant 6 : i32
          %get3A_314 = arith.index_cast %get3A_313 : i32 to index
          %get3A_315 = arith.index_cast %add3A_269 : i32 to index
          %get3A_316 = arith.constant 48 : index
          %get3A_317 = tpu.vector_load %arg7[%get3A_314, %get3A_315, %get3A_316] {strides = array<i32>} : memref<7x128x128xf32, #tpu.memory_space<vmem>>, vector<1x1x16xf32>,
          %get3A_318 = vector.shape_cast %get3A_317 : vector<1x1x16xf32> to vector<16xf32>
          %mul3A_319 = vector.broadcast %scan3A_58 : f32 to vector<16xf32>
          %mul3A_320 = arith.mulf %get3A_318, %mul3A_319 : vector<16xf32>
          %swap3A_321 = arith.constant 6 : i32
          %swap3A_322 = arith.index_cast %swap3A_321 : i32 to index
          %swap3A_323 = arith.index_cast %add3A_269 : i32 to index
          %swap3A_324 = arith.constant 48 : index
          %swap3A_325 = tpu.vector_load %arg7[%swap3A_322, %swap3A_323, %swap3A_324] {strides = array<i32>} : memref<7x128x128xf32, #tpu.memory_space<vmem>>, vector<1x1x16xf32>,
          %swap3A_326 = vector.shape_cast %swap3A_325 : vector<1x1x16xf32> to vector<16xf32>
          %swap3A_327 = vector.shape_cast %mul3A_320 : vector<16xf32> to vector<1x1x16xf32>
          tpu.vector_store %arg7[%swap3A_322, %swap3A_323, %swap3A_324], %swap3A_327 {strides = array<i32>} : memref<7x128x128xf32, #tpu.memory_space<vmem>>, vector<1x1x16xf32>,
          %get3A_328 = arith.constant 6 : i32
          %get3A_329 = arith.index_cast %get3A_328 : i32 to index
          %get3A_330 = arith.index_cast %add3A_269 : i32 to index
          %get3A_331 = arith.constant 64 : index
          %get3A_332 = tpu.vector_load %arg7[%get3A_329, %get3A_330, %get3A_331] {strides = array<i32>} : memref<7x128x128xf32, #tpu.memory_space<vmem>>, vector<1x1x16xf32>,
          %get3A_333 = vector.shape_cast %get3A_332 : vector<1x1x16xf32> to vector<16xf32>
          %mul3A_334 = vector.broadcast %scan3A_58 : f32 to vector<16xf32>
          %mul3A_335 = arith.mulf %get3A_333, %mul3A_334 : vector<16xf32>
          %swap3A_336 = arith.constant 6 : i32
          %swap3A_337 = arith.index_cast %swap3A_336 : i32 to index
          %swap3A_338 = arith.index_cast %add3A_269 : i32 to index
          %swap3A_339 = arith.constant 64 : index
          %swap3A_340 = tpu.vector_load %arg7[%swap3A_337, %swap3A_338, %swap3A_339] {strides = array<i32>} : memref<7x128x128xf32, #tpu.memory_space<vmem>>, vector<1x1x16xf32>,
          %swap3A_341 = vector.shape_cast %swap3A_340 : vector<1x1x16xf32> to vector<16xf32>
          %swap3A_342 = vector.shape_cast %mul3A_335 : vector<16xf32> to vector<1x1x16xf32>
          tpu.vector_store %arg7[%swap3A_337, %swap3A_338, %swap3A_339], %swap3A_342 {strides = array<i32>} : memref<7x128x128xf32, #tpu.memory_space<vmem>>, vector<1x1x16xf32>,
          %get3A_343 = arith.constant 6 : i32
          %get3A_344 = arith.index_cast %get3A_343 : i32 to index
          %get3A_345 = arith.index_cast %add3A_269 : i32 to index
          %get3A_346 = arith.constant 80 : index
          %get3A_347 = tpu.vector_load %arg7[%get3A_344, %get3A_345, %get3A_346] {strides = array<i32>} : memref<7x128x128xf32, #tpu.memory_space<vmem>>, vector<1x1x16xf32>,
          %get3A_348 = vector.shape_cast %get3A_347 : vector<1x1x16xf32> to vector<16xf32>
          %mul3A_349 = vector.broadcast %scan3A_58 : f32 to vector<16xf32>
          %mul3A_350 = arith.mulf %get3A_348, %mul3A_349 : vector<16xf32>
          %swap3A_351 = arith.constant 6 : i32
          %swap3A_352 = arith.index_cast %swap3A_351 : i32 to index
          %swap3A_353 = arith.index_cast %add3A_269 : i32 to index
          %swap3A_354 = arith.constant 80 : index
          %swap3A_355 = tpu.vector_load %arg7[%swap3A_352, %swap3A_353, %swap3A_354] {strides = array<i32>} : memref<7x128x128xf32, #tpu.memory_space<vmem>>, vector<1x1x16xf32>,
          %swap3A_356 = vector.shape_cast %swap3A_355 : vector<1x1x16xf32> to vector<16xf32>
          %swap3A_357 = vector.shape_cast %mul3A_350 : vector<16xf32> to vector<1x1x16xf32>
          tpu.vector_store %arg7[%swap3A_352, %swap3A_353, %swap3A_354], %swap3A_357 {strides = array<i32>} : memref<7x128x128xf32, #tpu.memory_space<vmem>>, vector<1x1x16xf32>,
          %get3A_358 = arith.constant 6 : i32
          %get3A_359 = arith.index_cast %get3A_358 : i32 to index
          %get3A_360 = arith.index_cast %add3A_269 : i32 to index
          %get3A_361 = arith.constant 96 : index
          %get3A_362 = tpu.vector_load %arg7[%get3A_359, %get3A_360, %get3A_361] {strides = array<i32>} : memref<7x128x128xf32, #tpu.memory_space<vmem>>, vector<1x1x16xf32>,
          %get3A_363 = vector.shape_cast %get3A_362 : vector<1x1x16xf32> to vector<16xf32>
          %mul3A_364 = vector.broadcast %scan3A_58 : f32 to vector<16xf32>
          %mul3A_365 = arith.mulf %get3A_363, %mul3A_364 : vector<16xf32>
          %swap3A_366 = arith.constant 6 : i32
          %swap3A_367 = arith.index_cast %swap3A_366 : i32 to index
          %swap3A_368 = arith.index_cast %add3A_269 : i32 to index
          %swap3A_369 = arith.constant 96 : index
          %swap3A_370 = tpu.vector_load %arg7[%swap3A_367, %swap3A_368, %swap3A_369] {strides = array<i32>} : memref<7x128x128xf32, #tpu.memory_space<vmem>>, vector<1x1x16xf32>,
          %swap3A_371 = vector.shape_cast %swap3A_370 : vector<1x1x16xf32> to vector<16xf32>
          %swap3A_372 = vector.shape_cast %mul3A_365 : vector<16xf32> to vector<1x1x16xf32>
          tpu.vector_store %arg7[%swap3A_367, %swap3A_368, %swap3A_369], %swap3A_372 {strides = array<i32>} : memref<7x128x128xf32, #tpu.memory_space<vmem>>, vector<1x1x16xf32>,
          %get3A_373 = arith.constant 6 : i32
          %get3A_374 = arith.index_cast %get3A_373 : i32 to index
          %get3A_375 = arith.index_cast %add3A_269 : i32 to index
          %get3A_376 = arith.constant 112 : index
          %get3A_377 = tpu.vector_load %arg7[%get3A_374, %get3A_375, %get3A_376] {strides = array<i32>} : memref<7x128x128xf32, #tpu.memory_space<vmem>>, vector<1x1x16xf32>,
          %get3A_378 = vector.shape_cast %get3A_377 : vector<1x1x16xf32> to vector<16xf32>
          %mul3A_379 = vector.broadcast %scan3A_58 : f32 to vector<16xf32>
          %mul3A_380 = arith.mulf %get3A_378, %mul3A_379 : vector<16xf32>
          %swap3A_381 = arith.constant 6 : i32
          %swap3A_382 = arith.index_cast %swap3A_381 : i32 to index
          %swap3A_383 = arith.index_cast %add3A_269 : i32 to index
          %swap3A_384 = arith.constant 112 : index
          %swap3A_385 = tpu.vector_load %arg7[%swap3A_382, %swap3A_383, %swap3A_384] {strides = array<i32>} : memref<7x128x128xf32, #tpu.memory_space<vmem>>, vector<1x1x16xf32>,
          %swap3A_386 = vector.shape_cast %swap3A_385 : vector<1x1x16xf32> to vector<16xf32>
          %swap3A_387 = vector.shape_cast %mul3A_380 : vector<16xf32> to vector<1x1x16xf32>
          tpu.vector_store %arg7[%swap3A_382, %swap3A_383, %swap3A_384], %swap3A_387 {strides = array<i32>} : memref<7x128x128xf32, #tpu.memory_space<vmem>>, vector<1x1x16xf32>,
        }
        %scan3A_248 = arith.constant 128 : i32
        %mul3A_249 = arith.constant 128 : i32
        %mul3A_250 = arith.muli %add3A_213, %mul3A_249 : i32
        %add3A_251 = arith.addi %mul3A_2, %mul3A_250 : i32
        %dma_start3A_252 = arith.constant 6 : i32
        %dma_start3A_253 = arith.constant 0 : i32
        %dma_start3A_254 = arith.constant 0 : i32
        %dma_start3A_255 = tpu.memref_slice %arg7[%dma_start3A_252, %dma_start3A_253, %dma_start3A_254] : memref<7x128x128xf32, #tpu.memory_space<vmem>> -> memref<1x128x128xf32, #tpu.memory_space<vmem>>
        %dma_start3A_256 = tpu.memref_squeeze %dma_start3A_255 : memref<1x128x128xf32, #tpu.memory_space<vmem>> -> memref<128x128xf32, #tpu.memory_space<vmem>>
        %dma_start3A_257 = arith.constant 0 : i32
        %dma_start3A_258 = tpu.memref_slice %arg4[%add3A_251, %dma_start3A_257] : memref<204800x128xf32, #tpu.memory_space<hbm>> -> memref<128x128xf32, #tpu.memory_space<hbm>>
        %dma_start3A_259 = arith.constant 0 : i32
        %dma_start3A_260 = tpu.memref_slice %arg4[%add3A_251, %dma_start3A_259] : memref<204800x128xf32, #tpu.memory_space<hbm>> -> memref<128x128xf32, #tpu.memory_space<hbm>>
        %dma_start3A_261 = arith.constant 0 : i32
        %dma_start3A_262 = arith.constant 0 : i32
        %dma_start3A_263 = tpu.memref_slice %arg7[%dma_start3A_252, %dma_start3A_261, %dma_start3A_262] : memref<7x128x128xf32, #tpu.memory_space<vmem>> -> memref<1x128x128xf32, #tpu.memory_space<vmem>>
        %dma_start3A_264 = tpu.memref_squeeze %dma_start3A_263 : memref<1x128x128xf32, #tpu.memory_space<vmem>> -> memref<128x128xf32, #tpu.memory_space<vmem>>
        tpu.enqueue_dma source(%dma_start3A_264 : memref<128x128xf32, #tpu.memory_space<vmem>>) target(%dma_start3A_260 : memref<128x128xf32, #tpu.memory_space<hbm>>) target_semaphore(%arg21 : memref<!tpu.dma_semaphore, #tpu.memory_space<semaphore_mem>>)
      } else {
      }
    }
    %scan3A_63 = arith.constant 8 : i32
    %add3A_64 = arith.constant 5504 : i32
    %add3A_65 = arith.addi %mul3A_2, %add3A_64 : i32
    %dma_wait3A = arith.constant 1 : i32
    %dma_wait3A_66 = arith.constant 0 : i32
    %dma_wait3A_67 = arith.constant 0 : i32
    %dma_wait3A_68 = tpu.memref_slice %arg7[%dma_wait3A, %dma_wait3A_66, %dma_wait3A_67] : memref<7x128x128xf32, #tpu.memory_space<vmem>> -> memref<1x128x128xf32, #tpu.memory_space<vmem>>
    %dma_wait3A_69 = tpu.memref_squeeze %dma_wait3A_68 : memref<1x128x128xf32, #tpu.memory_space<vmem>> -> memref<128x128xf32, #tpu.memory_space<vmem>>
    %dma_wait3A_70 = arith.constant 0 : i32
    %dma_wait3A_71 = tpu.memref_slice %arg4[%add3A_65, %dma_wait3A_70] : memref<204800x128xf32, #tpu.memory_space<hbm>> -> memref<128x128xf32, #tpu.memory_space<hbm>>
    %dma_wait3A_72 = arith.constant 0 : i32
    %dma_wait3A_73 = tpu.memref_slice %arg4[%add3A_65, %dma_wait3A_72] : memref<204800x128xf32, #tpu.memory_space<hbm>> -> memref<128x128xf32, #tpu.memory_space<hbm>>
    %dma_wait3A_74 = arith.constant 0 : i32
    %dma_wait3A_75 = arith.constant 0 : i32
    %dma_wait3A_76 = tpu.memref_slice %arg7[%dma_wait3A, %dma_wait3A_74, %dma_wait3A_75] : memref<7x128x128xf32, #tpu.memory_space<vmem>> -> memref<1x128x128xf32, #tpu.memory_space<vmem>>
    %dma_wait3A_77 = tpu.memref_squeeze %dma_wait3A_76 : memref<1x128x128xf32, #tpu.memory_space<vmem>> -> memref<128x128xf32, #tpu.memory_space<vmem>>
    tpu.wait_dma2 semaphore(%arg16 : memref<!tpu.dma_semaphore, #tpu.memory_space<semaphore_mem>>) src(%dma_wait3A_77 : memref<128x128xf32, #tpu.memory_space<vmem>>) dst(%dma_wait3A_73 : memref<128x128xf32, #tpu.memory_space<hbm>>)
    %add3A_78 = arith.constant 5632 : i32
    %add3A_79 = arith.addi %mul3A_2, %add3A_78 : i32
    %dma_wait3A_80 = arith.constant 2 : i32
    %dma_wait3A_81 = arith.constant 0 : i32
    %dma_wait3A_82 = arith.constant 0 : i32
    %dma_wait3A_83 = tpu.memref_slice %arg7[%dma_wait3A_80, %dma_wait3A_81, %dma_wait3A_82] : memref<7x128x128xf32, #tpu.memory_space<vmem>> -> memref<1x128x128xf32, #tpu.memory_space<vmem>>
    %dma_wait3A_84 = tpu.memref_squeeze %dma_wait3A_83 : memref<1x128x128xf32, #tpu.memory_space<vmem>> -> memref<128x128xf32, #tpu.memory_space<vmem>>
    %dma_wait3A_85 = arith.constant 0 : i32
    %dma_wait3A_86 = tpu.memref_slice %arg4[%add3A_79, %dma_wait3A_85] : memref<204800x128xf32, #tpu.memory_space<hbm>> -> memref<128x128xf32, #tpu.memory_space<hbm>>
    %dma_wait3A_87 = arith.constant 0 : i32
    %dma_wait3A_88 = tpu.memref_slice %arg4[%add3A_79, %dma_wait3A_87] : memref<204800x128xf32, #tpu.memory_space<hbm>> -> memref<128x128xf32, #tpu.memory_space<hbm>>
    %dma_wait3A_89 = arith.constant 0 : i32
    %dma_wait3A_90 = arith.constant 0 : i32
    %dma_wait3A_91 = tpu.memref_slice %arg7[%dma_wait3A_80, %dma_wait3A_89, %dma_wait3A_90] : memref<7x128x128xf32, #tpu.memory_space<vmem>> -> memref<1x128x128xf32, #tpu.memory_space<vmem>>
    %dma_wait3A_92 = tpu.memref_squeeze %dma_wait3A_91 : memref<1x128x128xf32, #tpu.memory_space<vmem>> -> memref<128x128xf32, #tpu.memory_space<vmem>>
    tpu.wait_dma2 semaphore(%arg17 : memref<!tpu.dma_semaphore, #tpu.memory_space<semaphore_mem>>) src(%dma_wait3A_92 : memref<128x128xf32, #tpu.memory_space<vmem>>) dst(%dma_wait3A_88 : memref<128x128xf32, #tpu.memory_space<hbm>>)
    %add3A_93 = arith.constant 5760 : i32
    %add3A_94 = arith.addi %mul3A_2, %add3A_93 : i32
    %dma_wait3A_95 = arith.constant 3 : i32
    %dma_wait3A_96 = arith.constant 0 : i32
    %dma_wait3A_97 = arith.constant 0 : i32
    %dma_wait3A_98 = tpu.memref_slice %arg7[%dma_wait3A_95, %dma_wait3A_96, %dma_wait3A_97] : memref<7x128x128xf32, #tpu.memory_space<vmem>> -> memref<1x128x128xf32, #tpu.memory_space<vmem>>
    %dma_wait3A_99 = tpu.memref_squeeze %dma_wait3A_98 : memref<1x128x128xf32, #tpu.memory_space<vmem>> -> memref<128x128xf32, #tpu.memory_space<vmem>>
    %dma_wait3A_100 = arith.constant 0 : i32
    %dma_wait3A_101 = tpu.memref_slice %arg4[%add3A_94, %dma_wait3A_100] : memref<204800x128xf32, #tpu.memory_space<hbm>> -> memref<128x128xf32, #tpu.memory_space<hbm>>
    %dma_wait3A_102 = arith.constant 0 : i32
    %dma_wait3A_103 = tpu.memref_slice %arg4[%add3A_94, %dma_wait3A_102] : memref<204800x128xf32, #tpu.memory_space<hbm>> -> memref<128x128xf32, #tpu.memory_space<hbm>>
    %dma_wait3A_104 = arith.constant 0 : i32
    %dma_wait3A_105 = arith.constant 0 : i32
    %dma_wait3A_106 = tpu.memref_slice %arg7[%dma_wait3A_95, %dma_wait3A_104, %dma_wait3A_105] : memref<7x128x128xf32, #tpu.memory_space<vmem>> -> memref<1x128x128xf32, #tpu.memory_space<vmem>>
    %dma_wait3A_107 = tpu.memref_squeeze %dma_wait3A_106 : memref<1x128x128xf32, #tpu.memory_space<vmem>> -> memref<128x128xf32, #tpu.memory_space<vmem>>
    tpu.wait_dma2 semaphore(%arg18 : memref<!tpu.dma_semaphore, #tpu.memory_space<semaphore_mem>>) src(%dma_wait3A_107 : memref<128x128xf32, #tpu.memory_space<vmem>>) dst(%dma_wait3A_103 : memref<128x128xf32, #tpu.memory_space<hbm>>)
    %add3A_108 = arith.constant 5888 : i32
    %add3A_109 = arith.addi %mul3A_2, %add3A_108 : i32
    %dma_wait3A_110 = arith.constant 4 : i32
    %dma_wait3A_111 = arith.constant 0 : i32
    %dma_wait3A_112 = arith.constant 0 : i32
    %dma_wait3A_113 = tpu.memref_slice %arg7[%dma_wait3A_110, %dma_wait3A_111, %dma_wait3A_112] : memref<7x128x128xf32, #tpu.memory_space<vmem>> -> memref<1x128x128xf32, #tpu.memory_space<vmem>>
    %dma_wait3A_114 = tpu.memref_squeeze %dma_wait3A_113 : memref<1x128x128xf32, #tpu.memory_space<vmem>> -> memref<128x128xf32, #tpu.memory_space<vmem>>
    %dma_wait3A_115 = arith.constant 0 : i32
    %dma_wait3A_116 = tpu.memref_slice %arg4[%add3A_109, %dma_wait3A_115] : memref<204800x128xf32, #tpu.memory_space<hbm>> -> memref<128x128xf32, #tpu.memory_space<hbm>>
    %dma_wait3A_117 = arith.constant 0 : i32
    %dma_wait3A_118 = tpu.memref_slice %arg4[%add3A_109, %dma_wait3A_117] : memref<204800x128xf32, #tpu.memory_space<hbm>> -> memref<128x128xf32, #tpu.memory_space<hbm>>
    %dma_wait3A_119 = arith.constant 0 : i32
    %dma_wait3A_120 = arith.constant 0 : i32
    %dma_wait3A_121 = tpu.memref_slice %arg7[%dma_wait3A_110, %dma_wait3A_119, %dma_wait3A_120] : memref<7x128x128xf32, #tpu.memory_space<vmem>> -> memref<1x128x128xf32, #tpu.memory_space<vmem>>
    %dma_wait3A_122 = tpu.memref_squeeze %dma_wait3A_121 : memref<1x128x128xf32, #tpu.memory_space<vmem>> -> memref<128x128xf32, #tpu.memory_space<vmem>>
    tpu.wait_dma2 semaphore(%arg19 : memref<!tpu.dma_semaphore, #tpu.memory_space<semaphore_mem>>) src(%dma_wait3A_122 : memref<128x128xf32, #tpu.memory_space<vmem>>) dst(%dma_wait3A_118 : memref<128x128xf32, #tpu.memory_space<hbm>>)
    %add3A_123 = arith.constant 6016 : i32
    %add3A_124 = arith.addi %mul3A_2, %add3A_123 : i32
    %dma_wait3A_125 = arith.constant 5 : i32
    %dma_wait3A_126 = arith.constant 0 : i32
    %dma_wait3A_127 = arith.constant 0 : i32
    %dma_wait3A_128 = tpu.memref_slice %arg7[%dma_wait3A_125, %dma_wait3A_126, %dma_wait3A_127] : memref<7x128x128xf32, #tpu.memory_space<vmem>> -> memref<1x128x128xf32, #tpu.memory_space<vmem>>
    %dma_wait3A_129 = tpu.memref_squeeze %dma_wait3A_128 : memref<1x128x128xf32, #tpu.memory_space<vmem>> -> memref<128x128xf32, #tpu.memory_space<vmem>>
    %dma_wait3A_130 = arith.constant 0 : i32
    %dma_wait3A_131 = tpu.memref_slice %arg4[%add3A_124, %dma_wait3A_130] : memref<204800x128xf32, #tpu.memory_space<hbm>> -> memref<128x128xf32, #tpu.memory_space<hbm>>
    %dma_wait3A_132 = arith.constant 0 : i32
    %dma_wait3A_133 = tpu.memref_slice %arg4[%add3A_124, %dma_wait3A_132] : memref<204800x128xf32, #tpu.memory_space<hbm>> -> memref<128x128xf32, #tpu.memory_space<hbm>>
    %dma_wait3A_134 = arith.constant 0 : i32
    %dma_wait3A_135 = arith.constant 0 : i32
    %dma_wait3A_136 = tpu.memref_slice %arg7[%dma_wait3A_125, %dma_wait3A_134, %dma_wait3A_135] : memref<7x128x128xf32, #tpu.memory_space<vmem>> -> memref<1x128x128xf32, #tpu.memory_space<vmem>>
    %dma_wait3A_137 = tpu.memref_squeeze %dma_wait3A_136 : memref<1x128x128xf32, #tpu.memory_space<vmem>> -> memref<128x128xf32, #tpu.memory_space<vmem>>
    tpu.wait_dma2 semaphore(%arg20 : memref<!tpu.dma_semaphore, #tpu.memory_space<semaphore_mem>>) src(%dma_wait3A_137 : memref<128x128xf32, #tpu.memory_space<vmem>>) dst(%dma_wait3A_133 : memref<128x128xf32, #tpu.memory_space<hbm>>)
    %add3A_138 = arith.constant 6144 : i32
    %add3A_139 = arith.addi %mul3A_2, %add3A_138 : i32
    %dma_wait3A_140 = arith.constant 6 : i32
    %dma_wait3A_141 = arith.constant 0 : i32
    %dma_wait3A_142 = arith.constant 0 : i32
    %dma_wait3A_143 = tpu.memref_slice %arg7[%dma_wait3A_140, %dma_wait3A_141, %dma_wait3A_142] : memref<7x128x128xf32, #tpu.memory_space<vmem>> -> memref<1x128x128xf32, #tpu.memory_space<vmem>>
    %dma_wait3A_144 = tpu.memref_squeeze %dma_wait3A_143 : memref<1x128x128xf32, #tpu.memory_space<vmem>> -> memref<128x128xf32, #tpu.memory_space<vmem>>
    %dma_wait3A_145 = arith.constant 0 : i32
    %dma_wait3A_146 = tpu.memref_slice %arg4[%add3A_139, %dma_wait3A_145] : memref<204800x128xf32, #tpu.memory_space<hbm>> -> memref<128x128xf32, #tpu.memory_space<hbm>>
    %dma_wait3A_147 = arith.constant 0 : i32
    %dma_wait3A_148 = tpu.memref_slice %arg4[%add3A_139, %dma_wait3A_147] : memref<204800x128xf32, #tpu.memory_space<hbm>> -> memref<128x128xf32, #tpu.memory_space<hbm>>
    %dma_wait3A_149 = arith.constant 0 : i32
    %dma_wait3A_150 = arith.constant 0 : i32
    %dma_wait3A_151 = tpu.memref_slice %arg7[%dma_wait3A_140, %dma_wait3A_149, %dma_wait3A_150] : memref<7x128x128xf32, #tpu.memory_space<vmem>> -> memref<1x128x128xf32, #tpu.memory_space<vmem>>
    %dma_wait3A_152 = tpu.memref_squeeze %dma_wait3A_151 : memref<1x128x128xf32, #tpu.memory_space<vmem>> -> memref<128x128xf32, #tpu.memory_space<vmem>>
    tpu.wait_dma2 semaphore(%arg21 : memref<!tpu.dma_semaphore, #tpu.memory_space<semaphore_mem>>) src(%dma_wait3A_152 : memref<128x128xf32, #tpu.memory_space<vmem>>) dst(%dma_wait3A_148 : memref<128x128xf32, #tpu.memory_space<hbm>>)
    %add3A_153 = arith.constant 6272 : i32
    %add3A_154 = arith.addi %mul3A_2, %add3A_153 : i32
    %dma_wait3A_155 = arith.constant 0 : i32
    %dma_wait3A_156 = arith.constant 0 : i32
    %dma_wait3A_157 = arith.constant 0 : i32
    %dma_wait3A_158 = tpu.memref_slice %arg7[%dma_wait3A_155, %dma_wait3A_156, %dma_wait3A_157] : memref<7x128x128xf32, #tpu.memory_space<vmem>> -> memref<1x128x128xf32, #tpu.memory_space<vmem>>
    %dma_wait3A_159 = tpu.memref_squeeze %dma_wait3A_158 : memref<1x128x128xf32, #tpu.memory_space<vmem>> -> memref<128x128xf32, #tpu.memory_space<vmem>>
    %dma_wait3A_160 = arith.constant 0 : i32
    %dma_wait3A_161 = tpu.memref_slice %arg4[%add3A_154, %dma_wait3A_160] : memref<204800x128xf32, #tpu.memory_space<hbm>> -> memref<128x128xf32, #tpu.memory_space<hbm>>
    %dma_wait3A_162 = arith.constant 0 : i32
    %dma_wait3A_163 = tpu.memref_slice %arg4[%add3A_154, %dma_wait3A_162] : memref<204800x128xf32, #tpu.memory_space<hbm>> -> memref<128x128xf32, #tpu.memory_space<hbm>>
    %dma_wait3A_164 = arith.constant 0 : i32
    %dma_wait3A_165 = arith.constant 0 : i32
    %dma_wait3A_166 = tpu.memref_slice %arg7[%dma_wait3A_155, %dma_wait3A_164, %dma_wait3A_165] : memref<7x128x128xf32, #tpu.memory_space<vmem>> -> memref<1x128x128xf32, #tpu.memory_space<vmem>>
    %dma_wait3A_167 = tpu.memref_squeeze %dma_wait3A_166 : memref<1x128x128xf32, #tpu.memory_space<vmem>> -> memref<128x128xf32, #tpu.memory_space<vmem>>
    tpu.wait_dma2 semaphore(%arg15 : memref<!tpu.dma_semaphore, #tpu.memory_space<semaphore_mem>>) src(%dma_wait3A_167 : memref<128x128xf32, #tpu.memory_space<vmem>>) dst(%dma_wait3A_163 : memref<128x128xf32, #tpu.memory_space<hbm>>)
    return
  }
}

</mosaic_0001>

<sc_bundles>
// kernel: kernel.3.cloned.1.call-start
scs
__scs_entry_jumppad:
0x0: {  	(pc) =	sbr.rel $0x88, $3  }
0x1: {  	(tag) =	ssettag $0x0;
	lr =	simm.s32 $0x1  }
0x2: {  	[smem:$0x3F9F] =	sst lr;
	_ =	strace $0xD0000000  }
0x3: {  	_ = 	snop  }
0x4: {  	_ = 	snop  }
0x5: {  	_ = 	snop  }
0x6: {  	_ = 	snop  }
0x7: {  	_ = 	snop  }
__scs_overlays_trampoline_lowered:
0x8: {  	[smem:$0x3FAE] =	sst s0  }
0x9: {  	[smem:$0x3FAF] =	sst s1  }
0xa: {  	[smem:$0x3FB0] =	sst s2  }
0xb: {  	[smem:$0x3FB1] =	sst s3  }
0xc: {  	[smem:$0x3FB2] =	sst s4  }
0xd: {  	[smem:$0x3FB3] =	sst s5  }
0xe: {  	[smem:$0x3FB4] =	sst s6  }
0xf: {  	[smem:$0x3FB5] =	sst s7  }
0x10: {  	[smem:$0x3FB6] =	sst s8  }
0x11: {  	[smem:$0x3FB7] =	sst s9;
	s0 =	simm.s32 @!p0 $0x0  }
0x12: {  	s1 =	sld [smem:$0x3F9D];
	s0 =	simm.s32 @p0 $0x1  }
0x13: {  	[smem:$0x3FB8] =	sst s0;
	s0 =	simm.s32 @!p1 $0x0  }
0x14: {  	s2 =	sld [smem:$0x3F9C];
	s0 =	simm.s32 @p1 $0x1  }
0x15: {  	[smem:$0x3FB9] =	sst s0;
	s0 =	simm.s32 @!p2 $0x0  }
0x16: {  	s3 =	sld [smem:$0x3FDB];
	s0 =	simm.s32 @p2 $0x1  }
0x17: {  	s4 =	simm.s32 $0x1BF5;
	[smem:$0x3FBB] =	sst s0  }
0x18: {  	s0 =	sld [smem:$0x3F9E];
	_ =	swait.ge [sflag:s4], $0x0  }
0x19: {  	s7 =	sld [smem:$0x3F9F]  }
0x1a: {  	s8 =	sadd.s32 $0xFFFFE003, lr  }
0x1b: {  	s9 =	sadd.s32 $0xFFFFFEF7, lr;
	s5 =	simm.s32 $0xFFFFFFFF;
	p2 =	slt.u32 s8, $0xFFFFF086  }
0x1c: {  	p1 =	slt.u32 s9, $0xF7A;
	s5 =	simm.s32 @!p2 $0x0  }
0x1d: {  	s5 =	simm.s32 @p1 $0x1;
	p0 =	seq.s32 s7, s2  }
0x1e: {  	s7 =	smul.u32 @!p0 $0xF7A, s2;
	p2 =	seq.s32 @!p0 s5, $0x0  }
0x1f: {  	s9 =	smul.u32 $0xF7A, s1;
	s8 =	simm.s32 @!p0 $0x1BF5;
	p2 =	por !p2, p0  }
0x20: {  	[sflag:s8] =	ssyncset.s32 @!p0 $0xFFFFF086;
	s6 =	sadd.s32 @!p0 s3, s7;
	s7 =	simm.s32 @!p0 $0x108  }
0x21: {  	s3 =	sadd.s32 s3, s9;
	s6 =	sadd.s32 @!p0 $0x88, s6;
	s7 =	simm.s32 @p2 $0x1082  }
0x22: {  	[simem:s7], [sflag:s8] =	dma.local @!p0 [hbm:s6], $0xF7A  }
0x23: {  	s9 =	sor.u32 $0xD0000000, s2;
	s6 =	simm.s32 $0x108;
	_ =	swait.ge @!p0 [sflag:s8], $0x0  }
0x24: {  	s3 =	sadd.s32 $0x88, s3;
	s6 =	simm.s32 @!p1 $0x1082;
	[sflag:s4] =	ssyncset.s32 $0xFFFFF086  }
0x25: {  	[simem:s6], [sflag:s4] =	dma.local [hbm:s3], $0xF7A  }
0x26: {  	[smem:$0x3F9F] =	sst s1;
	(tag) =	ssettag s2;
	_ =	strace s9  }
0x27: {  	s1 =	sld [smem:$0x3FAF]  }
0x28: {  	s2 =	sld [smem:$0x3FB0]  }
0x29: {  	s4 =	sld [smem:$0x3FB2]  }
0x2a: {  	p0 =	seq.s32 s5, $0x0;
	s5 =	sld [smem:$0x3FB3]  }
0x2b: {  	s6 =	sld [smem:$0x3FB4]  }
0x2c: {  	s7 =	sld [smem:$0x3FB5]  }
0x2d: {  	s3 =	simm.s32 $0x108;
	s8 =	sld [smem:$0x3FB6]  }
0x2e: {  	s3 =	simm.s32 @!p0 $0x1082;
	s9 =	sld [smem:$0x3FB7]  }
0x2f: {  	lr =	sadd.s32 s0, s3;
	s0 =	sld [smem:$0x3FAE]  }
0x30: {  	s3 =	sld [smem:$0x3FB1]  }
0x31: {  	[smem:$0x3FBA] =	sst s10  }
0x32: {  	s10 =	sld [smem:$0x3FB8];
	_ =	sdelay $0x3  }
0x33: {  	p0 =	seq.s32 s10, $0x1;
	s10 =	sld [smem:$0x3FBA];
	_ =	sdelay $0x3  }
0x34: {  	[smem:$0x3FBA] =	sst s10  }
0x35: {  	s10 =	sld [smem:$0x3FB9];
	_ =	sdelay $0x3  }
0x36: {  	p1 =	seq.s32 s10, $0x1;
	s10 =	sld [smem:$0x3FBA];
	_ =	sdelay $0x3  }
0x37: {  	[smem:$0x3FBA] =	sst s10  }
0x38: {  	s10 =	sld [smem:$0x3FBB]  }
0x39: {  	_ = 	snop;
	(pc) =	sbr.ind lr, $3  }
0x3a: {  	_ = 	snop  }
0x3b: {  	_ = 	snop  }
0x3c: {  	p2 =	seq.s32 s10, $0x1;
	s10 =	sld [smem:$0x3FBA]  }
0x3d: {  	_ =	shalt  }
0x3e: {  	_ =	shalt  }
0x3f: {  	_ =	shalt  }
0x40: {  	_ =	shalt  }
0x41: {  	_ =	shalt  }
0x42: {  	_ =	shalt  }
0x43: {  	_ =	shalt  }
0x44: {  	_ =	shalt  }
0x45: {  	_ =	shalt  }
0x46: {  	_ =	shalt  }
0x47: {  	_ =	shalt  }
0x48: {  	_ =	shalt  }
0x49: {  	_ =	shalt  }
0x4a: {  	_ =	shalt  }
0x4b: {  	_ =	shalt  }
0x4c: {  	_ =	shalt  }
0x4d: {  	_ =	shalt  }
0x4e: {  	_ =	shalt  }
0x4f: {  	_ =	shalt  }
0x50: {  	_ =	shalt  }
0x51: {  	_ =	shalt  }
0x52: {  	_ =	shalt  }
0x53: {  	_ =	shalt  }
0x54: {  	_ =	shalt  }
0x55: {  	_ =	shalt  }
0x56: {  	_ =	shalt  }
0x57: {  	_ =	shalt  }
0x58: {  	_ =	shalt  }
0x59: {  	_ =	shalt  }
0x5a: {  	_ =	shalt  }
0x5b: {  	_ =	shalt  }
0x5c: {  	_ =	shalt  }
0x5d: {  	_ =	shalt  }
0x5e: {  	_ =	shalt  }
0x5f: {  	_ =	shalt  }
0x60: {  	_ =	shalt  }
0x61: {  	_ =	shalt  }
0x62: {  	_ =	shalt  }
0x63: {  	_ =	shalt  }
0x64: {  	_ =	shalt  }
0x65: {  	_ =	shalt  }
0x66: {  	_ =	shalt  }
0x67: {  	_ =	shalt  }
0x68: {  	_ =	shalt  }
0x69: {  	_ =	shalt  }
0x6a: {  	_ =	shalt  }
0x6b: {  	_ =	shalt  }
0x6c: {  	_ =	shalt  }
0x6d: {  	_ =	shalt  }
0x6e: {  	_ =	shalt  }
0x6f: {  	_ =	shalt  }
0x70: {  	_ =	shalt  }
0x71: {  	_ =	shalt  }
0x72: {  	_ =	shalt  }
0x73: {  	_ =	shalt  }
0x74: {  	_ =	shalt  }
0x75: {  	_ =	shalt  }
0x76: {  	_ =	shalt  }
0x77: {  	_ =	shalt  }
0x78: {  	_ =	shalt  }
0x79: {  	_ =	shalt  }
0x7a: {  	_ =	shalt  }
0x7b: {  	_ =	shalt  }
0x7c: {  	_ =	shalt  }
0x7d: {  	_ =	shalt  }
0x7e: {  	_ =	shalt  }
0x7f: {  	_ =	shalt  }
0x80: {  	_ =	shalt  }
0x81: {  	_ =	shalt  }
0x82: {  	_ =	shalt  }
0x83: {  	_ =	shalt  }
0x84: {  	_ =	shalt  }
0x85: {  	_ =	shalt  }
0x86: {  	_ =	shalt  }
0x87: {  	_ =	shalt  }
.Lfunc_end0:
.L_simem_size_0:
called_computation_lowered:
.L_overlay_start_0:
0x88: {  	s2 =	sld [smem:$0x3FD9]  }
0x89: {  	s3 =	sld [smem:$0x3FFE];
	_ =	sdelay $0x1  }
0x8a: {  	s1 =	srdreg.scid  }
0x8b: {  	s0 =	sand.u32 $0x1, s1  }
0x8c: {  	s17 =	sshll.u32 s0, $0xA;
	s2 =	sadd.s32 s3, s2  }
0x8d: {  	s2 =	sadd.s32 s2, s17  }
0x8e: {  	[smem:$0x3FC6] =	sst s2  }
0x8f: {  	_ = 	snop  }
0x90: {  	s2 =	sld [smem:$0x3FC8]  }
0x91: {  	s18 =	sld [smem:$0x3FD0];
	(tm) =	ssettm $0x1  }
0x92: {  	s4 =	sld [smem:$0x3FFB];
	_ =	sdelay $0x3  }
0x93: {  	_ =	strace s4  }
0x94: {  	s4 =	sld [smem:$0x3FFC];
	_ =	sdelay $0x3  }
0x95: {  	_ =	strace s4  }
0x96: {  	s4 =	sld [smem:$0x3FFD];
	_ =	sdelay $0x3  }
0x97: {  	_ =	strace s4  }
0x98: {  	_ =	strace $0x8FFFFFFF  }
0x99: {  	s19 =	sld [smem:$0x3FDB];
	_ =	sdelay $0x1  }
0x9a: {  	s5 =	simm.s32 $_scs_section_size  }
0x9b: {  	s6 =	simm.s32 $_size__tile_overlayer_lowered;
	s7 =	simm.s32 $_tile_overlayer_lowered  }
0x9c: {  	s22 =	simm.s32 $0x1BFF;
	s21 =	sshll.u32 s7, $0x1;
	s4 =	sadd.s32 s5, s19  }
0x9d: {  	s8 =	simm.s32 $0x0;
	s20 =	sshll.u32 s6, $0x1;
	s6 =	sadd.s32 s21, s4  }
0x9e: {  	[timem:s8], [sflag:s22] =	dma.local [hbm:s6], s20  }
0x9f: {  	_ =	swait.ge [sflag:s22], s20  }
0xa0: {  	s5 =	ssub.s32 $0x0, s20;
	[sflag:s22] =	ssyncset.done $0x0  }
0xa1: {  	[sflag:s22] =	ssyncadd.s32 s5;
	_ =	sdelay $0x1  }
0xa2: {  	s23 =	simm.s32 $0x1B8B  }
0xa3: {  	_ =	swait.ge [sflag:s23], $0x1  }
0xa4: {  	[sflag:s23] =	ssyncset.done $0x0  }
0xa5: {  	s25 =	simm.s32 $0x1B8E;
	s24 =	sld [smem:$0x3FFE];
	[sflag:s23] =	ssyncadd.s32 $0xFFFFFFFF  }
0xa6: {  	s26 =	simm.s32 $execute0_lowered;
	[smem:$0x3FD2] =	sst s25  }
0xa7: {  	s6 =	sshll.u32 s26, $0x1;
	_ =	strace $0x80000046;
	[dreg:$0x1] =	wrdreg $0xFFFFFFFF  }
0xa8: {  	s28 =	simm.s32 $_size_execute0_lowered;
	s4 =	sadd.s32 s4, s6;
	[dreg:$0x0] =	wrdreg $0x0  }
0xa9: {  	s6 =	sshll.u32 s28, $0x1;
	[dreg:$0x2] =	wrdreg s4  }
0xaa: {  	[dreg:$0x3] =	wrdreg s6  }
0xab: {  	[dreg:$0x4] =	wrdreg $0xC0  }
0xac: {  	_ =	task [dreg:s8], $0x5FFFF  }
0xad: {  	[dreg:$0x1] =	wrdreg $0xFFFFFFFF  }
0xae: {  	[dreg:$0x0] =	wrdreg $0x60  }
0xaf: {  	[dreg:$0x2] =	wrdreg s24  }
0xb0: {  	[dreg:$0x3] =	wrdreg s2  }
0xb1: {  	[dreg:$0x4] =	wrdreg s18  }
0xb2: {  	[dreg:$0x5] =	wrdreg $0x9  }
0xb3: {  	_ =	task.clear_ibuf [dreg:s8], $0x6FFFF;
	_ =	strace $0x90000046  }
0xb4: {  	s29 =	simm.s32 $0x9;
	_ =	strace $0x80000048  }
0xb5: {  	_ =	swait.ge [sflag:s29], $0x1  }
0xb6: {  	[sflag:s29] =	ssyncadd.s32 $0xFFFFFFFF  }
0xb7: {  	_ =	strace $0x90000048  }
0xb8: {  	_ =	sfence  }
0xb9: {  	s30 =	sld [smem:$0x0];
	_ =	sdelay $0x2  }
0xba: {  	s31 =	sshll.u32 s1, $0xD;
	s1 =	sshrl.u32 s1, $0x2  }
0xbb: {  	s3 =	sand.u32 $0x4000, s31;
	s1 =	sadd.s32 s1, s30  }
0xbc: {  	s0 =	sor.u32 s3, s0;
	s1 =	sshll.u32 s1, $0x11  }
0xbd: {  	s0 =	sor.u32 s1, s0  }
0xbe: {  	s0 =	sadd.s32 $0x8F2B, s0  }
0xbf: {  	[sflag:s0] =	ssyncadd.remote.s32 $0x1  }
0xc0: {  	_ =	sfence.sel $0xFFFF  }
0xc1: {  	[dreg:$0x0] =	wrdreg $0xFFFFFFFF;
	(pc) =	sbr.abs _section_cstart, $3  }
0xc2: {  	[dreg:$0x1] =	wrdreg $0xFFFFFFFF  }
0xc3: {  	_ =	task.clear_ibuf [dreg:s8], $0x2FFFF;
	_ =	strace $0x9FFFFFFF  }
0xc4: {  	(tm) =	ssettm $0x7FFFFFFF  }
0xc5: {  	_ =	shalt  }
tec
execute0_lowered:
.L_overlay_start_1:
0x0: {  	(tag) =	ssettag $0x1  }
0x1: {  	s0 =	rddreg [dreg:$0x0]  }
0x2: {  	s2 =	rddreg [dreg:$0x1]  }
0x3: {  	s3 =	rddreg [dreg:$0x2]  }
0x4: {  	s1 =	srdreg.scid;
	s5 =	stileid.u32  }
0x5: {  	s4 =	simm.s32 $0x0;
	s15 =	simm.s32 $0x80;
	s17 =	simm.s32 $0x3900  }
0x6: {  	s25 =	simm.s32 $0x13900;
	s26 =	simm.s32 $0x1;
	s28 =	simm.s32 $0x17900  }
0x7: {  	s18 =	simm.s32 $0x8;
	s20 =	simm.s32 $0x2;
	s22 =	simm.s32 $0x1B900  }
0x8: {  	s24 =	simm.s32 $0x3;
	s13 =	simm.s32 $0x5;
	s14 =	simm.s32 $0x6  }
0x9: {  	s29 =	simm.s32 $0x7;
	s1 =	sand.u32 $0x1, s1;
	s5 =	sshll.u32 s5, $0x1  }
0xa: {  	s16 =	simm.s32 $0x0;
	[smem:$0x7FF] =	sst s4;
	s5 =	sor.u32 s1, s5  }
0xb: {  	v0 =	vimm.s32 $0xFEDCBA98;
	_ =	strace $0x80000047;
	s1 =	ssub.s32 $0x2, s1;
	s12 =	smul.u32 $0xC8000, s5  }
0xc: {  	v1 =	vimm.s32 $0x76543210;
	v0 =	vunpack.c.l.s4.s8 v0;
	s6 =	sshll.u32 s5, $0xA;
	s30 =	sshrl.u32 s1, $0x1;
	s5 =	smul.u32 $0x1900, s5  }
.Ltmp0:
0xd: {  	v1 =	vunpack.c.l.s4.s8 v1;
	s0 =	sadd.s32 s6, s0;
	s1 =	ssub.s32 s1, s30;
	(pc) =	sbr.rel .LBB2_1-.Ltmp0, $4  }
0xe: {  	v0 =	vunpack.c.0.s8.s32 v0;
	s6 =	simm.s32 $0x4;
	s0 =	sadd.s32 $0x400, s0;
	s7 =	sor.u32 $0x4000, s12  }
0xf: {  	v1 =	vunpack.c.0.s8.s32 v1;
	s8 =	sadd.s32 $0x8000, s12;
	s9 =	sadd.s32 $0xC000, s12;
	s10 =	sadd.s32 $0x10000, s12  }
0x10: {  	s11 =	sadd.s32 $0x14000, s12;
	s31 =	smax.u32 s1, $0x1;
	v0 =	vand.u32 $0xF, v0;
	[dreg:$0x4] =	wrdreg s0  }
0x11: {  	vm0 =	vmmov $0xff;
	s12 =	sadd.s32 $0x18000, s12;
	s1 =	simm.s32 $0xD;
	[dreg:$0x5] =	wrdreg s31;
	v0 =	vcombine.low v0, v1  }
.LBB2_24:
0x12: {  	s0 =	simm.s32 $0x9  }
0x13: {  	_ =	swait.ge [sflag:s0], $0x4000  }
0x14: {  	[sflag:s0] =	ssyncset.done $0x0  }
0x15: {  	s19 =	simm.s32 $0xA;
	[sflag:s0] =	ssyncadd.s32 $0xFFFFC000  }
0x16: {  	_ =	swait.ge [sflag:s19], $0x4000  }
0x17: {  	[sflag:s19] =	ssyncset.done $0x0  }
0x18: {  	s21 =	simm.s32 $0xB;
	[sflag:s19] =	ssyncadd.s32 $0xFFFFC000  }
0x19: {  	_ =	swait.ge [sflag:s21], $0x4000  }
0x1a: {  	[sflag:s21] =	ssyncset.done $0x0  }
0x1b: {  	s23 =	simm.s32 $0xC;
	[sflag:s21] =	ssyncadd.s32 $0xFFFFC000  }
0x1c: {  	_ =	swait.ge [sflag:s23], $0x4000  }
0x1d: {  	[sflag:s23] =	ssyncset.done $0x0  }
0x1e: {  	[sflag:s23] =	ssyncadd.s32 $0xFFFFC000  }
0x1f: {  	_ =	swait.ge [sflag:s1], $0x4000  }
0x20: {  	[sflag:s1] =	ssyncset.done $0x0  }
0x21: {  	s30 =	simm.s32 $0xE;
	[sflag:s1] =	ssyncadd.s32 $0xFFFFC000  }
0x22: {  	_ =	swait.ge [sflag:s30], $0x4000  }
0x23: {  	[sflag:s30] =	ssyncset.done $0x0  }
0x24: {  	[sflag:s30] =	ssyncadd.s32 $0xFFFFC000  }
0x25: {  	_ =	swait.ge [sflag:s18], $0x4000  }
0x26: {  	s16 =	rddreg [dreg:$0x6]  }
0x27: {  	s31 =	rddreg [dreg:$0x5];
	s16 =	sadd.s32 $0x1, s16  }
0x28: {  	p0 =	sne.s32 s16, s31  }
.Ltmp1:
0x29: {  	_ = 	snop;
	(pc) =	sbr.rel @!p0 .LBB2_25-.Ltmp1, $3  }
0x2a: {  	_ =	sdelay $0x1  }
0x2b: {  	[sflag:s18] =	ssyncset.done $0x0  }
0x2c: {  	[sflag:s18] =	ssyncadd.s32 $0xFFFFC000  }
.LBB2_1:
0x2d: {  	[dreg:$0x6] =	wrdreg s16  }
0x2e: {  	s0 =	rddreg [dreg:$0x4];
	s19 =	simm.s32 $0xF  }
0x2f: {  	[tilespmem:s4], [sflag:$0xF] =	stream.linear.gather [hbm4b:s0+s4], $0x2000, $0x38;
	[tilespmem:$0x1F900] =	vst v63  }
0x30: {  	_ =	swait.ge [sflag:s19], $0x2000  }
0x31: {  	s16 =	sand.u32 $0x1800, s4;
	s21 =	sand.u32 $0x380, s4;
	[sflag:s19] =	ssyncset.done $0x0  }
0x32: {  	s16 =	sor.u32 s21, s16;
	[sflag:s19] =	ssyncadd.s32 $0xFFFFE000  }
0x33: {  	v1 =	vld [tilespmem:s16+$0x0];
	_ =	sdelay $0x3  }
0x34: {  	s0 =	simm.s32 $0x2060  }
0x35: {  	[tilespmem:s0+$0xFFFFFFA0] =	vst v1  }
0x36: {  	v1 =	vld [tilespmem:s16+$0x10];
	_ =	sdelay $0x4  }
0x37: {  	[tilespmem:s0+$0xFFFFFFB0] =	vst v1  }
0x38: {  	v1 =	vld [tilespmem:s16+$0x20];
	_ =	sdelay $0x4  }
0x39: {  	[tilespmem:s0+$0xFFFFFFC0] =	vst v1  }
0x3a: {  	v1 =	vld [tilespmem:s16+$0x30];
	_ =	sdelay $0x4  }
0x3b: {  	[tilespmem:s0+$0xFFFFFFD0] =	vst v1  }
0x3c: {  	v1 =	vld [tilespmem:s16+$0x40];
	_ =	sdelay $0x4  }
0x3d: {  	[tilespmem:s0+$0xFFFFFFE0] =	vst v1  }
0x3e: {  	v1 =	vld [tilespmem:s16+$0x50];
	_ =	sdelay $0x4  }
0x3f: {  	[tilespmem:s0+$0xFFFFFFF0] =	vst v1  }
0x40: {  	v1 =	vld [tilespmem:s16+$0x60];
	_ =	sdelay $0x4  }
0x41: {  	[tilespmem:s0+$0x0] =	vst v1  }
0x42: {  	v1 =	vld [tilespmem:s16+$0x70];
	_ =	sdelay $0x4  }
0x43: {  	[tilespmem:s0+$0x10] =	vst v1  }
0x44: {  	v1 =	vld [tilespmem:s16+$0x400];
	_ =	sdelay $0x3  }
0x45: {  	s23 =	sand.u32 $0x1FF8, s4  }
0x46: {  	[tilespmem:s23+$0x2080] =	vst v1  }
0x47: {  	v1 =	vld [tilespmem:s16+$0x410];
	_ =	sdelay $0x4  }
0x48: {  	[tilespmem:s0+$0x30] =	vst v1  }
0x49: {  	v1 =	vld [tilespmem:s16+$0x420];
	_ =	sdelay $0x4  }
0x4a: {  	[tilespmem:s0+$0x40] =	vst v1  }
0x4b: {  	v1 =	vld [tilespmem:s16+$0x430];
	_ =	sdelay $0x4  }
0x4c: {  	s16 =	sor.u32 $0x440, s16;
	[tilespmem:s0+$0x50] =	vst v1  }
0x4d: {  	v2 =	vld.msk [tilespmem:s16+$0x0], $0xff;
	_ =	sdelay $0x4  }
0x4e: {  	s30 =	simm.s32 $0x100;
	v1 =	vperm.xlane v1, v0;
	v2 =	vperm.xlane v2, v0  }
0x4f: {  	s31 =	simm.s32 $0x80;
	s21 =	sand.u32 $0x1800, s30  }
0x50: {  	s19 =	simm.s32 $0x190;
	s23 =	sand.u32 $0x380, s31;
	s16 =	simm.s32 $0xC8;
	v1 =	vsel vm0, v1, v2  }
.LBB2_2:
0x51: {  	p0 =	sne.s32 s19, $0x1838;
	s21 =	sor.u32 s23, s21;
	[tilespmem:s0+$0x58] =	vst v1  }
0x52: {  	v1 =	vld [tilespmem:s21+$0x0];
	_ =	sdelay $0x3  }
0x53: {  	s0 =	sadd.s32 $0xC8, s0  }
0x54: {  	[tilespmem:s0+$0xFFFFFFA0] =	vst v1  }
0x55: {  	v1 =	vld [tilespmem:s21+$0x10];
	_ =	sdelay $0x4  }
0x56: {  	[tilespmem:s0+$0xFFFFFFB0] =	vst v1  }
0x57: {  	v1 =	vld [tilespmem:s21+$0x20];
	_ =	sdelay $0x4  }
0x58: {  	[tilespmem:s0+$0xFFFFFFC0] =	vst v1  }
0x59: {  	v1 =	vld [tilespmem:s21+$0x30];
	_ =	sdelay $0x4  }
0x5a: {  	[tilespmem:s0+$0xFFFFFFD0] =	vst v1  }
0x5b: {  	v1 =	vld [tilespmem:s21+$0x40];
	_ =	sdelay $0x4  }
0x5c: {  	[tilespmem:s0+$0xFFFFFFE0] =	vst v1  }
0x5d: {  	v1 =	vld [tilespmem:s21+$0x50];
	_ =	sdelay $0x4  }
0x5e: {  	[tilespmem:s0+$0xFFFFFFF0] =	vst v1  }
0x5f: {  	v1 =	vld [tilespmem:s21+$0x60];
	_ =	sdelay $0x4  }
0x60: {  	[tilespmem:s0+$0x0] =	vst v1  }
0x61: {  	v1 =	vld [tilespmem:s21+$0x70];
	_ =	sdelay $0x4  }
0x62: {  	[tilespmem:s0+$0x10] =	vst v1  }
0x63: {  	v1 =	vld [tilespmem:s21+$0x400];
	_ =	sdelay $0x3  }
0x64: {  	s23 =	sand.u32 $0x1FF8, s16;
	s16 =	smov.u32 s19  }
0x65: {  	[tilespmem:s23+$0x2080] =	vst v1  }
0x66: {  	v1 =	vld [tilespmem:s21+$0x410];
	_ =	sdelay $0x4  }
0x67: {  	[tilespmem:s0+$0x30] =	vst v1  }
0x68: {  	v1 =	vld [tilespmem:s21+$0x420];
	_ =	sdelay $0x4  }
0x69: {  	[tilespmem:s0+$0x40] =	vst v1  }
0x6a: {  	v1 =	vld [tilespmem:s21+$0x430];
	_ =	sdelay $0x4  }
0x6b: {  	s21 =	sor.u32 $0x440, s21;
	[tilespmem:s0+$0x50] =	vst v1  }
0x6c: {  	v2 =	vld.msk [tilespmem:s21+$0x0], $0xff;
	_ =	sdelay $0x2  }
.Ltmp2:
0x6d: {  	(pc) =	sbr.rel @p0 .LBB2_2-.Ltmp2, $4  }
0x6e: {  	_ = 	snop  }
0x6f: {  	v1 =	vperm.xlane v1, v0;
	v2 =	vperm.xlane v2, v0  }
0x70: {  	s31 =	sadd.s32 $0x80, s31;
	s30 =	sadd.s32 $0x100, s30  }
0x71: {  	s19 =	sadd.s32 $0xC8, s19;
	s23 =	sand.u32 $0x380, s31;
	s21 =	sand.u32 $0x1800, s30;
	v1 =	vsel vm0, v1, v2  }
0x72: {  	s19 =	sor.u32 s23, s21;
	[tilespmem:s0+$0x58] =	vst v1  }
0x73: {  	v1 =	vld [tilespmem:s19+$0x0];
	_ =	sdelay $0x3  }
0x74: {  	s21 =	sadd.s32 $0xC8, s0  }
0x75: {  	[tilespmem:s21+$0xFFFFFFA0] =	vst v1  }
0x76: {  	v1 =	vld [tilespmem:s19+$0x10];
	_ =	sdelay $0x4  }
0x77: {  	[tilespmem:s21+$0xFFFFFFB0] =	vst v1  }
0x78: {  	v1 =	vld [tilespmem:s19+$0x20];
	_ =	sdelay $0x4  }
0x79: {  	[tilespmem:s21+$0xFFFFFFC0] =	vst v1  }
0x7a: {  	v1 =	vld [tilespmem:s19+$0x30];
	_ =	sdelay $0x4  }
0x7b: {  	[tilespmem:s21+$0xFFFFFFD0] =	vst v1  }
0x7c: {  	v1 =	vld [tilespmem:s19+$0x40];
	_ =	sdelay $0x4  }
0x7d: {  	[tilespmem:s21+$0xFFFFFFE0] =	vst v1  }
0x7e: {  	v1 =	vld [tilespmem:s19+$0x50];
	_ =	sdelay $0x4  }
0x7f: {  	[tilespmem:s21+$0xFFFFFFF0] =	vst v1  }
0x80: {  	v1 =	vld [tilespmem:s19+$0x60];
	_ =	sdelay $0x4  }
0x81: {  	[tilespmem:s21+$0x0] =	vst v1  }
0x82: {  	v1 =	vld [tilespmem:s19+$0x70];
	_ =	sdelay $0x4  }
0x83: {  	[tilespmem:s21+$0x10] =	vst v1  }
0x84: {  	v1 =	vld [tilespmem:s19+$0x400];
	_ =	sdelay $0x3  }
0x85: {  	s16 =	sand.u32 $0x1FF8, s16  }
0x86: {  	[tilespmem:s16+$0x2080] =	vst v1  }
0x87: {  	v1 =	vld [tilespmem:s19+$0x410];
	_ =	sdelay $0x4  }
0x88: {  	[tilespmem:s21+$0x30] =	vst v1  }
0x89: {  	v1 =	vld [tilespmem:s19+$0x420];
	_ =	sdelay $0x4  }
0x8a: {  	[tilespmem:s21+$0x40] =	vst v1  }
0x8b: {  	v1 =	vld [tilespmem:s19+$0x430];
	_ =	sdelay $0x4  }
0x8c: {  	s23 =	sor.u32 $0x440, s19;
	[tilespmem:s21+$0x50] =	vst v1  }
0x8d: {  	v2 =	vld.msk [tilespmem:s23+$0x0], $0xff;
	_ =	sdelay $0x4  }
0x8e: {  	v1 =	vperm.xlane v1, v0;
	v2 =	vperm.xlane v2, v0;
	_ =	sdelay $0x1  }
0x8f: {  	v1 =	vsel vm0, v1, v2  }
0x90: {  	s16 =	simm.s32 $0x2000;
	[tilespmem:s21+$0x58] =	vst v1  }
0x91: {  	[tilespmem:s17], [sflag:$0x1] =	stream.indirect.gather [hbm4b:s2+s15], $0x80, s16, s15, $0xb8;
	[tilespmem:$0x1F900] =	vst v63  }
0x92: {  	s30 =	simm.s32 $0x7900;
	s19 =	simm.s32 $0x2080  }
0x93: {  	[tilespmem:s30], [sflag:$0x2] =	stream.indirect.gather [hbm4b:s2+s15], $0x80, s19, s15, $0xb8;
	[tilespmem:$0x1F900] =	vst v63  }
0x94: {  	s23 =	simm.s32 $0xB900;
	s21 =	simm.s32 $0x2100  }
0x95: {  	[tilespmem:s23], [sflag:$0x3] =	stream.indirect.gather [hbm4b:s2+s15], $0x80, s21, s15, $0xb8;
	[tilespmem:$0x1F900] =	vst v63  }
0x96: {  	s19 =	simm.s32 $0x2180;
	s21 =	simm.s32 $0xF900  }
0x97: {  	[tilespmem:s21], [sflag:$0x4] =	stream.indirect.gather [hbm4b:s2+s15], $0x80, s19, s15, $0xb8;
	[tilespmem:$0x1F900] =	vst v63  }
0x98: {  	s31 =	simm.s32 $0x0;
	s23 =	simm.s32 $0x2200  }
0x99: {  	[tilespmem:s25], [sflag:$0x5] =	stream.indirect.gather [hbm4b:s2+s15], $0x80, s23, s15, $0xb8;
	[tilespmem:$0x1F900] =	vst v63  }
.LBB2_4:
0x9a: {  	p0 =	seq.s32 s31, $0x0  }
.Ltmp3:
0x9b: {  	_ = 	snop;
	(pc) =	sbr.rel @p0 .LBB2_7-.Ltmp3, $4  }
0x9c: {  	_ = 	snop  }
0x9d: {  	_ =	swait.ge [sflag:s26], $0x4000  }
0x9e: {  	[sflag:s26] =	ssyncset.done $0x0  }
0x9f: {  	[sflag:s26] =	ssyncadd.s32 $0xFFFFC000  }
0xa0: {  	p1 =	seq.s32 s31, $0x7  }
.Ltmp4:
0xa1: {  	_ = 	snop;
	(pc) =	sbr.rel @p1 .LBB2_8-.Ltmp4, $1  }
0xa2: {  	_ =	sdelay $0x3  }
0xa3: {  	_ =	swait.ge [sflag:s1], $0x4000  }
0xa4: {  	[sflag:s1] =	ssyncset.done $0x0  }
0xa5: {  	[sflag:s1] =	ssyncadd.s32 $0xFFFFC000  }
.LBB2_7:
0xa6: {  	s0 =	smul.u32 $0xE00, s31;
	_ =	sdelay $0x1  }
0xa7: {  	s0 =	sshra.s32 s0, $0x2  }
0xa8: {  	s0 =	sadd.s32 $0x2280, s0  }
0xa9: {  	[tilespmem:s28], [sflag:$0x6] =	stream.indirect.gather [hbm4b:s2+s15], $0x80, s0, s15, $0xb8;
	[tilespmem:$0x1F900] =	vst v63  }
.LBB2_8:
0xaa: {  	s0 =	simm.s32 $0x0  }
0xab: {  	v3 =	vld [tilespmem:s0+$0x3900]  }
0xac: {  	v6 =	vld [tilespmem:s0+$0x3910]  }
0xad: {  	v5 =	vld [tilespmem:s0+$0x3920]  }
0xae: {  	v4 =	vld [tilespmem:s0+$0x3930]  }
0xaf: {  	v1 =	vld [tilespmem:s0+$0x3940]  }
0xb0: {  	v2 =	vld [tilespmem:s0+$0x3950];
	v7 =	vmul.f32 $1.131370830e+01, v3  }
0xb1: {  	s16 =	simm.s32 $0x200;
	v6 =	vmul.f32 $1.131370830e+01, v6;
	v3 =	vld [tilespmem:s0+$0x3960]  }
.LBB2_9:
0xb2: {  	s19 =	sshra.s32 s16, $0x2;
	p1 =	sne.s32 s16, $0xFE00;
	[tilespmem:s0+$0x3900] =	vst v7;
	v5 =	vmul.f32 $1.131370830e+01, v5;
	v7 =	vld [tilespmem:s0+$0x3970]  }
0xb3: {  	v8 =	vld [tilespmem:s19+$0x3900];
	[tilespmem:s0+$0x3910] =	vst v6;
	v4 =	vmul.f32 $1.131370830e+01, v4  }
0xb4: {  	v6 =	vld [tilespmem:s19+$0x3910];
	[tilespmem:s0+$0x3920] =	vst v5;
	v1 =	vmul.f32 $1.131370830e+01, v1  }
.Ltmp5:
0xb5: {  	v5 =	vld [tilespmem:s19+$0x3920];
	[tilespmem:s0+$0x3930] =	vst v4;
	v2 =	vmul.f32 $1.131370830e+01, v2;
	(pc) =	sbr.rel @p1 .LBB2_9-.Ltmp5, $4  }
0xb6: {  	v4 =	vld [tilespmem:s19+$0x3930];
	[tilespmem:s0+$0x3940] =	vst v1;
	v3 =	vmul.f32 $1.131370830e+01, v3  }
0xb7: {  	v1 =	vld [tilespmem:s19+$0x3940];
	[tilespmem:s0+$0x3950] =	vst v2;
	v9 =	vmul.f32 $1.131370830e+01, v7  }
0xb8: {  	v7 =	vmul.f32 $1.131370830e+01, v8;
	v2 =	vld [tilespmem:s19+$0x3950];
	[tilespmem:s0+$0x3960] =	vst v3  }
0xb9: {  	s16 =	sadd.s32 $0x200, s16;
	v6 =	vmul.f32 $1.131370830e+01, v6;
	v3 =	vld [tilespmem:s19+$0x3960];
	[tilespmem:s0+$0x3970] =	vst v9;
	s0 =	smov.u32 s19  }
0xba: {  	[tilespmem:s0+$0x3900] =	vst v7;
	v5 =	vmul.f32 $1.131370830e+01, v5;
	v63 =	vld [tilespmem:s0+$0x3970]  }
0xbb: {  	[tilespmem:s0+$0x3910] =	vst v6;
	v4 =	vmul.f32 $1.131370830e+01, v4  }
0xbc: {  	[tilespmem:s0+$0x3920] =	vst v5;
	v1 =	vmul.f32 $1.131370830e+01, v1  }
0xbd: {  	s16 =	smul.u32 $0x380, s31;
	p1 =	seq.s32 s31, $0x7;
	[tilespmem:s0+$0x3930] =	vst v4;
	v2 =	vmul.f32 $1.131370830e+01, v2  }
.Ltmp6:
0xbe: {  	[tilespmem:s0+$0x3940] =	vst v1;
	v1 =	vmul.f32 $1.131370830e+01, v3;
	(pc) =	sbr.rel @p1 .LBB2_24-.Ltmp6, $4  }
0xbf: {  	s16 =	sadd.s32 s5, s16;
	[tilespmem:s0+$0x3950] =	vst v2;
	v2 =	vmul.f32 $1.131370830e+01, v63  }
0xc0: {  	s16 =	sshll.u32 s16, $0x4;
	[tilespmem:s0+$0x3960] =	vst v1  }
0xc1: {  	s23 =	sadd.s32 s3, s16;
	[tilespmem:s0+$0x3970] =	vst v2  }
0xc2: {  	[hbm4b:s23+s4] =	stream.linear.scatter [tilespmem:s17], [sflag:$0x8], $0x4000, $0x38;
	[tilespmem:$0x1F900] =	vst v63  }
0xc3: {  	_ =	swait.ge [sflag:s20], $0x4000  }
0xc4: {  	[sflag:s20] =	ssyncset.done $0x0  }
0xc5: {  	s0 =	simm.s32 @!p0 $0xE;
	s16 =	smul.u32 $0xE00, s31;
	[sflag:s20] =	ssyncadd.s32 $0xFFFFC000  }
0xc6: {  	_ =	swait.ge @!p0 [sflag:s0], $0x4000  }
0xc7: {  	s16 =	sshra.s32 s16, $0x2;
	[sflag:s0] =	ssyncset.done @!p0 $0x0  }
0xc8: {  	s19 =	simm.s32 $0x0;
	s23 =	sadd.s32 $0x2300, s16;
	[sflag:s0] =	ssyncadd.s32 @!p0 $0xFFFFC000  }
0xc9: {  	[tilespmem:s22], [sflag:$0x7] =	stream.indirect.gather [hbm4b:s2+s15], $0x80, s23, s15, $0xb8;
	[tilespmem:$0x1F900] =	vst v63  }
0xca: {  	v3 =	vld [tilespmem:s19+$0x7900]  }
0xcb: {  	v6 =	vld [tilespmem:s19+$0x7910]  }
0xcc: {  	v5 =	vld [tilespmem:s19+$0x7920]  }
0xcd: {  	v4 =	vld [tilespmem:s19+$0x7930]  }
0xce: {  	v1 =	vld [tilespmem:s19+$0x7940]  }
0xcf: {  	v2 =	vld [tilespmem:s19+$0x7950];
	v7 =	vmul.f32 $1.131370830e+01, v3  }
0xd0: {  	s0 =	simm.s32 $0x200;
	v6 =	vmul.f32 $1.131370830e+01, v6;
	v3 =	vld [tilespmem:s19+$0x7960]  }
.LBB2_12:
0xd1: {  	s21 =	sshra.s32 s0, $0x2;
	p0 =	sne.s32 s0, $0xFE00;
	[tilespmem:s19+$0x7900] =	vst v7;
	v5 =	vmul.f32 $1.131370830e+01, v5;
	v7 =	vld [tilespmem:s19+$0x7970]  }
0xd2: {  	v8 =	vld [tilespmem:s21+$0x7900];
	[tilespmem:s19+$0x7910] =	vst v6;
	v4 =	vmul.f32 $1.131370830e+01, v4  }
0xd3: {  	v6 =	vld [tilespmem:s21+$0x7910];
	[tilespmem:s19+$0x7920] =	vst v5;
	v1 =	vmul.f32 $1.131370830e+01, v1  }
.Ltmp7:
0xd4: {  	v5 =	vld [tilespmem:s21+$0x7920];
	[tilespmem:s19+$0x7930] =	vst v4;
	v2 =	vmul.f32 $1.131370830e+01, v2;
	(pc) =	sbr.rel @p0 .LBB2_12-.Ltmp7, $4  }
0xd5: {  	v4 =	vld [tilespmem:s21+$0x7930];
	[tilespmem:s19+$0x7940] =	vst v1;
	v3 =	vmul.f32 $1.131370830e+01, v3  }
0xd6: {  	v1 =	vld [tilespmem:s21+$0x7940];
	[tilespmem:s19+$0x7950] =	vst v2;
	v9 =	vmul.f32 $1.131370830e+01, v7  }
0xd7: {  	v7 =	vmul.f32 $1.131370830e+01, v8;
	v2 =	vld [tilespmem:s21+$0x7950];
	[tilespmem:s19+$0x7960] =	vst v3  }
0xd8: {  	s0 =	sadd.s32 $0x200, s0;
	v6 =	vmul.f32 $1.131370830e+01, v6;
	v3 =	vld [tilespmem:s21+$0x7960];
	[tilespmem:s19+$0x7970] =	vst v9;
	s19 =	smov.u32 s21  }
0xd9: {  	[tilespmem:s19+$0x7900] =	vst v7;
	v5 =	vmul.f32 $1.131370830e+01, v5;
	v7 =	vld [tilespmem:s19+$0x7970]  }
0xda: {  	[tilespmem:s19+$0x7910] =	vst v6;
	v4 =	vmul.f32 $1.131370830e+01, v4  }
0xdb: {  	[tilespmem:s19+$0x7920] =	vst v5;
	v1 =	vmul.f32 $1.131370830e+01, v1  }
0xdc: {  	s0 =	smul.u32 $0x1C000, s31;
	[tilespmem:s19+$0x7930] =	vst v4;
	v2 =	vmul.f32 $1.131370830e+01, v2  }
0xdd: {  	[tilespmem:s19+$0x7940] =	vst v1;
	v1 =	vmul.f32 $1.131370830e+01, v3  }
0xde: {  	s21 =	sadd.s32 s7, s0;
	[tilespmem:s19+$0x7950] =	vst v2;
	v2 =	vmul.f32 $1.131370830e+01, v7  }
0xdf: {  	s21 =	sshrl.u32 s21, $0x3;
	[tilespmem:s19+$0x7960] =	vst v1  }
0xe0: {  	s23 =	simm.s32 $0x0;
	s21 =	sadd.s32 s3, s21;
	[tilespmem:s19+$0x7970] =	vst v2  }
0xe1: {  	[hbm4b:s21+s23] =	stream.linear.scatter [tilespmem:s30], [sflag:$0x9], $0x4000, $0x38;
	[tilespmem:$0x1F900] =	vst v63  }
0xe2: {  	_ =	swait.ge [sflag:s24], $0x4000  }
0xe3: {  	[sflag:s24] =	ssyncset.done $0x0  }
0xe4: {  	[sflag:s24] =	ssyncadd.s32 $0xFFFFC000  }
0xe5: {  	_ =	swait.ge [sflag:s18], $0x4000  }
0xe6: {  	[sflag:s18] =	ssyncset.done $0x0  }
0xe7: {  	s19 =	simm.s32 $0x0;
	s23 =	sadd.s32 $0x2380, s16;
	[sflag:s18] =	ssyncadd.s32 $0xFFFFC000  }
0xe8: {  	[tilespmem:s17], [sflag:$0x1] =	stream.indirect.gather [hbm4b:s2+s15], $0x80, s23, s15, $0xb8;
	[tilespmem:$0x1F900] =	vst v63  }
0xe9: {  	v4 =	vld [tilespmem:s19+$0xB900]  }
0xea: {  	v6 =	vld [tilespmem:s19+$0xB910]  }
0xeb: {  	v5 =	vld [tilespmem:s19+$0xB920]  }
0xec: {  	v3 =	vld [tilespmem:s19+$0xB930]  }
0xed: {  	v1 =	vld [tilespmem:s19+$0xB940]  }
0xee: {  	v2 =	vld [tilespmem:s19+$0xB950];
	v7 =	vmul.f32 $1.131370830e+01, v4  }
0xef: {  	s21 =	simm.s32 $0x200;
	v6 =	vmul.f32 $1.131370830e+01, v6;
	v4 =	vld [tilespmem:s19+$0xB960]  }
.LBB2_14:
0xf0: {  	s23 =	sshra.s32 s21, $0x2;
	p0 =	sne.s32 s21, $0xFE00;
	[tilespmem:s19+$0xB900] =	vst v7;
	v5 =	vmul.f32 $1.131370830e+01, v5;
	v7 =	vld [tilespmem:s19+$0xB970]  }
0xf1: {  	v8 =	vld [tilespmem:s23+$0xB900];
	[tilespmem:s19+$0xB910] =	vst v6;
	v3 =	vmul.f32 $1.131370830e+01, v3  }
0xf2: {  	v6 =	vld [tilespmem:s23+$0xB910];
	[tilespmem:s19+$0xB920] =	vst v5;
	v1 =	vmul.f32 $1.131370830e+01, v1  }
.Ltmp8:
0xf3: {  	v5 =	vld [tilespmem:s23+$0xB920];
	[tilespmem:s19+$0xB930] =	vst v3;
	v2 =	vmul.f32 $1.131370830e+01, v2;
	(pc) =	sbr.rel @p0 .LBB2_14-.Ltmp8, $4  }
0xf4: {  	v3 =	vld [tilespmem:s23+$0xB930];
	[tilespmem:s19+$0xB940] =	vst v1;
	v4 =	vmul.f32 $1.131370830e+01, v4  }
0xf5: {  	v1 =	vld [tilespmem:s23+$0xB940];
	[tilespmem:s19+$0xB950] =	vst v2;
	v9 =	vmul.f32 $1.131370830e+01, v7  }
0xf6: {  	v7 =	vmul.f32 $1.131370830e+01, v8;
	v2 =	vld [tilespmem:s23+$0xB950];
	[tilespmem:s19+$0xB960] =	vst v4  }
0xf7: {  	s21 =	sadd.s32 $0x200, s21;
	v6 =	vmul.f32 $1.131370830e+01, v6;
	v4 =	vld [tilespmem:s23+$0xB960];
	[tilespmem:s19+$0xB970] =	vst v9;
	s19 =	smov.u32 s23  }
0xf8: {  	[tilespmem:s19+$0xB900] =	vst v7;
	v5 =	vmul.f32 $1.131370830e+01, v5;
	v7 =	vld [tilespmem:s19+$0xB970]  }
0xf9: {  	[tilespmem:s19+$0xB910] =	vst v6;
	v3 =	vmul.f32 $1.131370830e+01, v3  }
0xfa: {  	[tilespmem:s19+$0xB920] =	vst v5;
	v1 =	vmul.f32 $1.131370830e+01, v1  }
0xfb: {  	[tilespmem:s19+$0xB930] =	vst v3;
	v2 =	vmul.f32 $1.131370830e+01, v2  }
0xfc: {  	[tilespmem:s19+$0xB940] =	vst v1;
	v1 =	vmul.f32 $1.131370830e+01, v4  }
0xfd: {  	s21 =	sadd.s32 s8, s0;
	[tilespmem:s19+$0xB950] =	vst v2;
	v2 =	vmul.f32 $1.131370830e+01, v7  }
0xfe: {  	s21 =	sshrl.u32 s21, $0x3;
	[tilespmem:s19+$0xB960] =	vst v1  }
0xff: {  	s23 =	simm.s32 $0xB900;
	s21 =	sadd.s32 s3, s21;
	[tilespmem:s19+$0xB970] =	vst v2  }
0x100: {  	[hbm4b:s21+s4] =	stream.linear.scatter [tilespmem:s23], [sflag:$0xA], $0x4000, $0x38;
	[tilespmem:$0x1F900] =	vst v63  }
0x101: {  	_ =	swait.ge [sflag:s6], $0x4000  }
0x102: {  	p0 =	sgt.u32 s31, $0x5;
	[sflag:s6] =	ssyncset.done $0x0  }
0x103: {  	s19 =	simm.s32 @!p0 $0x9;
	[sflag:s6] =	ssyncadd.s32 $0xFFFFC000  }
0x104: {  	_ =	swait.ge @!p0 [sflag:s19], $0x4000  }
0x105: {  	s21 =	simm.s32 @!p0 $0x80;
	[sflag:s19] =	ssyncset.done @!p0 $0x0  }
0x106: {  	s23 =	simm.s32 @!p0 $0x7900;
	[sflag:s19] =	ssyncadd.s32 @!p0 $0xFFFFC000;
	s19 =	sadd.s32 @!p0 $0x2400, s16  }
0x107: {  	[tilespmem:s23], [sflag:$0x2] =	stream.indirect.gather @!p0 [hbm4b:s2+s21], $0x80, s19, s21, $0xb8;
	[tilespmem:$0x1F900] =	vst v63  }
0x108: {  	s19 =	simm.s32 $0x0  }
0x109: {  	v4 =	vld [tilespmem:s19+$0xF900]  }
0x10a: {  	v6 =	vld [tilespmem:s19+$0xF910]  }
0x10b: {  	v5 =	vld [tilespmem:s19+$0xF920]  }
0x10c: {  	v3 =	vld [tilespmem:s19+$0xF930]  }
0x10d: {  	v1 =	vld [tilespmem:s19+$0xF940]  }
0x10e: {  	v2 =	vld [tilespmem:s19+$0xF950];
	v7 =	vmul.f32 $1.131370830e+01, v4  }
0x10f: {  	s21 =	simm.s32 $0x200;
	v6 =	vmul.f32 $1.131370830e+01, v6;
	v4 =	vld [tilespmem:s19+$0xF960]  }
.LBB2_16:
0x110: {  	s23 =	sshra.s32 s21, $0x2;
	p1 =	sne.s32 s21, $0xFE00;
	[tilespmem:s19+$0xF900] =	vst v7;
	v5 =	vmul.f32 $1.131370830e+01, v5;
	v7 =	vld [tilespmem:s19+$0xF970]  }
0x111: {  	v8 =	vld [tilespmem:s23+$0xF900];
	[tilespmem:s19+$0xF910] =	vst v6;
	v3 =	vmul.f32 $1.131370830e+01, v3  }
0x112: {  	v6 =	vld [tilespmem:s23+$0xF910];
	[tilespmem:s19+$0xF920] =	vst v5;
	v1 =	vmul.f32 $1.131370830e+01, v1  }
.Ltmp9:
0x113: {  	v5 =	vld [tilespmem:s23+$0xF920];
	[tilespmem:s19+$0xF930] =	vst v3;
	v2 =	vmul.f32 $1.131370830e+01, v2;
	(pc) =	sbr.rel @p1 .LBB2_16-.Ltmp9, $4  }
0x114: {  	v3 =	vld [tilespmem:s23+$0xF930];
	[tilespmem:s19+$0xF940] =	vst v1;
	v4 =	vmul.f32 $1.131370830e+01, v4  }
0x115: {  	v1 =	vld [tilespmem:s23+$0xF940];
	[tilespmem:s19+$0xF950] =	vst v2;
	v9 =	vmul.f32 $1.131370830e+01, v7  }
0x116: {  	v7 =	vmul.f32 $1.131370830e+01, v8;
	v2 =	vld [tilespmem:s23+$0xF950];
	[tilespmem:s19+$0xF960] =	vst v4  }
0x117: {  	s21 =	sadd.s32 $0x200, s21;
	v6 =	vmul.f32 $1.131370830e+01, v6;
	v4 =	vld [tilespmem:s23+$0xF960];
	[tilespmem:s19+$0xF970] =	vst v9;
	s19 =	smov.u32 s23  }
0x118: {  	[tilespmem:s19+$0xF900] =	vst v7;
	v5 =	vmul.f32 $1.131370830e+01, v5;
	v7 =	vld [tilespmem:s19+$0xF970]  }
0x119: {  	[tilespmem:s19+$0xF910] =	vst v6;
	v3 =	vmul.f32 $1.131370830e+01, v3  }
0x11a: {  	[tilespmem:s19+$0xF920] =	vst v5;
	v1 =	vmul.f32 $1.131370830e+01, v1  }
0x11b: {  	[tilespmem:s19+$0xF930] =	vst v3;
	v2 =	vmul.f32 $1.131370830e+01, v2  }
0x11c: {  	[tilespmem:s19+$0xF940] =	vst v1;
	v1 =	vmul.f32 $1.131370830e+01, v4  }
0x11d: {  	s21 =	sadd.s32 s9, s0;
	[tilespmem:s19+$0xF950] =	vst v2;
	v2 =	vmul.f32 $1.131370830e+01, v7  }
0x11e: {  	s21 =	sshrl.u32 s21, $0x3;
	[tilespmem:s19+$0xF960] =	vst v1  }
0x11f: {  	s23 =	simm.s32 $0xF900;
	s21 =	sadd.s32 s3, s21;
	[tilespmem:s19+$0xF970] =	vst v2  }
0x120: {  	[hbm4b:s21+s4] =	stream.linear.scatter [tilespmem:s23], [sflag:$0xB], $0x4000, $0x38;
	[tilespmem:$0x1F900] =	vst v63  }
0x121: {  	_ =	swait.ge [sflag:s13], $0x4000  }
0x122: {  	[sflag:s13] =	ssyncset.done $0x0  }
0x123: {  	s19 =	simm.s32 @!p0 $0xA;
	[sflag:s13] =	ssyncadd.s32 $0xFFFFC000  }
0x124: {  	_ =	swait.ge @!p0 [sflag:s19], $0x4000  }
0x125: {  	s21 =	simm.s32 @!p0 $0x80;
	[sflag:s19] =	ssyncset.done @!p0 $0x0  }
0x126: {  	s23 =	simm.s32 @!p0 $0xB900;
	[sflag:s19] =	ssyncadd.s32 @!p0 $0xFFFFC000;
	s19 =	sadd.s32 @!p0 $0x2480, s16  }
0x127: {  	[tilespmem:s23], [sflag:$0x3] =	stream.indirect.gather @!p0 [hbm4b:s2+s21], $0x80, s19, s21, $0xb8;
	[tilespmem:$0x1F900] =	vst v63  }
0x128: {  	s19 =	simm.s32 $0x0  }
0x129: {  	v4 =	vld [tilespmem:s19+$0x13900]  }
0x12a: {  	v6 =	vld [tilespmem:s19+$0x13910]  }
0x12b: {  	v5 =	vld [tilespmem:s19+$0x13920]  }
0x12c: {  	v3 =	vld [tilespmem:s19+$0x13930]  }
0x12d: {  	v1 =	vld [tilespmem:s19+$0x13940]  }
0x12e: {  	v2 =	vld [tilespmem:s19+$0x13950];
	v7 =	vmul.f32 $1.131370830e+01, v4  }
0x12f: {  	s21 =	simm.s32 $0x200;
	v6 =	vmul.f32 $1.131370830e+01, v6;
	v4 =	vld [tilespmem:s19+$0x13960]  }
.LBB2_18:
0x130: {  	s23 =	sshra.s32 s21, $0x2;
	p1 =	sne.s32 s21, $0xFE00;
	[tilespmem:s19+$0x13900] =	vst v7;
	v5 =	vmul.f32 $1.131370830e+01, v5;
	v7 =	vld [tilespmem:s19+$0x13970]  }
0x131: {  	v8 =	vld [tilespmem:s23+$0x13900];
	[tilespmem:s19+$0x13910] =	vst v6;
	v3 =	vmul.f32 $1.131370830e+01, v3  }
0x132: {  	v6 =	vld [tilespmem:s23+$0x13910];
	[tilespmem:s19+$0x13920] =	vst v5;
	v1 =	vmul.f32 $1.131370830e+01, v1  }
.Ltmp10:
0x133: {  	v5 =	vld [tilespmem:s23+$0x13920];
	[tilespmem:s19+$0x13930] =	vst v3;
	v2 =	vmul.f32 $1.131370830e+01, v2;
	(pc) =	sbr.rel @p1 .LBB2_18-.Ltmp10, $4  }
0x134: {  	v3 =	vld [tilespmem:s23+$0x13930];
	[tilespmem:s19+$0x13940] =	vst v1;
	v4 =	vmul.f32 $1.131370830e+01, v4  }
0x135: {  	v1 =	vld [tilespmem:s23+$0x13940];
	[tilespmem:s19+$0x13950] =	vst v2;
	v9 =	vmul.f32 $1.131370830e+01, v7  }
0x136: {  	v7 =	vmul.f32 $1.131370830e+01, v8;
	v2 =	vld [tilespmem:s23+$0x13950];
	[tilespmem:s19+$0x13960] =	vst v4  }
0x137: {  	s21 =	sadd.s32 $0x200, s21;
	v6 =	vmul.f32 $1.131370830e+01, v6;
	v4 =	vld [tilespmem:s23+$0x13960];
	[tilespmem:s19+$0x13970] =	vst v9;
	s19 =	smov.u32 s23  }
0x138: {  	[tilespmem:s19+$0x13900] =	vst v7;
	v5 =	vmul.f32 $1.131370830e+01, v5;
	v7 =	vld [tilespmem:s19+$0x13970]  }
0x139: {  	[tilespmem:s19+$0x13910] =	vst v6;
	v3 =	vmul.f32 $1.131370830e+01, v3  }
0x13a: {  	[tilespmem:s19+$0x13920] =	vst v5;
	v1 =	vmul.f32 $1.131370830e+01, v1  }
0x13b: {  	[tilespmem:s19+$0x13930] =	vst v3;
	v2 =	vmul.f32 $1.131370830e+01, v2  }
0x13c: {  	[tilespmem:s19+$0x13940] =	vst v1;
	v1 =	vmul.f32 $1.131370830e+01, v4  }
0x13d: {  	s21 =	sadd.s32 s10, s0;
	[tilespmem:s19+$0x13950] =	vst v2;
	v2 =	vmul.f32 $1.131370830e+01, v7  }
0x13e: {  	s21 =	sshrl.u32 s21, $0x3;
	[tilespmem:s19+$0x13960] =	vst v1  }
0x13f: {  	s23 =	sadd.s32 s3, s21;
	[tilespmem:s19+$0x13970] =	vst v2  }
0x140: {  	[hbm4b:s23+s4] =	stream.linear.scatter [tilespmem:s25], [sflag:$0xC], $0x4000, $0x38;
	[tilespmem:$0x1F900] =	vst v63  }
0x141: {  	_ =	swait.ge [sflag:s14], $0x4000  }
0x142: {  	[sflag:s14] =	ssyncset.done $0x0  }
0x143: {  	s19 =	simm.s32 @!p0 $0xB;
	[sflag:s14] =	ssyncadd.s32 $0xFFFFC000  }
0x144: {  	_ =	swait.ge @!p0 [sflag:s19], $0x4000  }
0x145: {  	s21 =	simm.s32 @!p0 $0x80;
	[sflag:s19] =	ssyncset.done @!p0 $0x0  }
0x146: {  	s23 =	simm.s32 @!p0 $0xF900;
	[sflag:s19] =	ssyncadd.s32 @!p0 $0xFFFFC000;
	s19 =	sadd.s32 @!p0 $0x2500, s16  }
0x147: {  	[tilespmem:s23], [sflag:$0x4] =	stream.indirect.gather @!p0 [hbm4b:s2+s21], $0x80, s19, s21, $0xb8;
	[tilespmem:$0x1F900] =	vst v63  }
0x148: {  	s19 =	simm.s32 $0x0  }
0x149: {  	v4 =	vld [tilespmem:s19+$0x17900]  }
0x14a: {  	v6 =	vld [tilespmem:s19+$0x17910]  }
0x14b: {  	v5 =	vld [tilespmem:s19+$0x17920]  }
0x14c: {  	v3 =	vld [tilespmem:s19+$0x17930]  }
0x14d: {  	v1 =	vld [tilespmem:s19+$0x17940]  }
0x14e: {  	v2 =	vld [tilespmem:s19+$0x17950];
	v7 =	vmul.f32 $1.131370830e+01, v4  }
0x14f: {  	s21 =	simm.s32 $0x200;
	v6 =	vmul.f32 $1.131370830e+01, v6;
	v4 =	vld [tilespmem:s19+$0x17960]  }
.LBB2_20:
0x150: {  	s23 =	sshra.s32 s21, $0x2;
	p1 =	sne.s32 s21, $0xFE00;
	[tilespmem:s19+$0x17900] =	vst v7;
	v5 =	vmul.f32 $1.131370830e+01, v5;
	v7 =	vld [tilespmem:s19+$0x17970]  }
0x151: {  	v8 =	vld [tilespmem:s23+$0x17900];
	[tilespmem:s19+$0x17910] =	vst v6;
	v3 =	vmul.f32 $1.131370830e+01, v3  }
0x152: {  	v6 =	vld [tilespmem:s23+$0x17910];
	[tilespmem:s19+$0x17920] =	vst v5;
	v1 =	vmul.f32 $1.131370830e+01, v1  }
.Ltmp11:
0x153: {  	v5 =	vld [tilespmem:s23+$0x17920];
	[tilespmem:s19+$0x17930] =	vst v3;
	v2 =	vmul.f32 $1.131370830e+01, v2;
	(pc) =	sbr.rel @p1 .LBB2_20-.Ltmp11, $4  }
0x154: {  	v3 =	vld [tilespmem:s23+$0x17930];
	[tilespmem:s19+$0x17940] =	vst v1;
	v4 =	vmul.f32 $1.131370830e+01, v4  }
0x155: {  	v1 =	vld [tilespmem:s23+$0x17940];
	[tilespmem:s19+$0x17950] =	vst v2;
	v9 =	vmul.f32 $1.131370830e+01, v7  }
0x156: {  	v7 =	vmul.f32 $1.131370830e+01, v8;
	v2 =	vld [tilespmem:s23+$0x17950];
	[tilespmem:s19+$0x17960] =	vst v4  }
0x157: {  	s21 =	sadd.s32 $0x200, s21;
	v6 =	vmul.f32 $1.131370830e+01, v6;
	v4 =	vld [tilespmem:s23+$0x17960];
	[tilespmem:s19+$0x17970] =	vst v9;
	s19 =	smov.u32 s23  }
0x158: {  	[tilespmem:s19+$0x17900] =	vst v7;
	v5 =	vmul.f32 $1.131370830e+01, v5;
	v7 =	vld [tilespmem:s19+$0x17970]  }
0x159: {  	[tilespmem:s19+$0x17910] =	vst v6;
	v3 =	vmul.f32 $1.131370830e+01, v3  }
0x15a: {  	[tilespmem:s19+$0x17920] =	vst v5;
	v1 =	vmul.f32 $1.131370830e+01, v1  }
0x15b: {  	[tilespmem:s19+$0x17930] =	vst v3;
	v2 =	vmul.f32 $1.131370830e+01, v2  }
0x15c: {  	[tilespmem:s19+$0x17940] =	vst v1;
	v1 =	vmul.f32 $1.131370830e+01, v4  }
0x15d: {  	s21 =	sadd.s32 s11, s0;
	[tilespmem:s19+$0x17950] =	vst v2;
	v2 =	vmul.f32 $1.131370830e+01, v7  }
0x15e: {  	s21 =	sshrl.u32 s21, $0x3;
	[tilespmem:s19+$0x17960] =	vst v1  }
0x15f: {  	s23 =	sadd.s32 s3, s21;
	[tilespmem:s19+$0x17970] =	vst v2  }
0x160: {  	[hbm4b:s23+s4] =	stream.linear.scatter [tilespmem:s28], [sflag:$0xD], $0x4000, $0x38;
	[tilespmem:$0x1F900] =	vst v63  }
0x161: {  	_ =	swait.ge [sflag:s29], $0x4000  }
0x162: {  	[sflag:s29] =	ssyncset.done $0x0  }
0x163: {  	s19 =	simm.s32 @!p0 $0xC;
	[sflag:s29] =	ssyncadd.s32 $0xFFFFC000  }
0x164: {  	_ =	swait.ge @!p0 [sflag:s19], $0x4000  }
0x165: {  	s16 =	sadd.s32 @!p0 $0x2580, s16;
	[sflag:s19] =	ssyncset.done @!p0 $0x0  }
0x166: {  	s21 =	simm.s32 @!p0 $0x13900;
	[sflag:s19] =	ssyncadd.s32 @!p0 $0xFFFFC000;
	s19 =	simm.s32 @!p0 $0x80  }
0x167: {  	[tilespmem:s21], [sflag:$0x5] =	stream.indirect.gather @!p0 [hbm4b:s2+s19], $0x80, s16, s19, $0xb8;
	[tilespmem:$0x1F900] =	vst v63  }
0x168: {  	s16 =	simm.s32 $0x0  }
0x169: {  	v4 =	vld [tilespmem:s16+$0x1B900]  }
0x16a: {  	v6 =	vld [tilespmem:s16+$0x1B910]  }
0x16b: {  	v5 =	vld [tilespmem:s16+$0x1B920]  }
0x16c: {  	v3 =	vld [tilespmem:s16+$0x1B930]  }
0x16d: {  	v1 =	vld [tilespmem:s16+$0x1B940]  }
0x16e: {  	v2 =	vld [tilespmem:s16+$0x1B950];
	v7 =	vmul.f32 $1.131370830e+01, v4  }
0x16f: {  	s19 =	simm.s32 $0x200;
	v6 =	vmul.f32 $1.131370830e+01, v6;
	v4 =	vld [tilespmem:s16+$0x1B960]  }
.LBB2_22:
0x170: {  	s21 =	sshra.s32 s19, $0x2;
	p0 =	sne.s32 s19, $0xFE00;
	[tilespmem:s16+$0x1B900] =	vst v7;
	v5 =	vmul.f32 $1.131370830e+01, v5;
	v7 =	vld [tilespmem:s16+$0x1B970]  }
0x171: {  	v8 =	vld [tilespmem:s21+$0x1B900];
	[tilespmem:s16+$0x1B910] =	vst v6;
	v3 =	vmul.f32 $1.131370830e+01, v3  }
0x172: {  	v6 =	vld [tilespmem:s21+$0x1B910];
	[tilespmem:s16+$0x1B920] =	vst v5;
	v1 =	vmul.f32 $1.131370830e+01, v1  }
.Ltmp12:
0x173: {  	v5 =	vld [tilespmem:s21+$0x1B920];
	[tilespmem:s16+$0x1B930] =	vst v3;
	v2 =	vmul.f32 $1.131370830e+01, v2;
	(pc) =	sbr.rel @p0 .LBB2_22-.Ltmp12, $4  }
0x174: {  	v3 =	vld [tilespmem:s21+$0x1B930];
	[tilespmem:s16+$0x1B940] =	vst v1;
	v4 =	vmul.f32 $1.131370830e+01, v4  }
0x175: {  	v1 =	vld [tilespmem:s21+$0x1B940];
	[tilespmem:s16+$0x1B950] =	vst v2;
	v9 =	vmul.f32 $1.131370830e+01, v7  }
0x176: {  	v7 =	vmul.f32 $1.131370830e+01, v8;
	v2 =	vld [tilespmem:s21+$0x1B950];
	[tilespmem:s16+$0x1B960] =	vst v4  }
0x177: {  	s19 =	sadd.s32 $0x200, s19;
	v6 =	vmul.f32 $1.131370830e+01, v6;
	v4 =	vld [tilespmem:s21+$0x1B960];
	[tilespmem:s16+$0x1B970] =	vst v9;
	s16 =	smov.u32 s21  }
0x178: {  	[tilespmem:s16+$0x1B900] =	vst v7;
	v5 =	vmul.f32 $1.131370830e+01, v5;
	v63 =	vld [tilespmem:s16+$0x1B970]  }
0x179: {  	[tilespmem:s16+$0x1B910] =	vst v6;
	v3 =	vmul.f32 $1.131370830e+01, v3  }
0x17a: {  	s31 =	sadd.s32 $0x1, s31;
	[tilespmem:s16+$0x1B920] =	vst v5;
	v1 =	vmul.f32 $1.131370830e+01, v1  }
0x17b: {  	p0 =	sne.s32 s31, $0x8;
	[tilespmem:s16+$0x1B930] =	vst v3;
	v2 =	vmul.f32 $1.131370830e+01, v2  }
.Ltmp13:
0x17c: {  	[tilespmem:s16+$0x1B940] =	vst v1;
	v1 =	vmul.f32 $1.131370830e+01, v4;
	(pc) =	sbr.rel @p0 .LBB2_4-.Ltmp13, $4  }
.Ltmp14:
0x17d: {  	s0 =	sadd.s32 s12, s0;
	[tilespmem:s16+$0x1B950] =	vst v2;
	v2 =	vmul.f32 $1.131370830e+01, v63;
	(pc) =	sbr.rel @!p0 .LBB2_24-.Ltmp14, $4  }
0x17e: {  	s0 =	sshrl.u32 s0, $0x3;
	[tilespmem:s16+$0x1B960] =	vst v1  }
0x17f: {  	s0 =	sadd.s32 s3, s0;
	[tilespmem:s16+$0x1B970] =	vst v2  }
0x180: {  	[hbm4b:s0+s4] =	stream.linear.scatter [tilespmem:s22], [sflag:$0xE], $0x4000, $0x38;
	[tilespmem:$0x1F900] =	vst v63  }
0x181: {  	_ = 	snop  }
.LBB2_25:
0x182: {  	_ =	sfence.sel $0x180000  }
0x183: {  	[bflag:$0x0] =	sbarrier.arrive $0xFFFF  }
0x184: {  	_ =	strace $0x90000047  }
0x185: {  	s0 =	stileid.u32;
	[bflag:$0x2] =	sbarrier.arrive $0xFFFF  }
0x186: {  	p0 =	sne.s32 s0, $0x0;
	s0 =	rddreg [dreg:$0x3]  }
0x187: {  	s0 =	sadd.s32 @!p0 $0x100000, s0  }
0x188: {  	[sflag:s0] =	ssyncadd.tile.s32 @!p0 $0x1;
	_ =	shalt  }
.Lfunc_end2:
_tile_overlayer_lowered:
.L_overlay_start_2:
0x189: {  	(tag) =	ssettag $0x2  }
0x18a: {  	s0 =	rddreg [dreg:$0x0];
	s2 =	stileid.u32  }
0x18b: {  	s1 =	rddreg [dreg:$0x1];
	p0 =	sne.s32 s2, $0x0  }
0x18c: {  	s3 =	rddreg [dreg:$0x2];
	[bflag:$0x3] =	sbarrier.arrive $0xFFFF;
	s2 =	simm.s32 @!p0 $0x1C0F  }
0x18d: {  	[timem:s3], [sflag:s2] =	dma.local @!p0 [hbm:s0], s1  }
0x18e: {  	s0 =	simm.s32 @!p0 $0xF  }
0x18f: {  	_ =	swait.ge @!p0 [sflag:s0], s1  }
0x190: {  	s1 =	ssub.s32 @!p0 $0x0, s1;
	[sflag:s0] =	ssyncset.done @!p0 $0x0  }
0x191: {  	[sflag:s0] =	ssyncadd.s32 @!p0 s1  }
0x192: {  	[bflag:$0x3] =	sbarrier.arrive $0xFFFF  }
0x193: {  	_ =	shalt  }

</sc_bundles>
